<compile_context>
chip_gen: v7x
topology: tpu7x:2x2x1
jax: 0.10.2.dev20260603
libtpu: 0.0.44.dev20260713+nightly
codegen_flags: <defaults>
</compile_context>

<pallas_src>
import jax
import jax.numpy as jnp
from jax import lax
from jax.experimental import pallas as pl
from jax.experimental.pallas import tpu as pltpu, tpu_sc as plsc

_VOCAB = 100000
_DIM = 128
_BATCH = 4096
_SEQ = 50
_SEQ_PAD = 56

_NC = 2
_NS = 16
_NW = _NC * _NS
_BT_PER_W = _BATCH // _NW
_IDX_PER_W = _BT_PER_W * _SEQ_PAD
_NBUF = 8


def _body(xp_hbm, table_hbm, out_hbm, idx_v, rows_v, gsem, ssem):
    wid = lax.axis_index("s") * _NC + lax.axis_index("c")
    base_b = wid * _BT_PER_W
    pltpu.sync_copy(xp_hbm.at[pl.ds(wid * _IDX_PER_W, _IDX_PER_W)], idx_v)

    def gather_start(j, b):
        pltpu.async_copy(
            table_hbm.at[idx_v.at[pl.ds(j * _SEQ_PAD, _SEQ)]],
            rows_v.at[b],
            gsem.at[b],
        )

    def gather_wait(b):
        pltpu.make_async_copy(
            table_hbm.at[idx_v.at[pl.ds(0, _SEQ)]], rows_v.at[b], gsem.at[b]
        ).wait()

    def store_start(j, b):
        pltpu.async_copy(rows_v.at[b], out_hbm.at[base_b + j], ssem.at[b])

    def store_wait(b):
        pltpu.make_async_copy(
            rows_v.at[b], out_hbm.at[base_b], ssem.at[b]
        ).wait()

    for b in range(_NBUF):
        gather_start(b, b)

    n_rounds = _BT_PER_W // _NBUF

    for b in range(_NBUF):
        j = b
        gather_wait(b)
        store_start(j, b)
        if j >= 1:
            pb = b - 1
            store_wait(pb)
            gather_start(j - 1 + _NBUF, pb)

    def round_fn(g, carry):
        for b in range(_NBUF):
            j = g * _NBUF + b
            gather_wait(b)
            store_start(j, b)
            pb = (b - 1) % _NBUF
            store_wait(pb)
            gather_start(j - 1 + _NBUF, pb)
        return carry

    lax.fori_loop(1, n_rounds - 1, round_fn, 0)

    for b in range(_NBUF):
        j = (n_rounds - 1) * _NBUF + b
        gather_wait(b)
        store_start(j, b)
        pb = (b - 1) % _NBUF
        store_wait(pb)
        if j - 1 + _NBUF <= _BT_PER_W - 1:
            gather_start(j - 1 + _NBUF, pb)
    store_wait(_NBUF - 1)


@jax.jit
def _embed(xp_flat, table):
    mesh = plsc.VectorSubcoreMesh(core_axis_name="c", subcore_axis_name="s")
    f = pl.kernel(
        _body,
        out_type=jax.ShapeDtypeStruct((_BATCH, _SEQ, _DIM), jnp.float32),
        mesh=mesh,
        scratch_types=[
            pltpu.VMEM((_IDX_PER_W,), jnp.int32),
            pltpu.VMEM((_NBUF, _SEQ, _DIM), jnp.float32),
            pltpu.SemaphoreType.DMA((_NBUF,)),
            pltpu.SemaphoreType.DMA((_NBUF,)),
        ],
        compiler_params=pltpu.CompilerParams(use_tc_tiling_on_sc=True),
    )
    return f(xp_flat, table)


def kernel(x, table):
    xp = jnp.pad(x.astype(jnp.int32), ((0, 0), (0, _SEQ_PAD - _SEQ)))
    return _embed(xp.reshape(-1), table)

# --- scband reference (transcript-rebuilt; emitter-appended) ---
"""Pipeline reference for scband-word-embedding-model-42949672961752 (READ-ONLY COPY).

The authoritative reference and input builder live on the scoring server;
editing this copy changes nothing except your own understanding.
"""

import jax, jax.numpy as jnp
import numpy as np

VOCAB = 100000
DIM = 128
BATCH = 4096
SEQ = 50
PADDING_IDX = 0


def setup_inputs(seed: int = 0) -> dict:
    key = jax.random.key(seed)
    k_idx, k_tab = jax.random.split(key)
    x = jax.random.randint(k_idx, (BATCH, SEQ), 0, VOCAB, dtype=jnp.int64)
    # Embedding table ~ np.random.rand(vocab, dim) - 0.5 in the torch model
    table = jax.random.uniform(k_tab, (VOCAB, DIM), dtype=jnp.float32) - 0.5
    # nn.Embedding(padding_idx=0) zero-initializes the padding row
    table = table.at[PADDING_IDX].set(0.0)
    return {"x": x, "table": table}


def reference(x, table):
    # WordEmbeddingModel.forward: return self.embedding(x)
    # nn.Embedding forward is a row gather from the weight table.
    return jnp.take(table, x, axis=0)

if __name__ == "__main__":
    import jax
    _d = setup_inputs()
    print(jax.jit(kernel)(*tuple(_d.values())))

</pallas_src>

<mosaic_0001>
#map = affine_map<(d0, d1) -> (0)>
#map1 = affine_map<(d0, d1) -> (0, 0)>
#map2 = affine_map<(d0, d1) -> (0, 0, 0)>
module attributes {stable_mosaic.version = 14 : i64} {
  func.func @_body(%arg0: i32, %arg1: i32, %arg2: memref<229376xi32, #tpu.memory_space<hbm>>, %arg3: memref<100000x128xf32, #tpu.memory_space<hbm>>, %arg4: memref<4096x50x128xf32, #tpu.memory_space<hbm>>, %arg5: memref<7168xi32, #tpu.memory_space<vmem>>, %arg6: memref<8x50x128xf32, #tpu.memory_space<vmem>>, %arg7: memref<8x!tpu.dma_semaphore, #tpu.memory_space<semaphore_mem>>, %arg8: memref<8x!tpu.dma_semaphore, #tpu.memory_space<semaphore_mem>>) attributes {dimension_semantics = [#tpu.dimension_semantics<core_parallel>, #tpu.dimension_semantics<subcore_parallel>], iteration_bounds = array<i64: 2, 16>, scalar_prefetch = 0 : i64, scratch_operands = 4 : i64, tpu.core_type = #tpu.core_type<sc_vector_subcore>, window_params = [{transform_indices = #map}, {transform_indices = #map1}, {transform_indices = #map2}]} {
    %mul3A = arith.constant 2 : i32
    %mul3A_0 = arith.muli %arg1, %mul3A : i32
    %add3A = arith.addi %mul3A_0, %arg0 : i32
    %mul3A_1 = arith.constant 128 : i32
    %mul3A_2 = arith.muli %add3A, %mul3A_1 : i32
    %mul3A_3 = arith.constant 7168 : i32
    %mul3A_4 = arith.muli %add3A, %mul3A_3 : i32
    "tpu.region"() ({
      %run_scoped3A = tpu.sem_alloc : memref<!tpu.dma_semaphore, #tpu.memory_space<semaphore_mem>>
      %dma_start3A_1096 = tpu.memref_slice %arg2[%mul3A_4] : memref<229376xi32, #tpu.memory_space<hbm>> -> memref<7168xi32, #tpu.memory_space<hbm>>
      %dma_start3A_1097 = tpu.memref_slice %arg2[%mul3A_4] : memref<229376xi32, #tpu.memory_space<hbm>> -> memref<7168xi32, #tpu.memory_space<hbm>>
      tpu.enqueue_dma source(%dma_start3A_1097 : memref<7168xi32, #tpu.memory_space<hbm>>) target(%arg5 : memref<7168xi32, #tpu.memory_space<vmem>>) target_semaphore(%run_scoped3A : memref<!tpu.dma_semaphore, #tpu.memory_space<semaphore_mem>>)
      %dma_wait3A_1098 = tpu.memref_slice %arg2[%mul3A_4] : memref<229376xi32, #tpu.memory_space<hbm>> -> memref<7168xi32, #tpu.memory_space<hbm>>
      %dma_wait3A_1099 = tpu.memref_slice %arg2[%mul3A_4] : memref<229376xi32, #tpu.memory_space<hbm>> -> memref<7168xi32, #tpu.memory_space<hbm>>
      tpu.wait_dma2 semaphore(%run_scoped3A : memref<!tpu.dma_semaphore, #tpu.memory_space<semaphore_mem>>) src(%dma_wait3A_1099 : memref<7168xi32, #tpu.memory_space<hbm>>) dst(%arg5 : memref<7168xi32, #tpu.memory_space<vmem>>)
      tpu.yield
    }) : () -> ()
    %dma_start3A = arith.constant 0 : i32
    %dma_start3A_5 = arith.constant 0 : i32
    %dma_start3A_6 = arith.constant 0 : i32
    %dma_start3A_7 = arith.constant 0 : i32
    %dma_start3A_8 = tpu.memref_slice %arg6[%dma_start3A, %dma_start3A_6, %dma_start3A_7] : memref<8x50x128xf32, #tpu.memory_space<vmem>> -> memref<1x50x128xf32, #tpu.memory_space<vmem>>
    %dma_start3A_9 = tpu.memref_squeeze %dma_start3A_8 : memref<1x50x128xf32, #tpu.memory_space<vmem>> -> memref<50x128xf32, #tpu.memory_space<vmem>>
    %dma_start3A_10 = arith.constant 0 : i32
    %dma_start3A_11 = tpu.memref_slice %arg5[%dma_start3A_10] : memref<7168xi32, #tpu.memory_space<vmem>> -> memref<50xi32, #tpu.memory_space<vmem>>
    %dma_start3A_12 = arith.constant 0 : i32
    %dma_start3A_13 = arith.constant 0 : i32
    %dma_start3A_14 = tpu.memref_slice %arg3[%dma_start3A_12, %dma_start3A_13] : memref<100000x128xf32, #tpu.memory_space<hbm>> -> memref<100000x128xf32, #tpu.memory_space<hbm>>
    %dma_start3A_15 = tpu.memref_slice %arg7[%dma_start3A_5] : memref<8x!tpu.dma_semaphore, #tpu.memory_space<semaphore_mem>> -> memref<1x!tpu.dma_semaphore, #tpu.memory_space<semaphore_mem>>
    %dma_start3A_16 = tpu.memref_squeeze %dma_start3A_15 : memref<1x!tpu.dma_semaphore, #tpu.memory_space<semaphore_mem>> -> memref<!tpu.dma_semaphore, #tpu.memory_space<semaphore_mem>>
    tpu.enqueue_indirect_dma source(%dma_start3A_14 : memref<100000x128xf32, #tpu.memory_space<hbm>>) target(%dma_start3A_9 : memref<50x128xf32, #tpu.memory_space<vmem>>) offsets(%dma_start3A_11 : memref<50xi32, #tpu.memory_space<vmem>>) semaphore(%dma_start3A_16 : memref<!tpu.dma_semaphore, #tpu.memory_space<semaphore_mem>>)
    %dma_start3A_17 = arith.constant 1 : i32
    %dma_start3A_18 = arith.constant 1 : i32
    %dma_start3A_19 = arith.constant 0 : i32
    %dma_start3A_20 = arith.constant 0 : i32
    %dma_start3A_21 = tpu.memref_slice %arg6[%dma_start3A_17, %dma_start3A_19, %dma_start3A_20] : memref<8x50x128xf32, #tpu.memory_space<vmem>> -> memref<1x50x128xf32, #tpu.memory_space<vmem>>
    %dma_start3A_22 = tpu.memref_squeeze %dma_start3A_21 : memref<1x50x128xf32, #tpu.memory_space<vmem>> -> memref<50x128xf32, #tpu.memory_space<vmem>>
    %dma_start3A_23 = arith.constant 56 : i32
    %dma_start3A_24 = tpu.memref_slice %arg5[%dma_start3A_23] : memref<7168xi32, #tpu.memory_space<vmem>> -> memref<50xi32, #tpu.memory_space<vmem>>
    %dma_start3A_25 = arith.constant 0 : i32
    %dma_start3A_26 = arith.constant 0 : i32
    %dma_start3A_27 = tpu.memref_slice %arg3[%dma_start3A_25, %dma_start3A_26] : memref<100000x128xf32, #tpu.memory_space<hbm>> -> memref<100000x128xf32, #tpu.memory_space<hbm>>
    %dma_start3A_28 = tpu.memref_slice %arg7[%dma_start3A_18] : memref<8x!tpu.dma_semaphore, #tpu.memory_space<semaphore_mem>> -> memref<1x!tpu.dma_semaphore, #tpu.memory_space<semaphore_mem>>
    %dma_start3A_29 = tpu.memref_squeeze %dma_start3A_28 : memref<1x!tpu.dma_semaphore, #tpu.memory_space<semaphore_mem>> -> memref<!tpu.dma_semaphore, #tpu.memory_space<semaphore_mem>>
    tpu.enqueue_indirect_dma source(%dma_start3A_27 : memref<100000x128xf32, #tpu.memory_space<hbm>>) target(%dma_start3A_22 : memref<50x128xf32, #tpu.memory_space<vmem>>) offsets(%dma_start3A_24 : memref<50xi32, #tpu.memory_space<vmem>>) semaphore(%dma_start3A_29 : memref<!tpu.dma_semaphore, #tpu.memory_space<semaphore_mem>>)
    %dma_start3A_30 = arith.constant 2 : i32
    %dma_start3A_31 = arith.constant 2 : i32
    %dma_start3A_32 = arith.constant 0 : i32
    %dma_start3A_33 = arith.constant 0 : i32
    %dma_start3A_34 = tpu.memref_slice %arg6[%dma_start3A_30, %dma_start3A_32, %dma_start3A_33] : memref<8x50x128xf32, #tpu.memory_space<vmem>> -> memref<1x50x128xf32, #tpu.memory_space<vmem>>
    %dma_start3A_35 = tpu.memref_squeeze %dma_start3A_34 : memref<1x50x128xf32, #tpu.memory_space<vmem>> -> memref<50x128xf32, #tpu.memory_space<vmem>>
    %dma_start3A_36 = arith.constant 112 : i32
    %dma_start3A_37 = tpu.memref_slice %arg5[%dma_start3A_36] : memref<7168xi32, #tpu.memory_space<vmem>> -> memref<50xi32, #tpu.memory_space<vmem>>
    %dma_start3A_38 = arith.constant 0 : i32
    %dma_start3A_39 = arith.constant 0 : i32
    %dma_start3A_40 = tpu.memref_slice %arg3[%dma_start3A_38, %dma_start3A_39] : memref<100000x128xf32, #tpu.memory_space<hbm>> -> memref<100000x128xf32, #tpu.memory_space<hbm>>
    %dma_start3A_41 = tpu.memref_slice %arg7[%dma_start3A_31] : memref<8x!tpu.dma_semaphore, #tpu.memory_space<semaphore_mem>> -> memref<1x!tpu.dma_semaphore, #tpu.memory_space<semaphore_mem>>
    %dma_start3A_42 = tpu.memref_squeeze %dma_start3A_41 : memref<1x!tpu.dma_semaphore, #tpu.memory_space<semaphore_mem>> -> memref<!tpu.dma_semaphore, #tpu.memory_space<semaphore_mem>>
    tpu.enqueue_indirect_dma source(%dma_start3A_40 : memref<100000x128xf32, #tpu.memory_space<hbm>>) target(%dma_start3A_35 : memref<50x128xf32, #tpu.memory_space<vmem>>) offsets(%dma_start3A_37 : memref<50xi32, #tpu.memory_space<vmem>>) semaphore(%dma_start3A_42 : memref<!tpu.dma_semaphore, #tpu.memory_space<semaphore_mem>>)
    %dma_start3A_43 = arith.constant 3 : i32
    %dma_start3A_44 = arith.constant 3 : i32
    %dma_start3A_45 = arith.constant 0 : i32
    %dma_start3A_46 = arith.constant 0 : i32
    %dma_start3A_47 = tpu.memref_slice %arg6[%dma_start3A_43, %dma_start3A_45, %dma_start3A_46] : memref<8x50x128xf32, #tpu.memory_space<vmem>> -> memref<1x50x128xf32, #tpu.memory_space<vmem>>
    %dma_start3A_48 = tpu.memref_squeeze %dma_start3A_47 : memref<1x50x128xf32, #tpu.memory_space<vmem>> -> memref<50x128xf32, #tpu.memory_space<vmem>>
    %dma_start3A_49 = arith.constant 168 : i32
    %dma_start3A_50 = tpu.memref_slice %arg5[%dma_start3A_49] : memref<7168xi32, #tpu.memory_space<vmem>> -> memref<50xi32, #tpu.memory_space<vmem>>
    %dma_start3A_51 = arith.constant 0 : i32
    %dma_start3A_52 = arith.constant 0 : i32
    %dma_start3A_53 = tpu.memref_slice %arg3[%dma_start3A_51, %dma_start3A_52] : memref<100000x128xf32, #tpu.memory_space<hbm>> -> memref<100000x128xf32, #tpu.memory_space<hbm>>
    %dma_start3A_54 = tpu.memref_slice %arg7[%dma_start3A_44] : memref<8x!tpu.dma_semaphore, #tpu.memory_space<semaphore_mem>> -> memref<1x!tpu.dma_semaphore, #tpu.memory_space<semaphore_mem>>
    %dma_start3A_55 = tpu.memref_squeeze %dma_start3A_54 : memref<1x!tpu.dma_semaphore, #tpu.memory_space<semaphore_mem>> -> memref<!tpu.dma_semaphore, #tpu.memory_space<semaphore_mem>>
    tpu.enqueue_indirect_dma source(%dma_start3A_53 : memref<100000x128xf32, #tpu.memory_space<hbm>>) target(%dma_start3A_48 : memref<50x128xf32, #tpu.memory_space<vmem>>) offsets(%dma_start3A_50 : memref<50xi32, #tpu.memory_space<vmem>>) semaphore(%dma_start3A_55 : memref<!tpu.dma_semaphore, #tpu.memory_space<semaphore_mem>>)
    %dma_start3A_56 = arith.constant 4 : i32
    %dma_start3A_57 = arith.constant 4 : i32
    %dma_start3A_58 = arith.constant 0 : i32
    %dma_start3A_59 = arith.constant 0 : i32
    %dma_start3A_60 = tpu.memref_slice %arg6[%dma_start3A_56, %dma_start3A_58, %dma_start3A_59] : memref<8x50x128xf32, #tpu.memory_space<vmem>> -> memref<1x50x128xf32, #tpu.memory_space<vmem>>
    %dma_start3A_61 = tpu.memref_squeeze %dma_start3A_60 : memref<1x50x128xf32, #tpu.memory_space<vmem>> -> memref<50x128xf32, #tpu.memory_space<vmem>>
    %dma_start3A_62 = arith.constant 224 : i32
    %dma_start3A_63 = tpu.memref_slice %arg5[%dma_start3A_62] : memref<7168xi32, #tpu.memory_space<vmem>> -> memref<50xi32, #tpu.memory_space<vmem>>
    %dma_start3A_64 = arith.constant 0 : i32
    %dma_start3A_65 = arith.constant 0 : i32
    %dma_start3A_66 = tpu.memref_slice %arg3[%dma_start3A_64, %dma_start3A_65] : memref<100000x128xf32, #tpu.memory_space<hbm>> -> memref<100000x128xf32, #tpu.memory_space<hbm>>
    %dma_start3A_67 = tpu.memref_slice %arg7[%dma_start3A_57] : memref<8x!tpu.dma_semaphore, #tpu.memory_space<semaphore_mem>> -> memref<1x!tpu.dma_semaphore, #tpu.memory_space<semaphore_mem>>
    %dma_start3A_68 = tpu.memref_squeeze %dma_start3A_67 : memref<1x!tpu.dma_semaphore, #tpu.memory_space<semaphore_mem>> -> memref<!tpu.dma_semaphore, #tpu.memory_space<semaphore_mem>>
    tpu.enqueue_indirect_dma source(%dma_start3A_66 : memref<100000x128xf32, #tpu.memory_space<hbm>>) target(%dma_start3A_61 : memref<50x128xf32, #tpu.memory_space<vmem>>) offsets(%dma_start3A_63 : memref<50xi32, #tpu.memory_space<vmem>>) semaphore(%dma_start3A_68 : memref<!tpu.dma_semaphore, #tpu.memory_space<semaphore_mem>>)
    %dma_start3A_69 = arith.constant 5 : i32
    %dma_start3A_70 = arith.constant 5 : i32
    %dma_start3A_71 = arith.constant 0 : i32
    %dma_start3A_72 = arith.constant 0 : i32
    %dma_start3A_73 = tpu.memref_slice %arg6[%dma_start3A_69, %dma_start3A_71, %dma_start3A_72] : memref<8x50x128xf32, #tpu.memory_space<vmem>> -> memref<1x50x128xf32, #tpu.memory_space<vmem>>
    %dma_start3A_74 = tpu.memref_squeeze %dma_start3A_73 : memref<1x50x128xf32, #tpu.memory_space<vmem>> -> memref<50x128xf32, #tpu.memory_space<vmem>>
    %dma_start3A_75 = arith.constant 280 : i32
    %dma_start3A_76 = tpu.memref_slice %arg5[%dma_start3A_75] : memref<7168xi32, #tpu.memory_space<vmem>> -> memref<50xi32, #tpu.memory_space<vmem>>
    %dma_start3A_77 = arith.constant 0 : i32
    %dma_start3A_78 = arith.constant 0 : i32
    %dma_start3A_79 = tpu.memref_slice %arg3[%dma_start3A_77, %dma_start3A_78] : memref<100000x128xf32, #tpu.memory_space<hbm>> -> memref<100000x128xf32, #tpu.memory_space<hbm>>
    %dma_start3A_80 = tpu.memref_slice %arg7[%dma_start3A_70] : memref<8x!tpu.dma_semaphore, #tpu.memory_space<semaphore_mem>> -> memref<1x!tpu.dma_semaphore, #tpu.memory_space<semaphore_mem>>
    %dma_start3A_81 = tpu.memref_squeeze %dma_start3A_80 : memref<1x!tpu.dma_semaphore, #tpu.memory_space<semaphore_mem>> -> memref<!tpu.dma_semaphore, #tpu.memory_space<semaphore_mem>>
    tpu.enqueue_indirect_dma source(%dma_start3A_79 : memref<100000x128xf32, #tpu.memory_space<hbm>>) target(%dma_start3A_74 : memref<50x128xf32, #tpu.memory_space<vmem>>) offsets(%dma_start3A_76 : memref<50xi32, #tpu.memory_space<vmem>>) semaphore(%dma_start3A_81 : memref<!tpu.dma_semaphore, #tpu.memory_space<semaphore_mem>>)
    %dma_start3A_82 = arith.constant 6 : i32
    %dma_start3A_83 = arith.constant 6 : i32
    %dma_start3A_84 = arith.constant 0 : i32
    %dma_start3A_85 = arith.constant 0 : i32
    %dma_start3A_86 = tpu.memref_slice %arg6[%dma_start3A_82, %dma_start3A_84, %dma_start3A_85] : memref<8x50x128xf32, #tpu.memory_space<vmem>> -> memref<1x50x128xf32, #tpu.memory_space<vmem>>
    %dma_start3A_87 = tpu.memref_squeeze %dma_start3A_86 : memref<1x50x128xf32, #tpu.memory_space<vmem>> -> memref<50x128xf32, #tpu.memory_space<vmem>>
    %dma_start3A_88 = arith.constant 336 : i32
    %dma_start3A_89 = tpu.memref_slice %arg5[%dma_start3A_88] : memref<7168xi32, #tpu.memory_space<vmem>> -> memref<50xi32, #tpu.memory_space<vmem>>
    %dma_start3A_90 = arith.constant 0 : i32
    %dma_start3A_91 = arith.constant 0 : i32
    %dma_start3A_92 = tpu.memref_slice %arg3[%dma_start3A_90, %dma_start3A_91] : memref<100000x128xf32, #tpu.memory_space<hbm>> -> memref<100000x128xf32, #tpu.memory_space<hbm>>
    %dma_start3A_93 = tpu.memref_slice %arg7[%dma_start3A_83] : memref<8x!tpu.dma_semaphore, #tpu.memory_space<semaphore_mem>> -> memref<1x!tpu.dma_semaphore, #tpu.memory_space<semaphore_mem>>
    %dma_start3A_94 = tpu.memref_squeeze %dma_start3A_93 : memref<1x!tpu.dma_semaphore, #tpu.memory_space<semaphore_mem>> -> memref<!tpu.dma_semaphore, #tpu.memory_space<semaphore_mem>>
    tpu.enqueue_indirect_dma source(%dma_start3A_92 : memref<100000x128xf32, #tpu.memory_space<hbm>>) target(%dma_start3A_87 : memref<50x128xf32, #tpu.memory_space<vmem>>) offsets(%dma_start3A_89 : memref<50xi32, #tpu.memory_space<vmem>>) semaphore(%dma_start3A_94 : memref<!tpu.dma_semaphore, #tpu.memory_space<semaphore_mem>>)
    %dma_start3A_95 = arith.constant 7 : i32
    %dma_start3A_96 = arith.constant 7 : i32
    %dma_start3A_97 = arith.constant 0 : i32
    %dma_start3A_98 = arith.constant 0 : i32
    %dma_start3A_99 = tpu.memref_slice %arg6[%dma_start3A_95, %dma_start3A_97, %dma_start3A_98] : memref<8x50x128xf32, #tpu.memory_space<vmem>> -> memref<1x50x128xf32, #tpu.memory_space<vmem>>
    %dma_start3A_100 = tpu.memref_squeeze %dma_start3A_99 : memref<1x50x128xf32, #tpu.memory_space<vmem>> -> memref<50x128xf32, #tpu.memory_space<vmem>>
    %dma_start3A_101 = arith.constant 392 : i32
    %dma_start3A_102 = tpu.memref_slice %arg5[%dma_start3A_101] : memref<7168xi32, #tpu.memory_space<vmem>> -> memref<50xi32, #tpu.memory_space<vmem>>
    %dma_start3A_103 = arith.constant 0 : i32
    %dma_start3A_104 = arith.constant 0 : i32
    %dma_start3A_105 = tpu.memref_slice %arg3[%dma_start3A_103, %dma_start3A_104] : memref<100000x128xf32, #tpu.memory_space<hbm>> -> memref<100000x128xf32, #tpu.memory_space<hbm>>
    %dma_start3A_106 = tpu.memref_slice %arg7[%dma_start3A_96] : memref<8x!tpu.dma_semaphore, #tpu.memory_space<semaphore_mem>> -> memref<1x!tpu.dma_semaphore, #tpu.memory_space<semaphore_mem>>
    %dma_start3A_107 = tpu.memref_squeeze %dma_start3A_106 : memref<1x!tpu.dma_semaphore, #tpu.memory_space<semaphore_mem>> -> memref<!tpu.dma_semaphore, #tpu.memory_space<semaphore_mem>>
    tpu.enqueue_indirect_dma source(%dma_start3A_105 : memref<100000x128xf32, #tpu.memory_space<hbm>>) target(%dma_start3A_100 : memref<50x128xf32, #tpu.memory_space<vmem>>) offsets(%dma_start3A_102 : memref<50xi32, #tpu.memory_space<vmem>>) semaphore(%dma_start3A_107 : memref<!tpu.dma_semaphore, #tpu.memory_space<semaphore_mem>>)
    %dma_wait3A = arith.constant 0 : i32
    %dma_wait3A_108 = arith.constant 0 : i32
    %dma_wait3A_109 = arith.constant 0 : i32
    %dma_wait3A_110 = arith.constant 0 : i32
    %dma_wait3A_111 = tpu.memref_slice %arg6[%dma_wait3A, %dma_wait3A_109, %dma_wait3A_110] : memref<8x50x128xf32, #tpu.memory_space<vmem>> -> memref<1x50x128xf32, #tpu.memory_space<vmem>>
    %dma_wait3A_112 = tpu.memref_squeeze %dma_wait3A_111 : memref<1x50x128xf32, #tpu.memory_space<vmem>> -> memref<50x128xf32, #tpu.memory_space<vmem>>
    %dma_wait3A_113 = arith.constant 0 : i32
    %dma_wait3A_114 = tpu.memref_slice %arg5[%dma_wait3A_113] : memref<7168xi32, #tpu.memory_space<vmem>> -> memref<50xi32, #tpu.memory_space<vmem>>
    %dma_wait3A_115 = arith.constant 0 : i32
    %dma_wait3A_116 = arith.constant 0 : i32
    %dma_wait3A_117 = tpu.memref_slice %arg3[%dma_wait3A_115, %dma_wait3A_116] : memref<100000x128xf32, #tpu.memory_space<hbm>> -> memref<100000x128xf32, #tpu.memory_space<hbm>>
    %dma_wait3A_118 = tpu.memref_slice %arg7[%dma_wait3A_108] : memref<8x!tpu.dma_semaphore, #tpu.memory_space<semaphore_mem>> -> memref<1x!tpu.dma_semaphore, #tpu.memory_space<semaphore_mem>>
    %dma_wait3A_119 = tpu.memref_squeeze %dma_wait3A_118 : memref<1x!tpu.dma_semaphore, #tpu.memory_space<semaphore_mem>> -> memref<!tpu.dma_semaphore, #tpu.memory_space<semaphore_mem>>
    tpu.wait_indirect_dma semaphore(%dma_wait3A_119 : memref<!tpu.dma_semaphore, #tpu.memory_space<semaphore_mem>>) src(%dma_wait3A_117 : memref<100000x128xf32, #tpu.memory_space<hbm>>) dst(%dma_wait3A_112 : memref<50x128xf32, #tpu.memory_space<vmem>>)
    %add3A_120 = arith.constant 0 : i32
    %add3A_121 = arith.addi %mul3A_2, %add3A_120 : i32
    %dma_start3A_122 = arith.constant 0 : i32
    %dma_start3A_123 = arith.constant 0 : i32
    %dma_start3A_124 = arith.constant 0 : i32
    %dma_start3A_125 = arith.constant 0 : i32
    %dma_start3A_126 = tpu.memref_slice %arg6[%dma_start3A_122, %dma_start3A_124, %dma_start3A_125] : memref<8x50x128xf32, #tpu.memory_space<vmem>> -> memref<1x50x128xf32, #tpu.memory_space<vmem>>
    %dma_start3A_127 = tpu.memref_squeeze %dma_start3A_126 : memref<1x50x128xf32, #tpu.memory_space<vmem>> -> memref<50x128xf32, #tpu.memory_space<vmem>>
    %dma_start3A_128 = arith.constant 0 : i32
    %dma_start3A_129 = arith.constant 0 : i32
    %dma_start3A_130 = tpu.memref_slice %arg4[%add3A_121, %dma_start3A_128, %dma_start3A_129] : memref<4096x50x128xf32, #tpu.memory_space<hbm>> -> memref<1x50x128xf32, #tpu.memory_space<hbm>>
    %dma_start3A_131 = tpu.memref_squeeze %dma_start3A_130 : memref<1x50x128xf32, #tpu.memory_space<hbm>> -> memref<50x128xf32, #tpu.memory_space<hbm>>
    %dma_start3A_132 = tpu.memref_slice %arg8[%dma_start3A_123] : memref<8x!tpu.dma_semaphore, #tpu.memory_space<semaphore_mem>> -> memref<1x!tpu.dma_semaphore, #tpu.memory_space<semaphore_mem>>
    %dma_start3A_133 = tpu.memref_squeeze %dma_start3A_132 : memref<1x!tpu.dma_semaphore, #tpu.memory_space<semaphore_mem>> -> memref<!tpu.dma_semaphore, #tpu.memory_space<semaphore_mem>>
    %dma_start3A_134 = arith.constant 0 : i32
    %dma_start3A_135 = arith.constant 0 : i32
    %dma_start3A_136 = tpu.memref_slice %arg4[%add3A_121, %dma_start3A_134, %dma_start3A_135] : memref<4096x50x128xf32, #tpu.memory_space<hbm>> -> memref<1x50x128xf32, #tpu.memory_space<hbm>>
    %dma_start3A_137 = tpu.memref_squeeze %dma_start3A_136 : memref<1x50x128xf32, #tpu.memory_space<hbm>> -> memref<50x128xf32, #tpu.memory_space<hbm>>
    %dma_start3A_138 = arith.constant 0 : i32
    %dma_start3A_139 = arith.constant 0 : i32
    %dma_start3A_140 = tpu.memref_slice %arg6[%dma_start3A_122, %dma_start3A_138, %dma_start3A_139] : memref<8x50x128xf32, #tpu.memory_space<vmem>> -> memref<1x50x128xf32, #tpu.memory_space<vmem>>
    %dma_start3A_141 = tpu.memref_squeeze %dma_start3A_140 : memref<1x50x128xf32, #tpu.memory_space<vmem>> -> memref<50x128xf32, #tpu.memory_space<vmem>>
    tpu.enqueue_dma source(%dma_start3A_141 : memref<50x128xf32, #tpu.memory_space<vmem>>) target(%dma_start3A_137 : memref<50x128xf32, #tpu.memory_space<hbm>>) target_semaphore(%dma_start3A_133 : memref<!tpu.dma_semaphore, #tpu.memory_space<semaphore_mem>>)
    %dma_wait3A_142 = arith.constant 1 : i32
    %dma_wait3A_143 = arith.constant 1 : i32
    %dma_wait3A_144 = arith.constant 0 : i32
    %dma_wait3A_145 = arith.constant 0 : i32
    %dma_wait3A_146 = tpu.memref_slice %arg6[%dma_wait3A_142, %dma_wait3A_144, %dma_wait3A_145] : memref<8x50x128xf32, #tpu.memory_space<vmem>> -> memref<1x50x128xf32, #tpu.memory_space<vmem>>
    %dma_wait3A_147 = tpu.memref_squeeze %dma_wait3A_146 : memref<1x50x128xf32, #tpu.memory_space<vmem>> -> memref<50x128xf32, #tpu.memory_space<vmem>>
    %dma_wait3A_148 = arith.constant 0 : i32
    %dma_wait3A_149 = tpu.memref_slice %arg5[%dma_wait3A_148] : memref<7168xi32, #tpu.memory_space<vmem>> -> memref<50xi32, #tpu.memory_space<vmem>>
    %dma_wait3A_150 = arith.constant 0 : i32
    %dma_wait3A_151 = arith.constant 0 : i32
    %dma_wait3A_152 = tpu.memref_slice %arg3[%dma_wait3A_150, %dma_wait3A_151] : memref<100000x128xf32, #tpu.memory_space<hbm>> -> memref<100000x128xf32, #tpu.memory_space<hbm>>
    %dma_wait3A_153 = tpu.memref_slice %arg7[%dma_wait3A_143] : memref<8x!tpu.dma_semaphore, #tpu.memory_space<semaphore_mem>> -> memref<1x!tpu.dma_semaphore, #tpu.memory_space<semaphore_mem>>
    %dma_wait3A_154 = tpu.memref_squeeze %dma_wait3A_153 : memref<1x!tpu.dma_semaphore, #tpu.memory_space<semaphore_mem>> -> memref<!tpu.dma_semaphore, #tpu.memory_space<semaphore_mem>>
    tpu.wait_indirect_dma semaphore(%dma_wait3A_154 : memref<!tpu.dma_semaphore, #tpu.memory_space<semaphore_mem>>) src(%dma_wait3A_152 : memref<100000x128xf32, #tpu.memory_space<hbm>>) dst(%dma_wait3A_147 : memref<50x128xf32, #tpu.memory_space<vmem>>)
    %add3A_155 = arith.constant 1 : i32
    %add3A_156 = arith.addi %mul3A_2, %add3A_155 : i32
    %dma_start3A_157 = arith.constant 1 : i32
    %dma_start3A_158 = arith.constant 1 : i32
    %dma_start3A_159 = arith.constant 0 : i32
    %dma_start3A_160 = arith.constant 0 : i32
    %dma_start3A_161 = tpu.memref_slice %arg6[%dma_start3A_157, %dma_start3A_159, %dma_start3A_160] : memref<8x50x128xf32, #tpu.memory_space<vmem>> -> memref<1x50x128xf32, #tpu.memory_space<vmem>>
    %dma_start3A_162 = tpu.memref_squeeze %dma_start3A_161 : memref<1x50x128xf32, #tpu.memory_space<vmem>> -> memref<50x128xf32, #tpu.memory_space<vmem>>
    %dma_start3A_163 = arith.constant 0 : i32
    %dma_start3A_164 = arith.constant 0 : i32
    %dma_start3A_165 = tpu.memref_slice %arg4[%add3A_156, %dma_start3A_163, %dma_start3A_164] : memref<4096x50x128xf32, #tpu.memory_space<hbm>> -> memref<1x50x128xf32, #tpu.memory_space<hbm>>
    %dma_start3A_166 = tpu.memref_squeeze %dma_start3A_165 : memref<1x50x128xf32, #tpu.memory_space<hbm>> -> memref<50x128xf32, #tpu.memory_space<hbm>>
    %dma_start3A_167 = tpu.memref_slice %arg8[%dma_start3A_158] : memref<8x!tpu.dma_semaphore, #tpu.memory_space<semaphore_mem>> -> memref<1x!tpu.dma_semaphore, #tpu.memory_space<semaphore_mem>>
    %dma_start3A_168 = tpu.memref_squeeze %dma_start3A_167 : memref<1x!tpu.dma_semaphore, #tpu.memory_space<semaphore_mem>> -> memref<!tpu.dma_semaphore, #tpu.memory_space<semaphore_mem>>
    %dma_start3A_169 = arith.constant 0 : i32
    %dma_start3A_170 = arith.constant 0 : i32
    %dma_start3A_171 = tpu.memref_slice %arg4[%add3A_156, %dma_start3A_169, %dma_start3A_170] : memref<4096x50x128xf32, #tpu.memory_space<hbm>> -> memref<1x50x128xf32, #tpu.memory_space<hbm>>
    %dma_start3A_172 = tpu.memref_squeeze %dma_start3A_171 : memref<1x50x128xf32, #tpu.memory_space<hbm>> -> memref<50x128xf32, #tpu.memory_space<hbm>>
    %dma_start3A_173 = arith.constant 0 : i32
    %dma_start3A_174 = arith.constant 0 : i32
    %dma_start3A_175 = tpu.memref_slice %arg6[%dma_start3A_157, %dma_start3A_173, %dma_start3A_174] : memref<8x50x128xf32, #tpu.memory_space<vmem>> -> memref<1x50x128xf32, #tpu.memory_space<vmem>>
    %dma_start3A_176 = tpu.memref_squeeze %dma_start3A_175 : memref<1x50x128xf32, #tpu.memory_space<vmem>> -> memref<50x128xf32, #tpu.memory_space<vmem>>
    tpu.enqueue_dma source(%dma_start3A_176 : memref<50x128xf32, #tpu.memory_space<vmem>>) target(%dma_start3A_172 : memref<50x128xf32, #tpu.memory_space<hbm>>) target_semaphore(%dma_start3A_168 : memref<!tpu.dma_semaphore, #tpu.memory_space<semaphore_mem>>)
    %dma_wait3A_177 = arith.constant 0 : i32
    %dma_wait3A_178 = arith.constant 0 : i32
    %dma_wait3A_179 = arith.constant 0 : i32
    %dma_wait3A_180 = arith.constant 0 : i32
    %dma_wait3A_181 = tpu.memref_slice %arg6[%dma_wait3A_177, %dma_wait3A_179, %dma_wait3A_180] : memref<8x50x128xf32, #tpu.memory_space<vmem>> -> memref<1x50x128xf32, #tpu.memory_space<vmem>>
    %dma_wait3A_182 = tpu.memref_squeeze %dma_wait3A_181 : memref<1x50x128xf32, #tpu.memory_space<vmem>> -> memref<50x128xf32, #tpu.memory_space<vmem>>
    %dma_wait3A_183 = arith.constant 0 : i32
    %dma_wait3A_184 = arith.constant 0 : i32
    %dma_wait3A_185 = tpu.memref_slice %arg4[%mul3A_2, %dma_wait3A_183, %dma_wait3A_184] : memref<4096x50x128xf32, #tpu.memory_space<hbm>> -> memref<1x50x128xf32, #tpu.memory_space<hbm>>
    %dma_wait3A_186 = tpu.memref_squeeze %dma_wait3A_185 : memref<1x50x128xf32, #tpu.memory_space<hbm>> -> memref<50x128xf32, #tpu.memory_space<hbm>>
    %dma_wait3A_187 = tpu.memref_slice %arg8[%dma_wait3A_178] : memref<8x!tpu.dma_semaphore, #tpu.memory_space<semaphore_mem>> -> memref<1x!tpu.dma_semaphore, #tpu.memory_space<semaphore_mem>>
    %dma_wait3A_188 = tpu.memref_squeeze %dma_wait3A_187 : memref<1x!tpu.dma_semaphore, #tpu.memory_space<semaphore_mem>> -> memref<!tpu.dma_semaphore, #tpu.memory_space<semaphore_mem>>
    %dma_wait3A_189 = arith.constant 0 : i32
    %dma_wait3A_190 = arith.constant 0 : i32
    %dma_wait3A_191 = tpu.memref_slice %arg4[%mul3A_2, %dma_wait3A_189, %dma_wait3A_190] : memref<4096x50x128xf32, #tpu.memory_space<hbm>> -> memref<1x50x128xf32, #tpu.memory_space<hbm>>
    %dma_wait3A_192 = tpu.memref_squeeze %dma_wait3A_191 : memref<1x50x128xf32, #tpu.memory_space<hbm>> -> memref<50x128xf32, #tpu.memory_space<hbm>>
    %dma_wait3A_193 = arith.constant 0 : i32
    %dma_wait3A_194 = arith.constant 0 : i32
    %dma_wait3A_195 = tpu.memref_slice %arg6[%dma_wait3A_177, %dma_wait3A_193, %dma_wait3A_194] : memref<8x50x128xf32, #tpu.memory_space<vmem>> -> memref<1x50x128xf32, #tpu.memory_space<vmem>>
    %dma_wait3A_196 = tpu.memref_squeeze %dma_wait3A_195 : memref<1x50x128xf32, #tpu.memory_space<vmem>> -> memref<50x128xf32, #tpu.memory_space<vmem>>
    tpu.wait_dma2 semaphore(%dma_wait3A_188 : memref<!tpu.dma_semaphore, #tpu.memory_space<semaphore_mem>>) src(%dma_wait3A_196 : memref<50x128xf32, #tpu.memory_space<vmem>>) dst(%dma_wait3A_192 : memref<50x128xf32, #tpu.memory_space<hbm>>)
    %dma_start3A_197 = arith.constant 0 : i32
    %dma_start3A_198 = arith.constant 0 : i32
    %dma_start3A_199 = arith.constant 0 : i32
    %dma_start3A_200 = arith.constant 0 : i32
    %dma_start3A_201 = tpu.memref_slice %arg6[%dma_start3A_197, %dma_start3A_199, %dma_start3A_200] : memref<8x50x128xf32, #tpu.memory_space<vmem>> -> memref<1x50x128xf32, #tpu.memory_space<vmem>>
    %dma_start3A_202 = tpu.memref_squeeze %dma_start3A_201 : memref<1x50x128xf32, #tpu.memory_space<vmem>> -> memref<50x128xf32, #tpu.memory_space<vmem>>
    %dma_start3A_203 = arith.constant 448 : i32
    %dma_start3A_204 = tpu.memref_slice %arg5[%dma_start3A_203] : memref<7168xi32, #tpu.memory_space<vmem>> -> memref<50xi32, #tpu.memory_space<vmem>>
    %dma_start3A_205 = arith.constant 0 : i32
    %dma_start3A_206 = arith.constant 0 : i32
    %dma_start3A_207 = tpu.memref_slice %arg3[%dma_start3A_205, %dma_start3A_206] : memref<100000x128xf32, #tpu.memory_space<hbm>> -> memref<100000x128xf32, #tpu.memory_space<hbm>>
    %dma_start3A_208 = tpu.memref_slice %arg7[%dma_start3A_198] : memref<8x!tpu.dma_semaphore, #tpu.memory_space<semaphore_mem>> -> memref<1x!tpu.dma_semaphore, #tpu.memory_space<semaphore_mem>>
    %dma_start3A_209 = tpu.memref_squeeze %dma_start3A_208 : memref<1x!tpu.dma_semaphore, #tpu.memory_space<semaphore_mem>> -> memref<!tpu.dma_semaphore, #tpu.memory_space<semaphore_mem>>
    tpu.enqueue_indirect_dma source(%dma_start3A_207 : memref<100000x128xf32, #tpu.memory_space<hbm>>) target(%dma_start3A_202 : memref<50x128xf32, #tpu.memory_space<vmem>>) offsets(%dma_start3A_204 : memref<50xi32, #tpu.memory_space<vmem>>) semaphore(%dma_start3A_209 : memref<!tpu.dma_semaphore, #tpu.memory_space<semaphore_mem>>)
    %dma_wait3A_210 = arith.constant 2 : i32
    %dma_wait3A_211 = arith.constant 2 : i32
    %dma_wait3A_212 = arith.constant 0 : i32
    %dma_wait3A_213 = arith.constant 0 : i32
    %dma_wait3A_214 = tpu.memref_slice %arg6[%dma_wait3A_210, %dma_wait3A_212, %dma_wait3A_213] : memref<8x50x128xf32, #tpu.memory_space<vmem>> -> memref<1x50x128xf32, #tpu.memory_space<vmem>>
    %dma_wait3A_215 = tpu.memref_squeeze %dma_wait3A_214 : memref<1x50x128xf32, #tpu.memory_space<vmem>> -> memref<50x128xf32, #tpu.memory_space<vmem>>
    %dma_wait3A_216 = arith.constant 0 : i32
    %dma_wait3A_217 = tpu.memref_slice %arg5[%dma_wait3A_216] : memref<7168xi32, #tpu.memory_space<vmem>> -> memref<50xi32, #tpu.memory_space<vmem>>
    %dma_wait3A_218 = arith.constant 0 : i32
    %dma_wait3A_219 = arith.constant 0 : i32
    %dma_wait3A_220 = tpu.memref_slice %arg3[%dma_wait3A_218, %dma_wait3A_219] : memref<100000x128xf32, #tpu.memory_space<hbm>> -> memref<100000x128xf32, #tpu.memory_space<hbm>>
    %dma_wait3A_221 = tpu.memref_slice %arg7[%dma_wait3A_211] : memref<8x!tpu.dma_semaphore, #tpu.memory_space<semaphore_mem>> -> memref<1x!tpu.dma_semaphore, #tpu.memory_space<semaphore_mem>>
    %dma_wait3A_222 = tpu.memref_squeeze %dma_wait3A_221 : memref<1x!tpu.dma_semaphore, #tpu.memory_space<semaphore_mem>> -> memref<!tpu.dma_semaphore, #tpu.memory_space<semaphore_mem>>
    tpu.wait_indirect_dma semaphore(%dma_wait3A_222 : memref<!tpu.dma_semaphore, #tpu.memory_space<semaphore_mem>>) src(%dma_wait3A_220 : memref<100000x128xf32, #tpu.memory_space<hbm>>) dst(%dma_wait3A_215 : memref<50x128xf32, #tpu.memory_space<vmem>>)
    %add3A_223 = arith.constant 2 : i32
    %add3A_224 = arith.addi %mul3A_2, %add3A_223 : i32
    %dma_start3A_225 = arith.constant 2 : i32
    %dma_start3A_226 = arith.constant 2 : i32
    %dma_start3A_227 = arith.constant 0 : i32
    %dma_start3A_228 = arith.constant 0 : i32
    %dma_start3A_229 = tpu.memref_slice %arg6[%dma_start3A_225, %dma_start3A_227, %dma_start3A_228] : memref<8x50x128xf32, #tpu.memory_space<vmem>> -> memref<1x50x128xf32, #tpu.memory_space<vmem>>
    %dma_start3A_230 = tpu.memref_squeeze %dma_start3A_229 : memref<1x50x128xf32, #tpu.memory_space<vmem>> -> memref<50x128xf32, #tpu.memory_space<vmem>>
    %dma_start3A_231 = arith.constant 0 : i32
    %dma_start3A_232 = arith.constant 0 : i32
    %dma_start3A_233 = tpu.memref_slice %arg4[%add3A_224, %dma_start3A_231, %dma_start3A_232] : memref<4096x50x128xf32, #tpu.memory_space<hbm>> -> memref<1x50x128xf32, #tpu.memory_space<hbm>>
    %dma_start3A_234 = tpu.memref_squeeze %dma_start3A_233 : memref<1x50x128xf32, #tpu.memory_space<hbm>> -> memref<50x128xf32, #tpu.memory_space<hbm>>
    %dma_start3A_235 = tpu.memref_slice %arg8[%dma_start3A_226] : memref<8x!tpu.dma_semaphore, #tpu.memory_space<semaphore_mem>> -> memref<1x!tpu.dma_semaphore, #tpu.memory_space<semaphore_mem>>
    %dma_start3A_236 = tpu.memref_squeeze %dma_start3A_235 : memref<1x!tpu.dma_semaphore, #tpu.memory_space<semaphore_mem>> -> memref<!tpu.dma_semaphore, #tpu.memory_space<semaphore_mem>>
    %dma_start3A_237 = arith.constant 0 : i32
    %dma_start3A_238 = arith.constant 0 : i32
    %dma_start3A_239 = tpu.memref_slice %arg4[%add3A_224, %dma_start3A_237, %dma_start3A_238] : memref<4096x50x128xf32, #tpu.memory_space<hbm>> -> memref<1x50x128xf32, #tpu.memory_space<hbm>>
    %dma_start3A_240 = tpu.memref_squeeze %dma_start3A_239 : memref<1x50x128xf32, #tpu.memory_space<hbm>> -> memref<50x128xf32, #tpu.memory_space<hbm>>
    %dma_start3A_241 = arith.constant 0 : i32
    %dma_start3A_242 = arith.constant 0 : i32
    %dma_start3A_243 = tpu.memref_slice %arg6[%dma_start3A_225, %dma_start3A_241, %dma_start3A_242] : memref<8x50x128xf32, #tpu.memory_space<vmem>> -> memref<1x50x128xf32, #tpu.memory_space<vmem>>
    %dma_start3A_244 = tpu.memref_squeeze %dma_start3A_243 : memref<1x50x128xf32, #tpu.memory_space<vmem>> -> memref<50x128xf32, #tpu.memory_space<vmem>>
    tpu.enqueue_dma source(%dma_start3A_244 : memref<50x128xf32, #tpu.memory_space<vmem>>) target(%dma_start3A_240 : memref<50x128xf32, #tpu.memory_space<hbm>>) target_semaphore(%dma_start3A_236 : memref<!tpu.dma_semaphore, #tpu.memory_space<semaphore_mem>>)
    %dma_wait3A_245 = arith.constant 1 : i32
    %dma_wait3A_246 = arith.constant 1 : i32
    %dma_wait3A_247 = arith.constant 0 : i32
    %dma_wait3A_248 = arith.constant 0 : i32
    %dma_wait3A_249 = tpu.memref_slice %arg6[%dma_wait3A_245, %dma_wait3A_247, %dma_wait3A_248] : memref<8x50x128xf32, #tpu.memory_space<vmem>> -> memref<1x50x128xf32, #tpu.memory_space<vmem>>
    %dma_wait3A_250 = tpu.memref_squeeze %dma_wait3A_249 : memref<1x50x128xf32, #tpu.memory_space<vmem>> -> memref<50x128xf32, #tpu.memory_space<vmem>>
    %dma_wait3A_251 = arith.constant 0 : i32
    %dma_wait3A_252 = arith.constant 0 : i32
    %dma_wait3A_253 = tpu.memref_slice %arg4[%mul3A_2, %dma_wait3A_251, %dma_wait3A_252] : memref<4096x50x128xf32, #tpu.memory_space<hbm>> -> memref<1x50x128xf32, #tpu.memory_space<hbm>>
    %dma_wait3A_254 = tpu.memref_squeeze %dma_wait3A_253 : memref<1x50x128xf32, #tpu.memory_space<hbm>> -> memref<50x128xf32, #tpu.memory_space<hbm>>
    %dma_wait3A_255 = tpu.memref_slice %arg8[%dma_wait3A_246] : memref<8x!tpu.dma_semaphore, #tpu.memory_space<semaphore_mem>> -> memref<1x!tpu.dma_semaphore, #tpu.memory_space<semaphore_mem>>
    %dma_wait3A_256 = tpu.memref_squeeze %dma_wait3A_255 : memref<1x!tpu.dma_semaphore, #tpu.memory_space<semaphore_mem>> -> memref<!tpu.dma_semaphore, #tpu.memory_space<semaphore_mem>>
    %dma_wait3A_257 = arith.constant 0 : i32
    %dma_wait3A_258 = arith.constant 0 : i32
    %dma_wait3A_259 = tpu.memref_slice %arg4[%mul3A_2, %dma_wait3A_257, %dma_wait3A_258] : memref<4096x50x128xf32, #tpu.memory_space<hbm>> -> memref<1x50x128xf32, #tpu.memory_space<hbm>>
    %dma_wait3A_260 = tpu.memref_squeeze %dma_wait3A_259 : memref<1x50x128xf32, #tpu.memory_space<hbm>> -> memref<50x128xf32, #tpu.memory_space<hbm>>
    %dma_wait3A_261 = arith.constant 0 : i32
    %dma_wait3A_262 = arith.constant 0 : i32
    %dma_wait3A_263 = tpu.memref_slice %arg6[%dma_wait3A_245, %dma_wait3A_261, %dma_wait3A_262] : memref<8x50x128xf32, #tpu.memory_space<vmem>> -> memref<1x50x128xf32, #tpu.memory_space<vmem>>
    %dma_wait3A_264 = tpu.memref_squeeze %dma_wait3A_263 : memref<1x50x128xf32, #tpu.memory_space<vmem>> -> memref<50x128xf32, #tpu.memory_space<vmem>>
    tpu.wait_dma2 semaphore(%dma_wait3A_256 : memref<!tpu.dma_semaphore, #tpu.memory_space<semaphore_mem>>) src(%dma_wait3A_264 : memref<50x128xf32, #tpu.memory_space<vmem>>) dst(%dma_wait3A_260 : memref<50x128xf32, #tpu.memory_space<hbm>>)
    %dma_start3A_265 = arith.constant 1 : i32
    %dma_start3A_266 = arith.constant 1 : i32
    %dma_start3A_267 = arith.constant 0 : i32
    %dma_start3A_268 = arith.constant 0 : i32
    %dma_start3A_269 = tpu.memref_slice %arg6[%dma_start3A_265, %dma_start3A_267, %dma_start3A_268] : memref<8x50x128xf32, #tpu.memory_space<vmem>> -> memref<1x50x128xf32, #tpu.memory_space<vmem>>
    %dma_start3A_270 = tpu.memref_squeeze %dma_start3A_269 : memref<1x50x128xf32, #tpu.memory_space<vmem>> -> memref<50x128xf32, #tpu.memory_space<vmem>>
    %dma_start3A_271 = arith.constant 504 : i32
    %dma_start3A_272 = tpu.memref_slice %arg5[%dma_start3A_271] : memref<7168xi32, #tpu.memory_space<vmem>> -> memref<50xi32, #tpu.memory_space<vmem>>
    %dma_start3A_273 = arith.constant 0 : i32
    %dma_start3A_274 = arith.constant 0 : i32
    %dma_start3A_275 = tpu.memref_slice %arg3[%dma_start3A_273, %dma_start3A_274] : memref<100000x128xf32, #tpu.memory_space<hbm>> -> memref<100000x128xf32, #tpu.memory_space<hbm>>
    %dma_start3A_276 = tpu.memref_slice %arg7[%dma_start3A_266] : memref<8x!tpu.dma_semaphore, #tpu.memory_space<semaphore_mem>> -> memref<1x!tpu.dma_semaphore, #tpu.memory_space<semaphore_mem>>
    %dma_start3A_277 = tpu.memref_squeeze %dma_start3A_276 : memref<1x!tpu.dma_semaphore, #tpu.memory_space<semaphore_mem>> -> memref<!tpu.dma_semaphore, #tpu.memory_space<semaphore_mem>>
    tpu.enqueue_indirect_dma source(%dma_start3A_275 : memref<100000x128xf32, #tpu.memory_space<hbm>>) target(%dma_start3A_270 : memref<50x128xf32, #tpu.memory_space<vmem>>) offsets(%dma_start3A_272 : memref<50xi32, #tpu.memory_space<vmem>>) semaphore(%dma_start3A_277 : memref<!tpu.dma_semaphore, #tpu.memory_space<semaphore_mem>>)
    %dma_wait3A_278 = arith.constant 3 : i32
    %dma_wait3A_279 = arith.constant 3 : i32
    %dma_wait3A_280 = arith.constant 0 : i32
    %dma_wait3A_281 = arith.constant 0 : i32
    %dma_wait3A_282 = tpu.memref_slice %arg6[%dma_wait3A_278, %dma_wait3A_280, %dma_wait3A_281] : memref<8x50x128xf32, #tpu.memory_space<vmem>> -> memref<1x50x128xf32, #tpu.memory_space<vmem>>
    %dma_wait3A_283 = tpu.memref_squeeze %dma_wait3A_282 : memref<1x50x128xf32, #tpu.memory_space<vmem>> -> memref<50x128xf32, #tpu.memory_space<vmem>>
    %dma_wait3A_284 = arith.constant 0 : i32
    %dma_wait3A_285 = tpu.memref_slice %arg5[%dma_wait3A_284] : memref<7168xi32, #tpu.memory_space<vmem>> -> memref<50xi32, #tpu.memory_space<vmem>>
    %dma_wait3A_286 = arith.constant 0 : i32
    %dma_wait3A_287 = arith.constant 0 : i32
    %dma_wait3A_288 = tpu.memref_slice %arg3[%dma_wait3A_286, %dma_wait3A_287] : memref<100000x128xf32, #tpu.memory_space<hbm>> -> memref<100000x128xf32, #tpu.memory_space<hbm>>
    %dma_wait3A_289 = tpu.memref_slice %arg7[%dma_wait3A_279] : memref<8x!tpu.dma_semaphore, #tpu.memory_space<semaphore_mem>> -> memref<1x!tpu.dma_semaphore, #tpu.memory_space<semaphore_mem>>
    %dma_wait3A_290 = tpu.memref_squeeze %dma_wait3A_289 : memref<1x!tpu.dma_semaphore, #tpu.memory_space<semaphore_mem>> -> memref<!tpu.dma_semaphore, #tpu.memory_space<semaphore_mem>>
    tpu.wait_indirect_dma semaphore(%dma_wait3A_290 : memref<!tpu.dma_semaphore, #tpu.memory_space<semaphore_mem>>) src(%dma_wait3A_288 : memref<100000x128xf32, #tpu.memory_space<hbm>>) dst(%dma_wait3A_283 : memref<50x128xf32, #tpu.memory_space<vmem>>)
    %add3A_291 = arith.constant 3 : i32
    %add3A_292 = arith.addi %mul3A_2, %add3A_291 : i32
    %dma_start3A_293 = arith.constant 3 : i32
    %dma_start3A_294 = arith.constant 3 : i32
    %dma_start3A_295 = arith.constant 0 : i32
    %dma_start3A_296 = arith.constant 0 : i32
    %dma_start3A_297 = tpu.memref_slice %arg6[%dma_start3A_293, %dma_start3A_295, %dma_start3A_296] : memref<8x50x128xf32, #tpu.memory_space<vmem>> -> memref<1x50x128xf32, #tpu.memory_space<vmem>>
    %dma_start3A_298 = tpu.memref_squeeze %dma_start3A_297 : memref<1x50x128xf32, #tpu.memory_space<vmem>> -> memref<50x128xf32, #tpu.memory_space<vmem>>
    %dma_start3A_299 = arith.constant 0 : i32
    %dma_start3A_300 = arith.constant 0 : i32
    %dma_start3A_301 = tpu.memref_slice %arg4[%add3A_292, %dma_start3A_299, %dma_start3A_300] : memref<4096x50x128xf32, #tpu.memory_space<hbm>> -> memref<1x50x128xf32, #tpu.memory_space<hbm>>
    %dma_start3A_302 = tpu.memref_squeeze %dma_start3A_301 : memref<1x50x128xf32, #tpu.memory_space<hbm>> -> memref<50x128xf32, #tpu.memory_space<hbm>>
    %dma_start3A_303 = tpu.memref_slice %arg8[%dma_start3A_294] : memref<8x!tpu.dma_semaphore, #tpu.memory_space<semaphore_mem>> -> memref<1x!tpu.dma_semaphore, #tpu.memory_space<semaphore_mem>>
    %dma_start3A_304 = tpu.memref_squeeze %dma_start3A_303 : memref<1x!tpu.dma_semaphore, #tpu.memory_space<semaphore_mem>> -> memref<!tpu.dma_semaphore, #tpu.memory_space<semaphore_mem>>
    %dma_start3A_305 = arith.constant 0 : i32
    %dma_start3A_306 = arith.constant 0 : i32
    %dma_start3A_307 = tpu.memref_slice %arg4[%add3A_292, %dma_start3A_305, %dma_start3A_306] : memref<4096x50x128xf32, #tpu.memory_space<hbm>> -> memref<1x50x128xf32, #tpu.memory_space<hbm>>
    %dma_start3A_308 = tpu.memref_squeeze %dma_start3A_307 : memref<1x50x128xf32, #tpu.memory_space<hbm>> -> memref<50x128xf32, #tpu.memory_space<hbm>>
    %dma_start3A_309 = arith.constant 0 : i32
    %dma_start3A_310 = arith.constant 0 : i32
    %dma_start3A_311 = tpu.memref_slice %arg6[%dma_start3A_293, %dma_start3A_309, %dma_start3A_310] : memref<8x50x128xf32, #tpu.memory_space<vmem>> -> memref<1x50x128xf32, #tpu.memory_space<vmem>>
    %dma_start3A_312 = tpu.memref_squeeze %dma_start3A_311 : memref<1x50x128xf32, #tpu.memory_space<vmem>> -> memref<50x128xf32, #tpu.memory_space<vmem>>
    tpu.enqueue_dma source(%dma_start3A_312 : memref<50x128xf32, #tpu.memory_space<vmem>>) target(%dma_start3A_308 : memref<50x128xf32, #tpu.memory_space<hbm>>) target_semaphore(%dma_start3A_304 : memref<!tpu.dma_semaphore, #tpu.memory_space<semaphore_mem>>)
    %dma_wait3A_313 = arith.constant 2 : i32
    %dma_wait3A_314 = arith.constant 2 : i32
    %dma_wait3A_315 = arith.constant 0 : i32
    %dma_wait3A_316 = arith.constant 0 : i32
    %dma_wait3A_317 = tpu.memref_slice %arg6[%dma_wait3A_313, %dma_wait3A_315, %dma_wait3A_316] : memref<8x50x128xf32, #tpu.memory_space<vmem>> -> memref<1x50x128xf32, #tpu.memory_space<vmem>>
    %dma_wait3A_318 = tpu.memref_squeeze %dma_wait3A_317 : memref<1x50x128xf32, #tpu.memory_space<vmem>> -> memref<50x128xf32, #tpu.memory_space<vmem>>
    %dma_wait3A_319 = arith.constant 0 : i32
    %dma_wait3A_320 = arith.constant 0 : i32
    %dma_wait3A_321 = tpu.memref_slice %arg4[%mul3A_2, %dma_wait3A_319, %dma_wait3A_320] : memref<4096x50x128xf32, #tpu.memory_space<hbm>> -> memref<1x50x128xf32, #tpu.memory_space<hbm>>
    %dma_wait3A_322 = tpu.memref_squeeze %dma_wait3A_321 : memref<1x50x128xf32, #tpu.memory_space<hbm>> -> memref<50x128xf32, #tpu.memory_space<hbm>>
    %dma_wait3A_323 = tpu.memref_slice %arg8[%dma_wait3A_314] : memref<8x!tpu.dma_semaphore, #tpu.memory_space<semaphore_mem>> -> memref<1x!tpu.dma_semaphore, #tpu.memory_space<semaphore_mem>>
    %dma_wait3A_324 = tpu.memref_squeeze %dma_wait3A_323 : memref<1x!tpu.dma_semaphore, #tpu.memory_space<semaphore_mem>> -> memref<!tpu.dma_semaphore, #tpu.memory_space<semaphore_mem>>
    %dma_wait3A_325 = arith.constant 0 : i32
    %dma_wait3A_326 = arith.constant 0 : i32
    %dma_wait3A_327 = tpu.memref_slice %arg4[%mul3A_2, %dma_wait3A_325, %dma_wait3A_326] : memref<4096x50x128xf32, #tpu.memory_space<hbm>> -> memref<1x50x128xf32, #tpu.memory_space<hbm>>
    %dma_wait3A_328 = tpu.memref_squeeze %dma_wait3A_327 : memref<1x50x128xf32, #tpu.memory_space<hbm>> -> memref<50x128xf32, #tpu.memory_space<hbm>>
    %dma_wait3A_329 = arith.constant 0 : i32
    %dma_wait3A_330 = arith.constant 0 : i32
    %dma_wait3A_331 = tpu.memref_slice %arg6[%dma_wait3A_313, %dma_wait3A_329, %dma_wait3A_330] : memref<8x50x128xf32, #tpu.memory_space<vmem>> -> memref<1x50x128xf32, #tpu.memory_space<vmem>>
    %dma_wait3A_332 = tpu.memref_squeeze %dma_wait3A_331 : memref<1x50x128xf32, #tpu.memory_space<vmem>> -> memref<50x128xf32, #tpu.memory_space<vmem>>
    tpu.wait_dma2 semaphore(%dma_wait3A_324 : memref<!tpu.dma_semaphore, #tpu.memory_space<semaphore_mem>>) src(%dma_wait3A_332 : memref<50x128xf32, #tpu.memory_space<vmem>>) dst(%dma_wait3A_328 : memref<50x128xf32, #tpu.memory_space<hbm>>)
    %dma_start3A_333 = arith.constant 2 : i32
    %dma_start3A_334 = arith.constant 2 : i32
    %dma_start3A_335 = arith.constant 0 : i32
    %dma_start3A_336 = arith.constant 0 : i32
    %dma_start3A_337 = tpu.memref_slice %arg6[%dma_start3A_333, %dma_start3A_335, %dma_start3A_336] : memref<8x50x128xf32, #tpu.memory_space<vmem>> -> memref<1x50x128xf32, #tpu.memory_space<vmem>>
    %dma_start3A_338 = tpu.memref_squeeze %dma_start3A_337 : memref<1x50x128xf32, #tpu.memory_space<vmem>> -> memref<50x128xf32, #tpu.memory_space<vmem>>
    %dma_start3A_339 = arith.constant 560 : i32
    %dma_start3A_340 = tpu.memref_slice %arg5[%dma_start3A_339] : memref<7168xi32, #tpu.memory_space<vmem>> -> memref<50xi32, #tpu.memory_space<vmem>>
    %dma_start3A_341 = arith.constant 0 : i32
    %dma_start3A_342 = arith.constant 0 : i32
    %dma_start3A_343 = tpu.memref_slice %arg3[%dma_start3A_341, %dma_start3A_342] : memref<100000x128xf32, #tpu.memory_space<hbm>> -> memref<100000x128xf32, #tpu.memory_space<hbm>>
    %dma_start3A_344 = tpu.memref_slice %arg7[%dma_start3A_334] : memref<8x!tpu.dma_semaphore, #tpu.memory_space<semaphore_mem>> -> memref<1x!tpu.dma_semaphore, #tpu.memory_space<semaphore_mem>>
    %dma_start3A_345 = tpu.memref_squeeze %dma_start3A_344 : memref<1x!tpu.dma_semaphore, #tpu.memory_space<semaphore_mem>> -> memref<!tpu.dma_semaphore, #tpu.memory_space<semaphore_mem>>
    tpu.enqueue_indirect_dma source(%dma_start3A_343 : memref<100000x128xf32, #tpu.memory_space<hbm>>) target(%dma_start3A_338 : memref<50x128xf32, #tpu.memory_space<vmem>>) offsets(%dma_start3A_340 : memref<50xi32, #tpu.memory_space<vmem>>) semaphore(%dma_start3A_345 : memref<!tpu.dma_semaphore, #tpu.memory_space<semaphore_mem>>)
    %dma_wait3A_346 = arith.constant 4 : i32
    %dma_wait3A_347 = arith.constant 4 : i32
    %dma_wait3A_348 = arith.constant 0 : i32
    %dma_wait3A_349 = arith.constant 0 : i32
    %dma_wait3A_350 = tpu.memref_slice %arg6[%dma_wait3A_346, %dma_wait3A_348, %dma_wait3A_349] : memref<8x50x128xf32, #tpu.memory_space<vmem>> -> memref<1x50x128xf32, #tpu.memory_space<vmem>>
    %dma_wait3A_351 = tpu.memref_squeeze %dma_wait3A_350 : memref<1x50x128xf32, #tpu.memory_space<vmem>> -> memref<50x128xf32, #tpu.memory_space<vmem>>
    %dma_wait3A_352 = arith.constant 0 : i32
    %dma_wait3A_353 = tpu.memref_slice %arg5[%dma_wait3A_352] : memref<7168xi32, #tpu.memory_space<vmem>> -> memref<50xi32, #tpu.memory_space<vmem>>
    %dma_wait3A_354 = arith.constant 0 : i32
    %dma_wait3A_355 = arith.constant 0 : i32
    %dma_wait3A_356 = tpu.memref_slice %arg3[%dma_wait3A_354, %dma_wait3A_355] : memref<100000x128xf32, #tpu.memory_space<hbm>> -> memref<100000x128xf32, #tpu.memory_space<hbm>>
    %dma_wait3A_357 = tpu.memref_slice %arg7[%dma_wait3A_347] : memref<8x!tpu.dma_semaphore, #tpu.memory_space<semaphore_mem>> -> memref<1x!tpu.dma_semaphore, #tpu.memory_space<semaphore_mem>>
    %dma_wait3A_358 = tpu.memref_squeeze %dma_wait3A_357 : memref<1x!tpu.dma_semaphore, #tpu.memory_space<semaphore_mem>> -> memref<!tpu.dma_semaphore, #tpu.memory_space<semaphore_mem>>
    tpu.wait_indirect_dma semaphore(%dma_wait3A_358 : memref<!tpu.dma_semaphore, #tpu.memory_space<semaphore_mem>>) src(%dma_wait3A_356 : memref<100000x128xf32, #tpu.memory_space<hbm>>) dst(%dma_wait3A_351 : memref<50x128xf32, #tpu.memory_space<vmem>>)
    %add3A_359 = arith.constant 4 : i32
    %add3A_360 = arith.addi %mul3A_2, %add3A_359 : i32
    %dma_start3A_361 = arith.constant 4 : i32
    %dma_start3A_362 = arith.constant 4 : i32
    %dma_start3A_363 = arith.constant 0 : i32
    %dma_start3A_364 = arith.constant 0 : i32
    %dma_start3A_365 = tpu.memref_slice %arg6[%dma_start3A_361, %dma_start3A_363, %dma_start3A_364] : memref<8x50x128xf32, #tpu.memory_space<vmem>> -> memref<1x50x128xf32, #tpu.memory_space<vmem>>
    %dma_start3A_366 = tpu.memref_squeeze %dma_start3A_365 : memref<1x50x128xf32, #tpu.memory_space<vmem>> -> memref<50x128xf32, #tpu.memory_space<vmem>>
    %dma_start3A_367 = arith.constant 0 : i32
    %dma_start3A_368 = arith.constant 0 : i32
    %dma_start3A_369 = tpu.memref_slice %arg4[%add3A_360, %dma_start3A_367, %dma_start3A_368] : memref<4096x50x128xf32, #tpu.memory_space<hbm>> -> memref<1x50x128xf32, #tpu.memory_space<hbm>>
    %dma_start3A_370 = tpu.memref_squeeze %dma_start3A_369 : memref<1x50x128xf32, #tpu.memory_space<hbm>> -> memref<50x128xf32, #tpu.memory_space<hbm>>
    %dma_start3A_371 = tpu.memref_slice %arg8[%dma_start3A_362] : memref<8x!tpu.dma_semaphore, #tpu.memory_space<semaphore_mem>> -> memref<1x!tpu.dma_semaphore, #tpu.memory_space<semaphore_mem>>
    %dma_start3A_372 = tpu.memref_squeeze %dma_start3A_371 : memref<1x!tpu.dma_semaphore, #tpu.memory_space<semaphore_mem>> -> memref<!tpu.dma_semaphore, #tpu.memory_space<semaphore_mem>>
    %dma_start3A_373 = arith.constant 0 : i32
    %dma_start3A_374 = arith.constant 0 : i32
    %dma_start3A_375 = tpu.memref_slice %arg4[%add3A_360, %dma_start3A_373, %dma_start3A_374] : memref<4096x50x128xf32, #tpu.memory_space<hbm>> -> memref<1x50x128xf32, #tpu.memory_space<hbm>>
    %dma_start3A_376 = tpu.memref_squeeze %dma_start3A_375 : memref<1x50x128xf32, #tpu.memory_space<hbm>> -> memref<50x128xf32, #tpu.memory_space<hbm>>
    %dma_start3A_377 = arith.constant 0 : i32
    %dma_start3A_378 = arith.constant 0 : i32
    %dma_start3A_379 = tpu.memref_slice %arg6[%dma_start3A_361, %dma_start3A_377, %dma_start3A_378] : memref<8x50x128xf32, #tpu.memory_space<vmem>> -> memref<1x50x128xf32, #tpu.memory_space<vmem>>
    %dma_start3A_380 = tpu.memref_squeeze %dma_start3A_379 : memref<1x50x128xf32, #tpu.memory_space<vmem>> -> memref<50x128xf32, #tpu.memory_space<vmem>>
    tpu.enqueue_dma source(%dma_start3A_380 : memref<50x128xf32, #tpu.memory_space<vmem>>) target(%dma_start3A_376 : memref<50x128xf32, #tpu.memory_space<hbm>>) target_semaphore(%dma_start3A_372 : memref<!tpu.dma_semaphore, #tpu.memory_space<semaphore_mem>>)
    %dma_wait3A_381 = arith.constant 3 : i32
    %dma_wait3A_382 = arith.constant 3 : i32
    %dma_wait3A_383 = arith.constant 0 : i32
    %dma_wait3A_384 = arith.constant 0 : i32
    %dma_wait3A_385 = tpu.memref_slice %arg6[%dma_wait3A_381, %dma_wait3A_383, %dma_wait3A_384] : memref<8x50x128xf32, #tpu.memory_space<vmem>> -> memref<1x50x128xf32, #tpu.memory_space<vmem>>
    %dma_wait3A_386 = tpu.memref_squeeze %dma_wait3A_385 : memref<1x50x128xf32, #tpu.memory_space<vmem>> -> memref<50x128xf32, #tpu.memory_space<vmem>>
    %dma_wait3A_387 = arith.constant 0 : i32
    %dma_wait3A_388 = arith.constant 0 : i32
    %dma_wait3A_389 = tpu.memref_slice %arg4[%mul3A_2, %dma_wait3A_387, %dma_wait3A_388] : memref<4096x50x128xf32, #tpu.memory_space<hbm>> -> memref<1x50x128xf32, #tpu.memory_space<hbm>>
    %dma_wait3A_390 = tpu.memref_squeeze %dma_wait3A_389 : memref<1x50x128xf32, #tpu.memory_space<hbm>> -> memref<50x128xf32, #tpu.memory_space<hbm>>
    %dma_wait3A_391 = tpu.memref_slice %arg8[%dma_wait3A_382] : memref<8x!tpu.dma_semaphore, #tpu.memory_space<semaphore_mem>> -> memref<1x!tpu.dma_semaphore, #tpu.memory_space<semaphore_mem>>
    %dma_wait3A_392 = tpu.memref_squeeze %dma_wait3A_391 : memref<1x!tpu.dma_semaphore, #tpu.memory_space<semaphore_mem>> -> memref<!tpu.dma_semaphore, #tpu.memory_space<semaphore_mem>>
    %dma_wait3A_393 = arith.constant 0 : i32
    %dma_wait3A_394 = arith.constant 0 : i32
    %dma_wait3A_395 = tpu.memref_slice %arg4[%mul3A_2, %dma_wait3A_393, %dma_wait3A_394] : memref<4096x50x128xf32, #tpu.memory_space<hbm>> -> memref<1x50x128xf32, #tpu.memory_space<hbm>>
    %dma_wait3A_396 = tpu.memref_squeeze %dma_wait3A_395 : memref<1x50x128xf32, #tpu.memory_space<hbm>> -> memref<50x128xf32, #tpu.memory_space<hbm>>
    %dma_wait3A_397 = arith.constant 0 : i32
    %dma_wait3A_398 = arith.constant 0 : i32
    %dma_wait3A_399 = tpu.memref_slice %arg6[%dma_wait3A_381, %dma_wait3A_397, %dma_wait3A_398] : memref<8x50x128xf32, #tpu.memory_space<vmem>> -> memref<1x50x128xf32, #tpu.memory_space<vmem>>
    %dma_wait3A_400 = tpu.memref_squeeze %dma_wait3A_399 : memref<1x50x128xf32, #tpu.memory_space<vmem>> -> memref<50x128xf32, #tpu.memory_space<vmem>>
    tpu.wait_dma2 semaphore(%dma_wait3A_392 : memref<!tpu.dma_semaphore, #tpu.memory_space<semaphore_mem>>) src(%dma_wait3A_400 : memref<50x128xf32, #tpu.memory_space<vmem>>) dst(%dma_wait3A_396 : memref<50x128xf32, #tpu.memory_space<hbm>>)
    %dma_start3A_401 = arith.constant 3 : i32
    %dma_start3A_402 = arith.constant 3 : i32
    %dma_start3A_403 = arith.constant 0 : i32
    %dma_start3A_404 = arith.constant 0 : i32
    %dma_start3A_405 = tpu.memref_slice %arg6[%dma_start3A_401, %dma_start3A_403, %dma_start3A_404] : memref<8x50x128xf32, #tpu.memory_space<vmem>> -> memref<1x50x128xf32, #tpu.memory_space<vmem>>
    %dma_start3A_406 = tpu.memref_squeeze %dma_start3A_405 : memref<1x50x128xf32, #tpu.memory_space<vmem>> -> memref<50x128xf32, #tpu.memory_space<vmem>>
    %dma_start3A_407 = arith.constant 616 : i32
    %dma_start3A_408 = tpu.memref_slice %arg5[%dma_start3A_407] : memref<7168xi32, #tpu.memory_space<vmem>> -> memref<50xi32, #tpu.memory_space<vmem>>
    %dma_start3A_409 = arith.constant 0 : i32
    %dma_start3A_410 = arith.constant 0 : i32
    %dma_start3A_411 = tpu.memref_slice %arg3[%dma_start3A_409, %dma_start3A_410] : memref<100000x128xf32, #tpu.memory_space<hbm>> -> memref<100000x128xf32, #tpu.memory_space<hbm>>
    %dma_start3A_412 = tpu.memref_slice %arg7[%dma_start3A_402] : memref<8x!tpu.dma_semaphore, #tpu.memory_space<semaphore_mem>> -> memref<1x!tpu.dma_semaphore, #tpu.memory_space<semaphore_mem>>
    %dma_start3A_413 = tpu.memref_squeeze %dma_start3A_412 : memref<1x!tpu.dma_semaphore, #tpu.memory_space<semaphore_mem>> -> memref<!tpu.dma_semaphore, #tpu.memory_space<semaphore_mem>>
    tpu.enqueue_indirect_dma source(%dma_start3A_411 : memref<100000x128xf32, #tpu.memory_space<hbm>>) target(%dma_start3A_406 : memref<50x128xf32, #tpu.memory_space<vmem>>) offsets(%dma_start3A_408 : memref<50xi32, #tpu.memory_space<vmem>>) semaphore(%dma_start3A_413 : memref<!tpu.dma_semaphore, #tpu.memory_space<semaphore_mem>>)
    %dma_wait3A_414 = arith.constant 5 : i32
    %dma_wait3A_415 = arith.constant 5 : i32
    %dma_wait3A_416 = arith.constant 0 : i32
    %dma_wait3A_417 = arith.constant 0 : i32
    %dma_wait3A_418 = tpu.memref_slice %arg6[%dma_wait3A_414, %dma_wait3A_416, %dma_wait3A_417] : memref<8x50x128xf32, #tpu.memory_space<vmem>> -> memref<1x50x128xf32, #tpu.memory_space<vmem>>
    %dma_wait3A_419 = tpu.memref_squeeze %dma_wait3A_418 : memref<1x50x128xf32, #tpu.memory_space<vmem>> -> memref<50x128xf32, #tpu.memory_space<vmem>>
    %dma_wait3A_420 = arith.constant 0 : i32
    %dma_wait3A_421 = tpu.memref_slice %arg5[%dma_wait3A_420] : memref<7168xi32, #tpu.memory_space<vmem>> -> memref<50xi32, #tpu.memory_space<vmem>>
    %dma_wait3A_422 = arith.constant 0 : i32
    %dma_wait3A_423 = arith.constant 0 : i32
    %dma_wait3A_424 = tpu.memref_slice %arg3[%dma_wait3A_422, %dma_wait3A_423] : memref<100000x128xf32, #tpu.memory_space<hbm>> -> memref<100000x128xf32, #tpu.memory_space<hbm>>
    %dma_wait3A_425 = tpu.memref_slice %arg7[%dma_wait3A_415] : memref<8x!tpu.dma_semaphore, #tpu.memory_space<semaphore_mem>> -> memref<1x!tpu.dma_semaphore, #tpu.memory_space<semaphore_mem>>
    %dma_wait3A_426 = tpu.memref_squeeze %dma_wait3A_425 : memref<1x!tpu.dma_semaphore, #tpu.memory_space<semaphore_mem>> -> memref<!tpu.dma_semaphore, #tpu.memory_space<semaphore_mem>>
    tpu.wait_indirect_dma semaphore(%dma_wait3A_426 : memref<!tpu.dma_semaphore, #tpu.memory_space<semaphore_mem>>) src(%dma_wait3A_424 : memref<100000x128xf32, #tpu.memory_space<hbm>>) dst(%dma_wait3A_419 : memref<50x128xf32, #tpu.memory_space<vmem>>)
    %add3A_427 = arith.constant 5 : i32
    %add3A_428 = arith.addi %mul3A_2, %add3A_427 : i32
    %dma_start3A_429 = arith.constant 5 : i32
    %dma_start3A_430 = arith.constant 5 : i32
    %dma_start3A_431 = arith.constant 0 : i32
    %dma_start3A_432 = arith.constant 0 : i32
    %dma_start3A_433 = tpu.memref_slice %arg6[%dma_start3A_429, %dma_start3A_431, %dma_start3A_432] : memref<8x50x128xf32, #tpu.memory_space<vmem>> -> memref<1x50x128xf32, #tpu.memory_space<vmem>>
    %dma_start3A_434 = tpu.memref_squeeze %dma_start3A_433 : memref<1x50x128xf32, #tpu.memory_space<vmem>> -> memref<50x128xf32, #tpu.memory_space<vmem>>
    %dma_start3A_435 = arith.constant 0 : i32
    %dma_start3A_436 = arith.constant 0 : i32
    %dma_start3A_437 = tpu.memref_slice %arg4[%add3A_428, %dma_start3A_435, %dma_start3A_436] : memref<4096x50x128xf32, #tpu.memory_space<hbm>> -> memref<1x50x128xf32, #tpu.memory_space<hbm>>
    %dma_start3A_438 = tpu.memref_squeeze %dma_start3A_437 : memref<1x50x128xf32, #tpu.memory_space<hbm>> -> memref<50x128xf32, #tpu.memory_space<hbm>>
    %dma_start3A_439 = tpu.memref_slice %arg8[%dma_start3A_430] : memref<8x!tpu.dma_semaphore, #tpu.memory_space<semaphore_mem>> -> memref<1x!tpu.dma_semaphore, #tpu.memory_space<semaphore_mem>>
    %dma_start3A_440 = tpu.memref_squeeze %dma_start3A_439 : memref<1x!tpu.dma_semaphore, #tpu.memory_space<semaphore_mem>> -> memref<!tpu.dma_semaphore, #tpu.memory_space<semaphore_mem>>
    %dma_start3A_441 = arith.constant 0 : i32
    %dma_start3A_442 = arith.constant 0 : i32
    %dma_start3A_443 = tpu.memref_slice %arg4[%add3A_428, %dma_start3A_441, %dma_start3A_442] : memref<4096x50x128xf32, #tpu.memory_space<hbm>> -> memref<1x50x128xf32, #tpu.memory_space<hbm>>
    %dma_start3A_444 = tpu.memref_squeeze %dma_start3A_443 : memref<1x50x128xf32, #tpu.memory_space<hbm>> -> memref<50x128xf32, #tpu.memory_space<hbm>>
    %dma_start3A_445 = arith.constant 0 : i32
    %dma_start3A_446 = arith.constant 0 : i32
    %dma_start3A_447 = tpu.memref_slice %arg6[%dma_start3A_429, %dma_start3A_445, %dma_start3A_446] : memref<8x50x128xf32, #tpu.memory_space<vmem>> -> memref<1x50x128xf32, #tpu.memory_space<vmem>>
    %dma_start3A_448 = tpu.memref_squeeze %dma_start3A_447 : memref<1x50x128xf32, #tpu.memory_space<vmem>> -> memref<50x128xf32, #tpu.memory_space<vmem>>
    tpu.enqueue_dma source(%dma_start3A_448 : memref<50x128xf32, #tpu.memory_space<vmem>>) target(%dma_start3A_444 : memref<50x128xf32, #tpu.memory_space<hbm>>) target_semaphore(%dma_start3A_440 : memref<!tpu.dma_semaphore, #tpu.memory_space<semaphore_mem>>)
    %dma_wait3A_449 = arith.constant 4 : i32
    %dma_wait3A_450 = arith.constant 4 : i32
    %dma_wait3A_451 = arith.constant 0 : i32
    %dma_wait3A_452 = arith.constant 0 : i32
    %dma_wait3A_453 = tpu.memref_slice %arg6[%dma_wait3A_449, %dma_wait3A_451, %dma_wait3A_452] : memref<8x50x128xf32, #tpu.memory_space<vmem>> -> memref<1x50x128xf32, #tpu.memory_space<vmem>>
    %dma_wait3A_454 = tpu.memref_squeeze %dma_wait3A_453 : memref<1x50x128xf32, #tpu.memory_space<vmem>> -> memref<50x128xf32, #tpu.memory_space<vmem>>
    %dma_wait3A_455 = arith.constant 0 : i32
    %dma_wait3A_456 = arith.constant 0 : i32
    %dma_wait3A_457 = tpu.memref_slice %arg4[%mul3A_2, %dma_wait3A_455, %dma_wait3A_456] : memref<4096x50x128xf32, #tpu.memory_space<hbm>> -> memref<1x50x128xf32, #tpu.memory_space<hbm>>
    %dma_wait3A_458 = tpu.memref_squeeze %dma_wait3A_457 : memref<1x50x128xf32, #tpu.memory_space<hbm>> -> memref<50x128xf32, #tpu.memory_space<hbm>>
    %dma_wait3A_459 = tpu.memref_slice %arg8[%dma_wait3A_450] : memref<8x!tpu.dma_semaphore, #tpu.memory_space<semaphore_mem>> -> memref<1x!tpu.dma_semaphore, #tpu.memory_space<semaphore_mem>>
    %dma_wait3A_460 = tpu.memref_squeeze %dma_wait3A_459 : memref<1x!tpu.dma_semaphore, #tpu.memory_space<semaphore_mem>> -> memref<!tpu.dma_semaphore, #tpu.memory_space<semaphore_mem>>
    %dma_wait3A_461 = arith.constant 0 : i32
    %dma_wait3A_462 = arith.constant 0 : i32
    %dma_wait3A_463 = tpu.memref_slice %arg4[%mul3A_2, %dma_wait3A_461, %dma_wait3A_462] : memref<4096x50x128xf32, #tpu.memory_space<hbm>> -> memref<1x50x128xf32, #tpu.memory_space<hbm>>
    %dma_wait3A_464 = tpu.memref_squeeze %dma_wait3A_463 : memref<1x50x128xf32, #tpu.memory_space<hbm>> -> memref<50x128xf32, #tpu.memory_space<hbm>>
    %dma_wait3A_465 = arith.constant 0 : i32
    %dma_wait3A_466 = arith.constant 0 : i32
    %dma_wait3A_467 = tpu.memref_slice %arg6[%dma_wait3A_449, %dma_wait3A_465, %dma_wait3A_466] : memref<8x50x128xf32, #tpu.memory_space<vmem>> -> memref<1x50x128xf32, #tpu.memory_space<vmem>>
    %dma_wait3A_468 = tpu.memref_squeeze %dma_wait3A_467 : memref<1x50x128xf32, #tpu.memory_space<vmem>> -> memref<50x128xf32, #tpu.memory_space<vmem>>
    tpu.wait_dma2 semaphore(%dma_wait3A_460 : memref<!tpu.dma_semaphore, #tpu.memory_space<semaphore_mem>>) src(%dma_wait3A_468 : memref<50x128xf32, #tpu.memory_space<vmem>>) dst(%dma_wait3A_464 : memref<50x128xf32, #tpu.memory_space<hbm>>)
    %dma_start3A_469 = arith.constant 4 : i32
    %dma_start3A_470 = arith.constant 4 : i32
    %dma_start3A_471 = arith.constant 0 : i32
    %dma_start3A_472 = arith.constant 0 : i32
    %dma_start3A_473 = tpu.memref_slice %arg6[%dma_start3A_469, %dma_start3A_471, %dma_start3A_472] : memref<8x50x128xf32, #tpu.memory_space<vmem>> -> memref<1x50x128xf32, #tpu.memory_space<vmem>>
    %dma_start3A_474 = tpu.memref_squeeze %dma_start3A_473 : memref<1x50x128xf32, #tpu.memory_space<vmem>> -> memref<50x128xf32, #tpu.memory_space<vmem>>
    %dma_start3A_475 = arith.constant 672 : i32
    %dma_start3A_476 = tpu.memref_slice %arg5[%dma_start3A_475] : memref<7168xi32, #tpu.memory_space<vmem>> -> memref<50xi32, #tpu.memory_space<vmem>>
    %dma_start3A_477 = arith.constant 0 : i32
    %dma_start3A_478 = arith.constant 0 : i32
    %dma_start3A_479 = tpu.memref_slice %arg3[%dma_start3A_477, %dma_start3A_478] : memref<100000x128xf32, #tpu.memory_space<hbm>> -> memref<100000x128xf32, #tpu.memory_space<hbm>>
    %dma_start3A_480 = tpu.memref_slice %arg7[%dma_start3A_470] : memref<8x!tpu.dma_semaphore, #tpu.memory_space<semaphore_mem>> -> memref<1x!tpu.dma_semaphore, #tpu.memory_space<semaphore_mem>>
    %dma_start3A_481 = tpu.memref_squeeze %dma_start3A_480 : memref<1x!tpu.dma_semaphore, #tpu.memory_space<semaphore_mem>> -> memref<!tpu.dma_semaphore, #tpu.memory_space<semaphore_mem>>
    tpu.enqueue_indirect_dma source(%dma_start3A_479 : memref<100000x128xf32, #tpu.memory_space<hbm>>) target(%dma_start3A_474 : memref<50x128xf32, #tpu.memory_space<vmem>>) offsets(%dma_start3A_476 : memref<50xi32, #tpu.memory_space<vmem>>) semaphore(%dma_start3A_481 : memref<!tpu.dma_semaphore, #tpu.memory_space<semaphore_mem>>)
    %dma_wait3A_482 = arith.constant 6 : i32
    %dma_wait3A_483 = arith.constant 6 : i32
    %dma_wait3A_484 = arith.constant 0 : i32
    %dma_wait3A_485 = arith.constant 0 : i32
    %dma_wait3A_486 = tpu.memref_slice %arg6[%dma_wait3A_482, %dma_wait3A_484, %dma_wait3A_485] : memref<8x50x128xf32, #tpu.memory_space<vmem>> -> memref<1x50x128xf32, #tpu.memory_space<vmem>>
    %dma_wait3A_487 = tpu.memref_squeeze %dma_wait3A_486 : memref<1x50x128xf32, #tpu.memory_space<vmem>> -> memref<50x128xf32, #tpu.memory_space<vmem>>
    %dma_wait3A_488 = arith.constant 0 : i32
    %dma_wait3A_489 = tpu.memref_slice %arg5[%dma_wait3A_488] : memref<7168xi32, #tpu.memory_space<vmem>> -> memref<50xi32, #tpu.memory_space<vmem>>
    %dma_wait3A_490 = arith.constant 0 : i32
    %dma_wait3A_491 = arith.constant 0 : i32
    %dma_wait3A_492 = tpu.memref_slice %arg3[%dma_wait3A_490, %dma_wait3A_491] : memref<100000x128xf32, #tpu.memory_space<hbm>> -> memref<100000x128xf32, #tpu.memory_space<hbm>>
    %dma_wait3A_493 = tpu.memref_slice %arg7[%dma_wait3A_483] : memref<8x!tpu.dma_semaphore, #tpu.memory_space<semaphore_mem>> -> memref<1x!tpu.dma_semaphore, #tpu.memory_space<semaphore_mem>>
    %dma_wait3A_494 = tpu.memref_squeeze %dma_wait3A_493 : memref<1x!tpu.dma_semaphore, #tpu.memory_space<semaphore_mem>> -> memref<!tpu.dma_semaphore, #tpu.memory_space<semaphore_mem>>
    tpu.wait_indirect_dma semaphore(%dma_wait3A_494 : memref<!tpu.dma_semaphore, #tpu.memory_space<semaphore_mem>>) src(%dma_wait3A_492 : memref<100000x128xf32, #tpu.memory_space<hbm>>) dst(%dma_wait3A_487 : memref<50x128xf32, #tpu.memory_space<vmem>>)
    %add3A_495 = arith.constant 6 : i32
    %add3A_496 = arith.addi %mul3A_2, %add3A_495 : i32
    %dma_start3A_497 = arith.constant 6 : i32
    %dma_start3A_498 = arith.constant 6 : i32
    %dma_start3A_499 = arith.constant 0 : i32
    %dma_start3A_500 = arith.constant 0 : i32
    %dma_start3A_501 = tpu.memref_slice %arg6[%dma_start3A_497, %dma_start3A_499, %dma_start3A_500] : memref<8x50x128xf32, #tpu.memory_space<vmem>> -> memref<1x50x128xf32, #tpu.memory_space<vmem>>
    %dma_start3A_502 = tpu.memref_squeeze %dma_start3A_501 : memref<1x50x128xf32, #tpu.memory_space<vmem>> -> memref<50x128xf32, #tpu.memory_space<vmem>>
    %dma_start3A_503 = arith.constant 0 : i32
    %dma_start3A_504 = arith.constant 0 : i32
    %dma_start3A_505 = tpu.memref_slice %arg4[%add3A_496, %dma_start3A_503, %dma_start3A_504] : memref<4096x50x128xf32, #tpu.memory_space<hbm>> -> memref<1x50x128xf32, #tpu.memory_space<hbm>>
    %dma_start3A_506 = tpu.memref_squeeze %dma_start3A_505 : memref<1x50x128xf32, #tpu.memory_space<hbm>> -> memref<50x128xf32, #tpu.memory_space<hbm>>
    %dma_start3A_507 = tpu.memref_slice %arg8[%dma_start3A_498] : memref<8x!tpu.dma_semaphore, #tpu.memory_space<semaphore_mem>> -> memref<1x!tpu.dma_semaphore, #tpu.memory_space<semaphore_mem>>
    %dma_start3A_508 = tpu.memref_squeeze %dma_start3A_507 : memref<1x!tpu.dma_semaphore, #tpu.memory_space<semaphore_mem>> -> memref<!tpu.dma_semaphore, #tpu.memory_space<semaphore_mem>>
    %dma_start3A_509 = arith.constant 0 : i32
    %dma_start3A_510 = arith.constant 0 : i32
    %dma_start3A_511 = tpu.memref_slice %arg4[%add3A_496, %dma_start3A_509, %dma_start3A_510] : memref<4096x50x128xf32, #tpu.memory_space<hbm>> -> memref<1x50x128xf32, #tpu.memory_space<hbm>>
    %dma_start3A_512 = tpu.memref_squeeze %dma_start3A_511 : memref<1x50x128xf32, #tpu.memory_space<hbm>> -> memref<50x128xf32, #tpu.memory_space<hbm>>
    %dma_start3A_513 = arith.constant 0 : i32
    %dma_start3A_514 = arith.constant 0 : i32
    %dma_start3A_515 = tpu.memref_slice %arg6[%dma_start3A_497, %dma_start3A_513, %dma_start3A_514] : memref<8x50x128xf32, #tpu.memory_space<vmem>> -> memref<1x50x128xf32, #tpu.memory_space<vmem>>
    %dma_start3A_516 = tpu.memref_squeeze %dma_start3A_515 : memref<1x50x128xf32, #tpu.memory_space<vmem>> -> memref<50x128xf32, #tpu.memory_space<vmem>>
    tpu.enqueue_dma source(%dma_start3A_516 : memref<50x128xf32, #tpu.memory_space<vmem>>) target(%dma_start3A_512 : memref<50x128xf32, #tpu.memory_space<hbm>>) target_semaphore(%dma_start3A_508 : memref<!tpu.dma_semaphore, #tpu.memory_space<semaphore_mem>>)
    %dma_wait3A_517 = arith.constant 5 : i32
    %dma_wait3A_518 = arith.constant 5 : i32
    %dma_wait3A_519 = arith.constant 0 : i32
    %dma_wait3A_520 = arith.constant 0 : i32
    %dma_wait3A_521 = tpu.memref_slice %arg6[%dma_wait3A_517, %dma_wait3A_519, %dma_wait3A_520] : memref<8x50x128xf32, #tpu.memory_space<vmem>> -> memref<1x50x128xf32, #tpu.memory_space<vmem>>
    %dma_wait3A_522 = tpu.memref_squeeze %dma_wait3A_521 : memref<1x50x128xf32, #tpu.memory_space<vmem>> -> memref<50x128xf32, #tpu.memory_space<vmem>>
    %dma_wait3A_523 = arith.constant 0 : i32
    %dma_wait3A_524 = arith.constant 0 : i32
    %dma_wait3A_525 = tpu.memref_slice %arg4[%mul3A_2, %dma_wait3A_523, %dma_wait3A_524] : memref<4096x50x128xf32, #tpu.memory_space<hbm>> -> memref<1x50x128xf32, #tpu.memory_space<hbm>>
    %dma_wait3A_526 = tpu.memref_squeeze %dma_wait3A_525 : memref<1x50x128xf32, #tpu.memory_space<hbm>> -> memref<50x128xf32, #tpu.memory_space<hbm>>
    %dma_wait3A_527 = tpu.memref_slice %arg8[%dma_wait3A_518] : memref<8x!tpu.dma_semaphore, #tpu.memory_space<semaphore_mem>> -> memref<1x!tpu.dma_semaphore, #tpu.memory_space<semaphore_mem>>
    %dma_wait3A_528 = tpu.memref_squeeze %dma_wait3A_527 : memref<1x!tpu.dma_semaphore, #tpu.memory_space<semaphore_mem>> -> memref<!tpu.dma_semaphore, #tpu.memory_space<semaphore_mem>>
    %dma_wait3A_529 = arith.constant 0 : i32
    %dma_wait3A_530 = arith.constant 0 : i32
    %dma_wait3A_531 = tpu.memref_slice %arg4[%mul3A_2, %dma_wait3A_529, %dma_wait3A_530] : memref<4096x50x128xf32, #tpu.memory_space<hbm>> -> memref<1x50x128xf32, #tpu.memory_space<hbm>>
    %dma_wait3A_532 = tpu.memref_squeeze %dma_wait3A_531 : memref<1x50x128xf32, #tpu.memory_space<hbm>> -> memref<50x128xf32, #tpu.memory_space<hbm>>
    %dma_wait3A_533 = arith.constant 0 : i32
    %dma_wait3A_534 = arith.constant 0 : i32
    %dma_wait3A_535 = tpu.memref_slice %arg6[%dma_wait3A_517, %dma_wait3A_533, %dma_wait3A_534] : memref<8x50x128xf32, #tpu.memory_space<vmem>> -> memref<1x50x128xf32, #tpu.memory_space<vmem>>
    %dma_wait3A_536 = tpu.memref_squeeze %dma_wait3A_535 : memref<1x50x128xf32, #tpu.memory_space<vmem>> -> memref<50x128xf32, #tpu.memory_space<vmem>>
    tpu.wait_dma2 semaphore(%dma_wait3A_528 : memref<!tpu.dma_semaphore, #tpu.memory_space<semaphore_mem>>) src(%dma_wait3A_536 : memref<50x128xf32, #tpu.memory_space<vmem>>) dst(%dma_wait3A_532 : memref<50x128xf32, #tpu.memory_space<hbm>>)
    %dma_start3A_537 = arith.constant 5 : i32
    %dma_start3A_538 = arith.constant 5 : i32
    %dma_start3A_539 = arith.constant 0 : i32
    %dma_start3A_540 = arith.constant 0 : i32
    %dma_start3A_541 = tpu.memref_slice %arg6[%dma_start3A_537, %dma_start3A_539, %dma_start3A_540] : memref<8x50x128xf32, #tpu.memory_space<vmem>> -> memref<1x50x128xf32, #tpu.memory_space<vmem>>
    %dma_start3A_542 = tpu.memref_squeeze %dma_start3A_541 : memref<1x50x128xf32, #tpu.memory_space<vmem>> -> memref<50x128xf32, #tpu.memory_space<vmem>>
    %dma_start3A_543 = arith.constant 728 : i32
    %dma_start3A_544 = tpu.memref_slice %arg5[%dma_start3A_543] : memref<7168xi32, #tpu.memory_space<vmem>> -> memref<50xi32, #tpu.memory_space<vmem>>
    %dma_start3A_545 = arith.constant 0 : i32
    %dma_start3A_546 = arith.constant 0 : i32
    %dma_start3A_547 = tpu.memref_slice %arg3[%dma_start3A_545, %dma_start3A_546] : memref<100000x128xf32, #tpu.memory_space<hbm>> -> memref<100000x128xf32, #tpu.memory_space<hbm>>
    %dma_start3A_548 = tpu.memref_slice %arg7[%dma_start3A_538] : memref<8x!tpu.dma_semaphore, #tpu.memory_space<semaphore_mem>> -> memref<1x!tpu.dma_semaphore, #tpu.memory_space<semaphore_mem>>
    %dma_start3A_549 = tpu.memref_squeeze %dma_start3A_548 : memref<1x!tpu.dma_semaphore, #tpu.memory_space<semaphore_mem>> -> memref<!tpu.dma_semaphore, #tpu.memory_space<semaphore_mem>>
    tpu.enqueue_indirect_dma source(%dma_start3A_547 : memref<100000x128xf32, #tpu.memory_space<hbm>>) target(%dma_start3A_542 : memref<50x128xf32, #tpu.memory_space<vmem>>) offsets(%dma_start3A_544 : memref<50xi32, #tpu.memory_space<vmem>>) semaphore(%dma_start3A_549 : memref<!tpu.dma_semaphore, #tpu.memory_space<semaphore_mem>>)
    %dma_wait3A_550 = arith.constant 7 : i32
    %dma_wait3A_551 = arith.constant 7 : i32
    %dma_wait3A_552 = arith.constant 0 : i32
    %dma_wait3A_553 = arith.constant 0 : i32
    %dma_wait3A_554 = tpu.memref_slice %arg6[%dma_wait3A_550, %dma_wait3A_552, %dma_wait3A_553] : memref<8x50x128xf32, #tpu.memory_space<vmem>> -> memref<1x50x128xf32, #tpu.memory_space<vmem>>
    %dma_wait3A_555 = tpu.memref_squeeze %dma_wait3A_554 : memref<1x50x128xf32, #tpu.memory_space<vmem>> -> memref<50x128xf32, #tpu.memory_space<vmem>>
    %dma_wait3A_556 = arith.constant 0 : i32
    %dma_wait3A_557 = tpu.memref_slice %arg5[%dma_wait3A_556] : memref<7168xi32, #tpu.memory_space<vmem>> -> memref<50xi32, #tpu.memory_space<vmem>>
    %dma_wait3A_558 = arith.constant 0 : i32
    %dma_wait3A_559 = arith.constant 0 : i32
    %dma_wait3A_560 = tpu.memref_slice %arg3[%dma_wait3A_558, %dma_wait3A_559] : memref<100000x128xf32, #tpu.memory_space<hbm>> -> memref<100000x128xf32, #tpu.memory_space<hbm>>
    %dma_wait3A_561 = tpu.memref_slice %arg7[%dma_wait3A_551] : memref<8x!tpu.dma_semaphore, #tpu.memory_space<semaphore_mem>> -> memref<1x!tpu.dma_semaphore, #tpu.memory_space<semaphore_mem>>
    %dma_wait3A_562 = tpu.memref_squeeze %dma_wait3A_561 : memref<1x!tpu.dma_semaphore, #tpu.memory_space<semaphore_mem>> -> memref<!tpu.dma_semaphore, #tpu.memory_space<semaphore_mem>>
    tpu.wait_indirect_dma semaphore(%dma_wait3A_562 : memref<!tpu.dma_semaphore, #tpu.memory_space<semaphore_mem>>) src(%dma_wait3A_560 : memref<100000x128xf32, #tpu.memory_space<hbm>>) dst(%dma_wait3A_555 : memref<50x128xf32, #tpu.memory_space<vmem>>)
    %add3A_563 = arith.constant 7 : i32
    %add3A_564 = arith.addi %mul3A_2, %add3A_563 : i32
    %dma_start3A_565 = arith.constant 7 : i32
    %dma_start3A_566 = arith.constant 7 : i32
    %dma_start3A_567 = arith.constant 0 : i32
    %dma_start3A_568 = arith.constant 0 : i32
    %dma_start3A_569 = tpu.memref_slice %arg6[%dma_start3A_565, %dma_start3A_567, %dma_start3A_568] : memref<8x50x128xf32, #tpu.memory_space<vmem>> -> memref<1x50x128xf32, #tpu.memory_space<vmem>>
    %dma_start3A_570 = tpu.memref_squeeze %dma_start3A_569 : memref<1x50x128xf32, #tpu.memory_space<vmem>> -> memref<50x128xf32, #tpu.memory_space<vmem>>
    %dma_start3A_571 = arith.constant 0 : i32
    %dma_start3A_572 = arith.constant 0 : i32
    %dma_start3A_573 = tpu.memref_slice %arg4[%add3A_564, %dma_start3A_571, %dma_start3A_572] : memref<4096x50x128xf32, #tpu.memory_space<hbm>> -> memref<1x50x128xf32, #tpu.memory_space<hbm>>
    %dma_start3A_574 = tpu.memref_squeeze %dma_start3A_573 : memref<1x50x128xf32, #tpu.memory_space<hbm>> -> memref<50x128xf32, #tpu.memory_space<hbm>>
    %dma_start3A_575 = tpu.memref_slice %arg8[%dma_start3A_566] : memref<8x!tpu.dma_semaphore, #tpu.memory_space<semaphore_mem>> -> memref<1x!tpu.dma_semaphore, #tpu.memory_space<semaphore_mem>>
    %dma_start3A_576 = tpu.memref_squeeze %dma_start3A_575 : memref<1x!tpu.dma_semaphore, #tpu.memory_space<semaphore_mem>> -> memref<!tpu.dma_semaphore, #tpu.memory_space<semaphore_mem>>
    %dma_start3A_577 = arith.constant 0 : i32
    %dma_start3A_578 = arith.constant 0 : i32
    %dma_start3A_579 = tpu.memref_slice %arg4[%add3A_564, %dma_start3A_577, %dma_start3A_578] : memref<4096x50x128xf32, #tpu.memory_space<hbm>> -> memref<1x50x128xf32, #tpu.memory_space<hbm>>
    %dma_start3A_580 = tpu.memref_squeeze %dma_start3A_579 : memref<1x50x128xf32, #tpu.memory_space<hbm>> -> memref<50x128xf32, #tpu.memory_space<hbm>>
    %dma_start3A_581 = arith.constant 0 : i32
    %dma_start3A_582 = arith.constant 0 : i32
    %dma_start3A_583 = tpu.memref_slice %arg6[%dma_start3A_565, %dma_start3A_581, %dma_start3A_582] : memref<8x50x128xf32, #tpu.memory_space<vmem>> -> memref<1x50x128xf32, #tpu.memory_space<vmem>>
    %dma_start3A_584 = tpu.memref_squeeze %dma_start3A_583 : memref<1x50x128xf32, #tpu.memory_space<vmem>> -> memref<50x128xf32, #tpu.memory_space<vmem>>
    tpu.enqueue_dma source(%dma_start3A_584 : memref<50x128xf32, #tpu.memory_space<vmem>>) target(%dma_start3A_580 : memref<50x128xf32, #tpu.memory_space<hbm>>) target_semaphore(%dma_start3A_576 : memref<!tpu.dma_semaphore, #tpu.memory_space<semaphore_mem>>)
    %dma_wait3A_585 = arith.constant 6 : i32
    %dma_wait3A_586 = arith.constant 6 : i32
    %dma_wait3A_587 = arith.constant 0 : i32
    %dma_wait3A_588 = arith.constant 0 : i32
    %dma_wait3A_589 = tpu.memref_slice %arg6[%dma_wait3A_585, %dma_wait3A_587, %dma_wait3A_588] : memref<8x50x128xf32, #tpu.memory_space<vmem>> -> memref<1x50x128xf32, #tpu.memory_space<vmem>>
    %dma_wait3A_590 = tpu.memref_squeeze %dma_wait3A_589 : memref<1x50x128xf32, #tpu.memory_space<vmem>> -> memref<50x128xf32, #tpu.memory_space<vmem>>
    %dma_wait3A_591 = arith.constant 0 : i32
    %dma_wait3A_592 = arith.constant 0 : i32
    %dma_wait3A_593 = tpu.memref_slice %arg4[%mul3A_2, %dma_wait3A_591, %dma_wait3A_592] : memref<4096x50x128xf32, #tpu.memory_space<hbm>> -> memref<1x50x128xf32, #tpu.memory_space<hbm>>
    %dma_wait3A_594 = tpu.memref_squeeze %dma_wait3A_593 : memref<1x50x128xf32, #tpu.memory_space<hbm>> -> memref<50x128xf32, #tpu.memory_space<hbm>>
    %dma_wait3A_595 = tpu.memref_slice %arg8[%dma_wait3A_586] : memref<8x!tpu.dma_semaphore, #tpu.memory_space<semaphore_mem>> -> memref<1x!tpu.dma_semaphore, #tpu.memory_space<semaphore_mem>>
    %dma_wait3A_596 = tpu.memref_squeeze %dma_wait3A_595 : memref<1x!tpu.dma_semaphore, #tpu.memory_space<semaphore_mem>> -> memref<!tpu.dma_semaphore, #tpu.memory_space<semaphore_mem>>
    %dma_wait3A_597 = arith.constant 0 : i32
    %dma_wait3A_598 = arith.constant 0 : i32
    %dma_wait3A_599 = tpu.memref_slice %arg4[%mul3A_2, %dma_wait3A_597, %dma_wait3A_598] : memref<4096x50x128xf32, #tpu.memory_space<hbm>> -> memref<1x50x128xf32, #tpu.memory_space<hbm>>
    %dma_wait3A_600 = tpu.memref_squeeze %dma_wait3A_599 : memref<1x50x128xf32, #tpu.memory_space<hbm>> -> memref<50x128xf32, #tpu.memory_space<hbm>>
    %dma_wait3A_601 = arith.constant 0 : i32
    %dma_wait3A_602 = arith.constant 0 : i32
    %dma_wait3A_603 = tpu.memref_slice %arg6[%dma_wait3A_585, %dma_wait3A_601, %dma_wait3A_602] : memref<8x50x128xf32, #tpu.memory_space<vmem>> -> memref<1x50x128xf32, #tpu.memory_space<vmem>>
    %dma_wait3A_604 = tpu.memref_squeeze %dma_wait3A_603 : memref<1x50x128xf32, #tpu.memory_space<vmem>> -> memref<50x128xf32, #tpu.memory_space<vmem>>
    tpu.wait_dma2 semaphore(%dma_wait3A_596 : memref<!tpu.dma_semaphore, #tpu.memory_space<semaphore_mem>>) src(%dma_wait3A_604 : memref<50x128xf32, #tpu.memory_space<vmem>>) dst(%dma_wait3A_600 : memref<50x128xf32, #tpu.memory_space<hbm>>)
    %dma_start3A_605 = arith.constant 6 : i32
    %dma_start3A_606 = arith.constant 6 : i32
    %dma_start3A_607 = arith.constant 0 : i32
    %dma_start3A_608 = arith.constant 0 : i32
    %dma_start3A_609 = tpu.memref_slice %arg6[%dma_start3A_605, %dma_start3A_607, %dma_start3A_608] : memref<8x50x128xf32, #tpu.memory_space<vmem>> -> memref<1x50x128xf32, #tpu.memory_space<vmem>>
    %dma_start3A_610 = tpu.memref_squeeze %dma_start3A_609 : memref<1x50x128xf32, #tpu.memory_space<vmem>> -> memref<50x128xf32, #tpu.memory_space<vmem>>
    %dma_start3A_611 = arith.constant 784 : i32
    %dma_start3A_612 = tpu.memref_slice %arg5[%dma_start3A_611] : memref<7168xi32, #tpu.memory_space<vmem>> -> memref<50xi32, #tpu.memory_space<vmem>>
    %dma_start3A_613 = arith.constant 0 : i32
    %dma_start3A_614 = arith.constant 0 : i32
    %dma_start3A_615 = tpu.memref_slice %arg3[%dma_start3A_613, %dma_start3A_614] : memref<100000x128xf32, #tpu.memory_space<hbm>> -> memref<100000x128xf32, #tpu.memory_space<hbm>>
    %dma_start3A_616 = tpu.memref_slice %arg7[%dma_start3A_606] : memref<8x!tpu.dma_semaphore, #tpu.memory_space<semaphore_mem>> -> memref<1x!tpu.dma_semaphore, #tpu.memory_space<semaphore_mem>>
    %dma_start3A_617 = tpu.memref_squeeze %dma_start3A_616 : memref<1x!tpu.dma_semaphore, #tpu.memory_space<semaphore_mem>> -> memref<!tpu.dma_semaphore, #tpu.memory_space<semaphore_mem>>
    tpu.enqueue_indirect_dma source(%dma_start3A_615 : memref<100000x128xf32, #tpu.memory_space<hbm>>) target(%dma_start3A_610 : memref<50x128xf32, #tpu.memory_space<vmem>>) offsets(%dma_start3A_612 : memref<50xi32, #tpu.memory_space<vmem>>) semaphore(%dma_start3A_617 : memref<!tpu.dma_semaphore, #tpu.memory_space<semaphore_mem>>)
    %scan3A = arith.constant 0 : i32
    %scan3A_618 = arith.constant 1 : i32
    %scan3A_619 = arith.constant 14 : i32
    %scan3A_620 = arith.addi %scan3A_618, %scan3A_619 : i32
    %scan3A_621 = arith.constant 1 : i32
    scf.for %scan3A_1096 = %scan3A_618 to %scan3A_620 step %scan3A_621  : i32 {
      %mul3A_1097 = arith.constant 8 : i32
      %mul3A_1098 = arith.muli %scan3A_1096, %mul3A_1097 : i32
      %add3A_1099 = arith.constant 0 : i32
      %add3A_1100 = arith.addi %mul3A_1098, %add3A_1099 : i32
      %dma_wait3A_1101 = arith.constant 0 : i32
      %dma_wait3A_1102 = arith.constant 0 : i32
      %dma_wait3A_1103 = arith.constant 0 : i32
      %dma_wait3A_1104 = arith.constant 0 : i32
      %dma_wait3A_1105 = tpu.memref_slice %arg6[%dma_wait3A_1101, %dma_wait3A_1103, %dma_wait3A_1104] : memref<8x50x128xf32, #tpu.memory_space<vmem>> -> memref<1x50x128xf32, #tpu.memory_space<vmem>>
      %dma_wait3A_1106 = tpu.memref_squeeze %dma_wait3A_1105 : memref<1x50x128xf32, #tpu.memory_space<vmem>> -> memref<50x128xf32, #tpu.memory_space<vmem>>
      %dma_wait3A_1107 = arith.constant 0 : i32
      %dma_wait3A_1108 = tpu.memref_slice %arg5[%dma_wait3A_1107] : memref<7168xi32, #tpu.memory_space<vmem>> -> memref<50xi32, #tpu.memory_space<vmem>>
      %dma_wait3A_1109 = arith.constant 0 : i32
      %dma_wait3A_1110 = arith.constant 0 : i32
      %dma_wait3A_1111 = tpu.memref_slice %arg3[%dma_wait3A_1109, %dma_wait3A_1110] : memref<100000x128xf32, #tpu.memory_space<hbm>> -> memref<100000x128xf32, #tpu.memory_space<hbm>>
      %dma_wait3A_1112 = tpu.memref_slice %arg7[%dma_wait3A_1102] : memref<8x!tpu.dma_semaphore, #tpu.memory_space<semaphore_mem>> -> memref<1x!tpu.dma_semaphore, #tpu.memory_space<semaphore_mem>>
      %dma_wait3A_1113 = tpu.memref_squeeze %dma_wait3A_1112 : memref<1x!tpu.dma_semaphore, #tpu.memory_space<semaphore_mem>> -> memref<!tpu.dma_semaphore, #tpu.memory_space<semaphore_mem>>
      tpu.wait_indirect_dma semaphore(%dma_wait3A_1113 : memref<!tpu.dma_semaphore, #tpu.memory_space<semaphore_mem>>) src(%dma_wait3A_1111 : memref<100000x128xf32, #tpu.memory_space<hbm>>) dst(%dma_wait3A_1106 : memref<50x128xf32, #tpu.memory_space<vmem>>)
      %add3A_1114 = arith.addi %mul3A_2, %add3A_1100 : i32
      %dma_start3A_1115 = arith.constant 0 : i32
      %dma_start3A_1116 = arith.constant 0 : i32
      %dma_start3A_1117 = arith.constant 0 : i32
      %dma_start3A_1118 = arith.constant 0 : i32
      %dma_start3A_1119 = tpu.memref_slice %arg6[%dma_start3A_1115, %dma_start3A_1117, %dma_start3A_1118] : memref<8x50x128xf32, #tpu.memory_space<vmem>> -> memref<1x50x128xf32, #tpu.memory_space<vmem>>
      %dma_start3A_1120 = tpu.memref_squeeze %dma_start3A_1119 : memref<1x50x128xf32, #tpu.memory_space<vmem>> -> memref<50x128xf32, #tpu.memory_space<vmem>>
      %dma_start3A_1121 = arith.constant 0 : i32
      %dma_start3A_1122 = arith.constant 0 : i32
      %dma_start3A_1123 = tpu.memref_slice %arg4[%add3A_1114, %dma_start3A_1121, %dma_start3A_1122] : memref<4096x50x128xf32, #tpu.memory_space<hbm>> -> memref<1x50x128xf32, #tpu.memory_space<hbm>>
      %dma_start3A_1124 = tpu.memref_squeeze %dma_start3A_1123 : memref<1x50x128xf32, #tpu.memory_space<hbm>> -> memref<50x128xf32, #tpu.memory_space<hbm>>
      %dma_start3A_1125 = tpu.memref_slice %arg8[%dma_start3A_1116] : memref<8x!tpu.dma_semaphore, #tpu.memory_space<semaphore_mem>> -> memref<1x!tpu.dma_semaphore, #tpu.memory_space<semaphore_mem>>
      %dma_start3A_1126 = tpu.memref_squeeze %dma_start3A_1125 : memref<1x!tpu.dma_semaphore, #tpu.memory_space<semaphore_mem>> -> memref<!tpu.dma_semaphore, #tpu.memory_space<semaphore_mem>>
      %dma_start3A_1127 = arith.constant 0 : i32
      %dma_start3A_1128 = arith.constant 0 : i32
      %dma_start3A_1129 = tpu.memref_slice %arg4[%add3A_1114, %dma_start3A_1127, %dma_start3A_1128] : memref<4096x50x128xf32, #tpu.memory_space<hbm>> -> memref<1x50x128xf32, #tpu.memory_space<hbm>>
      %dma_start3A_1130 = tpu.memref_squeeze %dma_start3A_1129 : memref<1x50x128xf32, #tpu.memory_space<hbm>> -> memref<50x128xf32, #tpu.memory_space<hbm>>
      %dma_start3A_1131 = arith.constant 0 : i32
      %dma_start3A_1132 = arith.constant 0 : i32
      %dma_start3A_1133 = tpu.memref_slice %arg6[%dma_start3A_1115, %dma_start3A_1131, %dma_start3A_1132] : memref<8x50x128xf32, #tpu.memory_space<vmem>> -> memref<1x50x128xf32, #tpu.memory_space<vmem>>
      %dma_start3A_1134 = tpu.memref_squeeze %dma_start3A_1133 : memref<1x50x128xf32, #tpu.memory_space<vmem>> -> memref<50x128xf32, #tpu.memory_space<vmem>>
      tpu.enqueue_dma source(%dma_start3A_1134 : memref<50x128xf32, #tpu.memory_space<vmem>>) target(%dma_start3A_1130 : memref<50x128xf32, #tpu.memory_space<hbm>>) target_semaphore(%dma_start3A_1126 : memref<!tpu.dma_semaphore, #tpu.memory_space<semaphore_mem>>)
      %dma_wait3A_1135 = arith.constant 7 : i32
      %dma_wait3A_1136 = arith.constant 7 : i32
      %dma_wait3A_1137 = arith.constant 0 : i32
      %dma_wait3A_1138 = arith.constant 0 : i32
      %dma_wait3A_1139 = tpu.memref_slice %arg6[%dma_wait3A_1135, %dma_wait3A_1137, %dma_wait3A_1138] : memref<8x50x128xf32, #tpu.memory_space<vmem>> -> memref<1x50x128xf32, #tpu.memory_space<vmem>>
      %dma_wait3A_1140 = tpu.memref_squeeze %dma_wait3A_1139 : memref<1x50x128xf32, #tpu.memory_space<vmem>> -> memref<50x128xf32, #tpu.memory_space<vmem>>
      %dma_wait3A_1141 = arith.constant 0 : i32
      %dma_wait3A_1142 = arith.constant 0 : i32
      %dma_wait3A_1143 = tpu.memref_slice %arg4[%mul3A_2, %dma_wait3A_1141, %dma_wait3A_1142] : memref<4096x50x128xf32, #tpu.memory_space<hbm>> -> memref<1x50x128xf32, #tpu.memory_space<hbm>>
      %dma_wait3A_1144 = tpu.memref_squeeze %dma_wait3A_1143 : memref<1x50x128xf32, #tpu.memory_space<hbm>> -> memref<50x128xf32, #tpu.memory_space<hbm>>
      %dma_wait3A_1145 = tpu.memref_slice %arg8[%dma_wait3A_1136] : memref<8x!tpu.dma_semaphore, #tpu.memory_space<semaphore_mem>> -> memref<1x!tpu.dma_semaphore, #tpu.memory_space<semaphore_mem>>
      %dma_wait3A_1146 = tpu.memref_squeeze %dma_wait3A_1145 : memref<1x!tpu.dma_semaphore, #tpu.memory_space<semaphore_mem>> -> memref<!tpu.dma_semaphore, #tpu.memory_space<semaphore_mem>>
      %dma_wait3A_1147 = arith.constant 0 : i32
      %dma_wait3A_1148 = arith.constant 0 : i32
      %dma_wait3A_1149 = tpu.memref_slice %arg4[%mul3A_2, %dma_wait3A_1147, %dma_wait3A_1148] : memref<4096x50x128xf32, #tpu.memory_space<hbm>> -> memref<1x50x128xf32, #tpu.memory_space<hbm>>
      %dma_wait3A_1150 = tpu.memref_squeeze %dma_wait3A_1149 : memref<1x50x128xf32, #tpu.memory_space<hbm>> -> memref<50x128xf32, #tpu.memory_space<hbm>>
      %dma_wait3A_1151 = arith.constant 0 : i32
      %dma_wait3A_1152 = arith.constant 0 : i32
      %dma_wait3A_1153 = tpu.memref_slice %arg6[%dma_wait3A_1135, %dma_wait3A_1151, %dma_wait3A_1152] : memref<8x50x128xf32, #tpu.memory_space<vmem>> -> memref<1x50x128xf32, #tpu.memory_space<vmem>>
      %dma_wait3A_1154 = tpu.memref_squeeze %dma_wait3A_1153 : memref<1x50x128xf32, #tpu.memory_space<vmem>> -> memref<50x128xf32, #tpu.memory_space<vmem>>
      tpu.wait_dma2 semaphore(%dma_wait3A_1146 : memref<!tpu.dma_semaphore, #tpu.memory_space<semaphore_mem>>) src(%dma_wait3A_1154 : memref<50x128xf32, #tpu.memory_space<vmem>>) dst(%dma_wait3A_1150 : memref<50x128xf32, #tpu.memory_space<hbm>>)
      %sub3A = arith.constant 1 : i32
      %sub3A_1155 = arith.subi %add3A_1100, %sub3A : i32
      %add3A_1156 = arith.constant 8 : i32
      %add3A_1157 = arith.addi %sub3A_1155, %add3A_1156 : i32
      %mul3A_1158 = arith.constant 56 : i32
      %mul3A_1159 = arith.muli %add3A_1157, %mul3A_1158 : i32
      %dma_start3A_1160 = arith.constant 7 : i32
      %dma_start3A_1161 = arith.constant 7 : i32
      %dma_start3A_1162 = arith.constant 0 : i32
      %dma_start3A_1163 = arith.constant 0 : i32
      %dma_start3A_1164 = tpu.memref_slice %arg6[%dma_start3A_1160, %dma_start3A_1162, %dma_start3A_1163] : memref<8x50x128xf32, #tpu.memory_space<vmem>> -> memref<1x50x128xf32, #tpu.memory_space<vmem>>
      %dma_start3A_1165 = tpu.memref_squeeze %dma_start3A_1164 : memref<1x50x128xf32, #tpu.memory_space<vmem>> -> memref<50x128xf32, #tpu.memory_space<vmem>>
      %dma_start3A_1166 = tpu.memref_slice %arg5[%mul3A_1159] : memref<7168xi32, #tpu.memory_space<vmem>> -> memref<50xi32, #tpu.memory_space<vmem>>
      %dma_start3A_1167 = arith.constant 0 : i32
      %dma_start3A_1168 = arith.constant 0 : i32
      %dma_start3A_1169 = tpu.memref_slice %arg3[%dma_start3A_1167, %dma_start3A_1168] : memref<100000x128xf32, #tpu.memory_space<hbm>> -> memref<100000x128xf32, #tpu.memory_space<hbm>>
      %dma_start3A_1170 = tpu.memref_slice %arg7[%dma_start3A_1161] : memref<8x!tpu.dma_semaphore, #tpu.memory_space<semaphore_mem>> -> memref<1x!tpu.dma_semaphore, #tpu.memory_space<semaphore_mem>>
      %dma_start3A_1171 = tpu.memref_squeeze %dma_start3A_1170 : memref<1x!tpu.dma_semaphore, #tpu.memory_space<semaphore_mem>> -> memref<!tpu.dma_semaphore, #tpu.memory_space<semaphore_mem>>
      tpu.enqueue_indirect_dma source(%dma_start3A_1169 : memref<100000x128xf32, #tpu.memory_space<hbm>>) target(%dma_start3A_1165 : memref<50x128xf32, #tpu.memory_space<vmem>>) offsets(%dma_start3A_1166 : memref<50xi32, #tpu.memory_space<vmem>>) semaphore(%dma_start3A_1171 : memref<!tpu.dma_semaphore, #tpu.memory_space<semaphore_mem>>)
      %mul3A_1172 = arith.constant 8 : i32
      %mul3A_1173 = arith.muli %scan3A_1096, %mul3A_1172 : i32
      %add3A_1174 = arith.constant 1 : i32
      %add3A_1175 = arith.addi %mul3A_1173, %add3A_1174 : i32
      %dma_wait3A_1176 = arith.constant 1 : i32
      %dma_wait3A_1177 = arith.constant 1 : i32
      %dma_wait3A_1178 = arith.constant 0 : i32
      %dma_wait3A_1179 = arith.constant 0 : i32
      %dma_wait3A_1180 = tpu.memref_slice %arg6[%dma_wait3A_1176, %dma_wait3A_1178, %dma_wait3A_1179] : memref<8x50x128xf32, #tpu.memory_space<vmem>> -> memref<1x50x128xf32, #tpu.memory_space<vmem>>
      %dma_wait3A_1181 = tpu.memref_squeeze %dma_wait3A_1180 : memref<1x50x128xf32, #tpu.memory_space<vmem>> -> memref<50x128xf32, #tpu.memory_space<vmem>>
      %dma_wait3A_1182 = arith.constant 0 : i32
      %dma_wait3A_1183 = tpu.memref_slice %arg5[%dma_wait3A_1182] : memref<7168xi32, #tpu.memory_space<vmem>> -> memref<50xi32, #tpu.memory_space<vmem>>
      %dma_wait3A_1184 = arith.constant 0 : i32
      %dma_wait3A_1185 = arith.constant 0 : i32
      %dma_wait3A_1186 = tpu.memref_slice %arg3[%dma_wait3A_1184, %dma_wait3A_1185] : memref<100000x128xf32, #tpu.memory_space<hbm>> -> memref<100000x128xf32, #tpu.memory_space<hbm>>
      %dma_wait3A_1187 = tpu.memref_slice %arg7[%dma_wait3A_1177] : memref<8x!tpu.dma_semaphore, #tpu.memory_space<semaphore_mem>> -> memref<1x!tpu.dma_semaphore, #tpu.memory_space<semaphore_mem>>
      %dma_wait3A_1188 = tpu.memref_squeeze %dma_wait3A_1187 : memref<1x!tpu.dma_semaphore, #tpu.memory_space<semaphore_mem>> -> memref<!tpu.dma_semaphore, #tpu.memory_space<semaphore_mem>>
      tpu.wait_indirect_dma semaphore(%dma_wait3A_1188 : memref<!tpu.dma_semaphore, #tpu.memory_space<semaphore_mem>>) src(%dma_wait3A_1186 : memref<100000x128xf32, #tpu.memory_space<hbm>>) dst(%dma_wait3A_1181 : memref<50x128xf32, #tpu.memory_space<vmem>>)
      %add3A_1189 = arith.addi %mul3A_2, %add3A_1175 : i32
      %dma_start3A_1190 = arith.constant 1 : i32
      %dma_start3A_1191 = arith.constant 1 : i32
      %dma_start3A_1192 = arith.constant 0 : i32
      %dma_start3A_1193 = arith.constant 0 : i32
      %dma_start3A_1194 = tpu.memref_slice %arg6[%dma_start3A_1190, %dma_start3A_1192, %dma_start3A_1193] : memref<8x50x128xf32, #tpu.memory_space<vmem>> -> memref<1x50x128xf32, #tpu.memory_space<vmem>>
      %dma_start3A_1195 = tpu.memref_squeeze %dma_start3A_1194 : memref<1x50x128xf32, #tpu.memory_space<vmem>> -> memref<50x128xf32, #tpu.memory_space<vmem>>
      %dma_start3A_1196 = arith.constant 0 : i32
      %dma_start3A_1197 = arith.constant 0 : i32
      %dma_start3A_1198 = tpu.memref_slice %arg4[%add3A_1189, %dma_start3A_1196, %dma_start3A_1197] : memref<4096x50x128xf32, #tpu.memory_space<hbm>> -> memref<1x50x128xf32, #tpu.memory_space<hbm>>
      %dma_start3A_1199 = tpu.memref_squeeze %dma_start3A_1198 : memref<1x50x128xf32, #tpu.memory_space<hbm>> -> memref<50x128xf32, #tpu.memory_space<hbm>>
      %dma_start3A_1200 = tpu.memref_slice %arg8[%dma_start3A_1191] : memref<8x!tpu.dma_semaphore, #tpu.memory_space<semaphore_mem>> -> memref<1x!tpu.dma_semaphore, #tpu.memory_space<semaphore_mem>>
      %dma_start3A_1201 = tpu.memref_squeeze %dma_start3A_1200 : memref<1x!tpu.dma_semaphore, #tpu.memory_space<semaphore_mem>> -> memref<!tpu.dma_semaphore, #tpu.memory_space<semaphore_mem>>
      %dma_start3A_1202 = arith.constant 0 : i32
      %dma_start3A_1203 = arith.constant 0 : i32
      %dma_start3A_1204 = tpu.memref_slice %arg4[%add3A_1189, %dma_start3A_1202, %dma_start3A_1203] : memref<4096x50x128xf32, #tpu.memory_space<hbm>> -> memref<1x50x128xf32, #tpu.memory_space<hbm>>
      %dma_start3A_1205 = tpu.memref_squeeze %dma_start3A_1204 : memref<1x50x128xf32, #tpu.memory_space<hbm>> -> memref<50x128xf32, #tpu.memory_space<hbm>>
      %dma_start3A_1206 = arith.constant 0 : i32
      %dma_start3A_1207 = arith.constant 0 : i32
      %dma_start3A_1208 = tpu.memref_slice %arg6[%dma_start3A_1190, %dma_start3A_1206, %dma_start3A_1207] : memref<8x50x128xf32, #tpu.memory_space<vmem>> -> memref<1x50x128xf32, #tpu.memory_space<vmem>>
      %dma_start3A_1209 = tpu.memref_squeeze %dma_start3A_1208 : memref<1x50x128xf32, #tpu.memory_space<vmem>> -> memref<50x128xf32, #tpu.memory_space<vmem>>
      tpu.enqueue_dma source(%dma_start3A_1209 : memref<50x128xf32, #tpu.memory_space<vmem>>) target(%dma_start3A_1205 : memref<50x128xf32, #tpu.memory_space<hbm>>) target_semaphore(%dma_start3A_1201 : memref<!tpu.dma_semaphore, #tpu.memory_space<semaphore_mem>>)
      %dma_wait3A_1210 = arith.constant 0 : i32
      %dma_wait3A_1211 = arith.constant 0 : i32
      %dma_wait3A_1212 = arith.constant 0 : i32
      %dma_wait3A_1213 = arith.constant 0 : i32
      %dma_wait3A_1214 = tpu.memref_slice %arg6[%dma_wait3A_1210, %dma_wait3A_1212, %dma_wait3A_1213] : memref<8x50x128xf32, #tpu.memory_space<vmem>> -> memref<1x50x128xf32, #tpu.memory_space<vmem>>
      %dma_wait3A_1215 = tpu.memref_squeeze %dma_wait3A_1214 : memref<1x50x128xf32, #tpu.memory_space<vmem>> -> memref<50x128xf32, #tpu.memory_space<vmem>>
      %dma_wait3A_1216 = arith.constant 0 : i32
      %dma_wait3A_1217 = arith.constant 0 : i32
      %dma_wait3A_1218 = tpu.memref_slice %arg4[%mul3A_2, %dma_wait3A_1216, %dma_wait3A_1217] : memref<4096x50x128xf32, #tpu.memory_space<hbm>> -> memref<1x50x128xf32, #tpu.memory_space<hbm>>
      %dma_wait3A_1219 = tpu.memref_squeeze %dma_wait3A_1218 : memref<1x50x128xf32, #tpu.memory_space<hbm>> -> memref<50x128xf32, #tpu.memory_space<hbm>>
      %dma_wait3A_1220 = tpu.memref_slice %arg8[%dma_wait3A_1211] : memref<8x!tpu.dma_semaphore, #tpu.memory_space<semaphore_mem>> -> memref<1x!tpu.dma_semaphore, #tpu.memory_space<semaphore_mem>>
      %dma_wait3A_1221 = tpu.memref_squeeze %dma_wait3A_1220 : memref<1x!tpu.dma_semaphore, #tpu.memory_space<semaphore_mem>> -> memref<!tpu.dma_semaphore, #tpu.memory_space<semaphore_mem>>
      %dma_wait3A_1222 = arith.constant 0 : i32
      %dma_wait3A_1223 = arith.constant 0 : i32
      %dma_wait3A_1224 = tpu.memref_slice %arg4[%mul3A_2, %dma_wait3A_1222, %dma_wait3A_1223] : memref<4096x50x128xf32, #tpu.memory_space<hbm>> -> memref<1x50x128xf32, #tpu.memory_space<hbm>>
      %dma_wait3A_1225 = tpu.memref_squeeze %dma_wait3A_1224 : memref<1x50x128xf32, #tpu.memory_space<hbm>> -> memref<50x128xf32, #tpu.memory_space<hbm>>
      %dma_wait3A_1226 = arith.constant 0 : i32
      %dma_wait3A_1227 = arith.constant 0 : i32
      %dma_wait3A_1228 = tpu.memref_slice %arg6[%dma_wait3A_1210, %dma_wait3A_1226, %dma_wait3A_1227] : memref<8x50x128xf32, #tpu.memory_space<vmem>> -> memref<1x50x128xf32, #tpu.memory_space<vmem>>
      %dma_wait3A_1229 = tpu.memref_squeeze %dma_wait3A_1228 : memref<1x50x128xf32, #tpu.memory_space<vmem>> -> memref<50x128xf32, #tpu.memory_space<vmem>>
      tpu.wait_dma2 semaphore(%dma_wait3A_1221 : memref<!tpu.dma_semaphore, #tpu.memory_space<semaphore_mem>>) src(%dma_wait3A_1229 : memref<50x128xf32, #tpu.memory_space<vmem>>) dst(%dma_wait3A_1225 : memref<50x128xf32, #tpu.memory_space<hbm>>)
      %sub3A_1230 = arith.constant 1 : i32
      %sub3A_1231 = arith.subi %add3A_1175, %sub3A_1230 : i32
      %add3A_1232 = arith.constant 8 : i32
      %add3A_1233 = arith.addi %sub3A_1231, %add3A_1232 : i32
      %mul3A_1234 = arith.constant 56 : i32
      %mul3A_1235 = arith.muli %add3A_1233, %mul3A_1234 : i32
      %dma_start3A_1236 = arith.constant 0 : i32
      %dma_start3A_1237 = arith.constant 0 : i32
      %dma_start3A_1238 = arith.constant 0 : i32
      %dma_start3A_1239 = arith.constant 0 : i32
      %dma_start3A_1240 = tpu.memref_slice %arg6[%dma_start3A_1236, %dma_start3A_1238, %dma_start3A_1239] : memref<8x50x128xf32, #tpu.memory_space<vmem>> -> memref<1x50x128xf32, #tpu.memory_space<vmem>>
      %dma_start3A_1241 = tpu.memref_squeeze %dma_start3A_1240 : memref<1x50x128xf32, #tpu.memory_space<vmem>> -> memref<50x128xf32, #tpu.memory_space<vmem>>
      %dma_start3A_1242 = tpu.memref_slice %arg5[%mul3A_1235] : memref<7168xi32, #tpu.memory_space<vmem>> -> memref<50xi32, #tpu.memory_space<vmem>>
      %dma_start3A_1243 = arith.constant 0 : i32
      %dma_start3A_1244 = arith.constant 0 : i32
      %dma_start3A_1245 = tpu.memref_slice %arg3[%dma_start3A_1243, %dma_start3A_1244] : memref<100000x128xf32, #tpu.memory_space<hbm>> -> memref<100000x128xf32, #tpu.memory_space<hbm>>
      %dma_start3A_1246 = tpu.memref_slice %arg7[%dma_start3A_1237] : memref<8x!tpu.dma_semaphore, #tpu.memory_space<semaphore_mem>> -> memref<1x!tpu.dma_semaphore, #tpu.memory_space<semaphore_mem>>
      %dma_start3A_1247 = tpu.memref_squeeze %dma_start3A_1246 : memref<1x!tpu.dma_semaphore, #tpu.memory_space<semaphore_mem>> -> memref<!tpu.dma_semaphore, #tpu.memory_space<semaphore_mem>>
      tpu.enqueue_indirect_dma source(%dma_start3A_1245 : memref<100000x128xf32, #tpu.memory_space<hbm>>) target(%dma_start3A_1241 : memref<50x128xf32, #tpu.memory_space<vmem>>) offsets(%dma_start3A_1242 : memref<50xi32, #tpu.memory_space<vmem>>) semaphore(%dma_start3A_1247 : memref<!tpu.dma_semaphore, #tpu.memory_space<semaphore_mem>>)
      %mul3A_1248 = arith.constant 8 : i32
      %mul3A_1249 = arith.muli %scan3A_1096, %mul3A_1248 : i32
      %add3A_1250 = arith.constant 2 : i32
      %add3A_1251 = arith.addi %mul3A_1249, %add3A_1250 : i32
      %dma_wait3A_1252 = arith.constant 2 : i32
      %dma_wait3A_1253 = arith.constant 2 : i32
      %dma_wait3A_1254 = arith.constant 0 : i32
      %dma_wait3A_1255 = arith.constant 0 : i32
      %dma_wait3A_1256 = tpu.memref_slice %arg6[%dma_wait3A_1252, %dma_wait3A_1254, %dma_wait3A_1255] : memref<8x50x128xf32, #tpu.memory_space<vmem>> -> memref<1x50x128xf32, #tpu.memory_space<vmem>>
      %dma_wait3A_1257 = tpu.memref_squeeze %dma_wait3A_1256 : memref<1x50x128xf32, #tpu.memory_space<vmem>> -> memref<50x128xf32, #tpu.memory_space<vmem>>
      %dma_wait3A_1258 = arith.constant 0 : i32
      %dma_wait3A_1259 = tpu.memref_slice %arg5[%dma_wait3A_1258] : memref<7168xi32, #tpu.memory_space<vmem>> -> memref<50xi32, #tpu.memory_space<vmem>>
      %dma_wait3A_1260 = arith.constant 0 : i32
      %dma_wait3A_1261 = arith.constant 0 : i32
      %dma_wait3A_1262 = tpu.memref_slice %arg3[%dma_wait3A_1260, %dma_wait3A_1261] : memref<100000x128xf32, #tpu.memory_space<hbm>> -> memref<100000x128xf32, #tpu.memory_space<hbm>>
      %dma_wait3A_1263 = tpu.memref_slice %arg7[%dma_wait3A_1253] : memref<8x!tpu.dma_semaphore, #tpu.memory_space<semaphore_mem>> -> memref<1x!tpu.dma_semaphore, #tpu.memory_space<semaphore_mem>>
      %dma_wait3A_1264 = tpu.memref_squeeze %dma_wait3A_1263 : memref<1x!tpu.dma_semaphore, #tpu.memory_space<semaphore_mem>> -> memref<!tpu.dma_semaphore, #tpu.memory_space<semaphore_mem>>
      tpu.wait_indirect_dma semaphore(%dma_wait3A_1264 : memref<!tpu.dma_semaphore, #tpu.memory_space<semaphore_mem>>) src(%dma_wait3A_1262 : memref<100000x128xf32, #tpu.memory_space<hbm>>) dst(%dma_wait3A_1257 : memref<50x128xf32, #tpu.memory_space<vmem>>)
      %add3A_1265 = arith.addi %mul3A_2, %add3A_1251 : i32
      %dma_start3A_1266 = arith.constant 2 : i32
      %dma_start3A_1267 = arith.constant 2 : i32
      %dma_start3A_1268 = arith.constant 0 : i32
      %dma_start3A_1269 = arith.constant 0 : i32
      %dma_start3A_1270 = tpu.memref_slice %arg6[%dma_start3A_1266, %dma_start3A_1268, %dma_start3A_1269] : memref<8x50x128xf32, #tpu.memory_space<vmem>> -> memref<1x50x128xf32, #tpu.memory_space<vmem>>
      %dma_start3A_1271 = tpu.memref_squeeze %dma_start3A_1270 : memref<1x50x128xf32, #tpu.memory_space<vmem>> -> memref<50x128xf32, #tpu.memory_space<vmem>>
      %dma_start3A_1272 = arith.constant 0 : i32
      %dma_start3A_1273 = arith.constant 0 : i32
      %dma_start3A_1274 = tpu.memref_slice %arg4[%add3A_1265, %dma_start3A_1272, %dma_start3A_1273] : memref<4096x50x128xf32, #tpu.memory_space<hbm>> -> memref<1x50x128xf32, #tpu.memory_space<hbm>>
      %dma_start3A_1275 = tpu.memref_squeeze %dma_start3A_1274 : memref<1x50x128xf32, #tpu.memory_space<hbm>> -> memref<50x128xf32, #tpu.memory_space<hbm>>
      %dma_start3A_1276 = tpu.memref_slice %arg8[%dma_start3A_1267] : memref<8x!tpu.dma_semaphore, #tpu.memory_space<semaphore_mem>> -> memref<1x!tpu.dma_semaphore, #tpu.memory_space<semaphore_mem>>
      %dma_start3A_1277 = tpu.memref_squeeze %dma_start3A_1276 : memref<1x!tpu.dma_semaphore, #tpu.memory_space<semaphore_mem>> -> memref<!tpu.dma_semaphore, #tpu.memory_space<semaphore_mem>>
      %dma_start3A_1278 = arith.constant 0 : i32
      %dma_start3A_1279 = arith.constant 0 : i32
      %dma_start3A_1280 = tpu.memref_slice %arg4[%add3A_1265, %dma_start3A_1278, %dma_start3A_1279] : memref<4096x50x128xf32, #tpu.memory_space<hbm>> -> memref<1x50x128xf32, #tpu.memory_space<hbm>>
      %dma_start3A_1281 = tpu.memref_squeeze %dma_start3A_1280 : memref<1x50x128xf32, #tpu.memory_space<hbm>> -> memref<50x128xf32, #tpu.memory_space<hbm>>
      %dma_start3A_1282 = arith.constant 0 : i32
      %dma_start3A_1283 = arith.constant 0 : i32
      %dma_start3A_1284 = tpu.memref_slice %arg6[%dma_start3A_1266, %dma_start3A_1282, %dma_start3A_1283] : memref<8x50x128xf32, #tpu.memory_space<vmem>> -> memref<1x50x128xf32, #tpu.memory_space<vmem>>
      %dma_start3A_1285 = tpu.memref_squeeze %dma_start3A_1284 : memref<1x50x128xf32, #tpu.memory_space<vmem>> -> memref<50x128xf32, #tpu.memory_space<vmem>>
      tpu.enqueue_dma source(%dma_start3A_1285 : memref<50x128xf32, #tpu.memory_space<vmem>>) target(%dma_start3A_1281 : memref<50x128xf32, #tpu.memory_space<hbm>>) target_semaphore(%dma_start3A_1277 : memref<!tpu.dma_semaphore, #tpu.memory_space<semaphore_mem>>)
      %dma_wait3A_1286 = arith.constant 1 : i32
      %dma_wait3A_1287 = arith.constant 1 : i32
      %dma_wait3A_1288 = arith.constant 0 : i32
      %dma_wait3A_1289 = arith.constant 0 : i32
      %dma_wait3A_1290 = tpu.memref_slice %arg6[%dma_wait3A_1286, %dma_wait3A_1288, %dma_wait3A_1289] : memref<8x50x128xf32, #tpu.memory_space<vmem>> -> memref<1x50x128xf32, #tpu.memory_space<vmem>>
      %dma_wait3A_1291 = tpu.memref_squeeze %dma_wait3A_1290 : memref<1x50x128xf32, #tpu.memory_space<vmem>> -> memref<50x128xf32, #tpu.memory_space<vmem>>
      %dma_wait3A_1292 = arith.constant 0 : i32
      %dma_wait3A_1293 = arith.constant 0 : i32
      %dma_wait3A_1294 = tpu.memref_slice %arg4[%mul3A_2, %dma_wait3A_1292, %dma_wait3A_1293] : memref<4096x50x128xf32, #tpu.memory_space<hbm>> -> memref<1x50x128xf32, #tpu.memory_space<hbm>>
      %dma_wait3A_1295 = tpu.memref_squeeze %dma_wait3A_1294 : memref<1x50x128xf32, #tpu.memory_space<hbm>> -> memref<50x128xf32, #tpu.memory_space<hbm>>
      %dma_wait3A_1296 = tpu.memref_slice %arg8[%dma_wait3A_1287] : memref<8x!tpu.dma_semaphore, #tpu.memory_space<semaphore_mem>> -> memref<1x!tpu.dma_semaphore, #tpu.memory_space<semaphore_mem>>
      %dma_wait3A_1297 = tpu.memref_squeeze %dma_wait3A_1296 : memref<1x!tpu.dma_semaphore, #tpu.memory_space<semaphore_mem>> -> memref<!tpu.dma_semaphore, #tpu.memory_space<semaphore_mem>>
      %dma_wait3A_1298 = arith.constant 0 : i32
      %dma_wait3A_1299 = arith.constant 0 : i32
      %dma_wait3A_1300 = tpu.memref_slice %arg4[%mul3A_2, %dma_wait3A_1298, %dma_wait3A_1299] : memref<4096x50x128xf32, #tpu.memory_space<hbm>> -> memref<1x50x128xf32, #tpu.memory_space<hbm>>
      %dma_wait3A_1301 = tpu.memref_squeeze %dma_wait3A_1300 : memref<1x50x128xf32, #tpu.memory_space<hbm>> -> memref<50x128xf32, #tpu.memory_space<hbm>>
      %dma_wait3A_1302 = arith.constant 0 : i32
      %dma_wait3A_1303 = arith.constant 0 : i32
      %dma_wait3A_1304 = tpu.memref_slice %arg6[%dma_wait3A_1286, %dma_wait3A_1302, %dma_wait3A_1303] : memref<8x50x128xf32, #tpu.memory_space<vmem>> -> memref<1x50x128xf32, #tpu.memory_space<vmem>>
      %dma_wait3A_1305 = tpu.memref_squeeze %dma_wait3A_1304 : memref<1x50x128xf32, #tpu.memory_space<vmem>> -> memref<50x128xf32, #tpu.memory_space<vmem>>
      tpu.wait_dma2 semaphore(%dma_wait3A_1297 : memref<!tpu.dma_semaphore, #tpu.memory_space<semaphore_mem>>) src(%dma_wait3A_1305 : memref<50x128xf32, #tpu.memory_space<vmem>>) dst(%dma_wait3A_1301 : memref<50x128xf32, #tpu.memory_space<hbm>>)
      %sub3A_1306 = arith.constant 1 : i32
      %sub3A_1307 = arith.subi %add3A_1251, %sub3A_1306 : i32
      %add3A_1308 = arith.constant 8 : i32
      %add3A_1309 = arith.addi %sub3A_1307, %add3A_1308 : i32
      %mul3A_1310 = arith.constant 56 : i32
      %mul3A_1311 = arith.muli %add3A_1309, %mul3A_1310 : i32
      %dma_start3A_1312 = arith.constant 1 : i32
      %dma_start3A_1313 = arith.constant 1 : i32
      %dma_start3A_1314 = arith.constant 0 : i32
      %dma_start3A_1315 = arith.constant 0 : i32
      %dma_start3A_1316 = tpu.memref_slice %arg6[%dma_start3A_1312, %dma_start3A_1314, %dma_start3A_1315] : memref<8x50x128xf32, #tpu.memory_space<vmem>> -> memref<1x50x128xf32, #tpu.memory_space<vmem>>
      %dma_start3A_1317 = tpu.memref_squeeze %dma_start3A_1316 : memref<1x50x128xf32, #tpu.memory_space<vmem>> -> memref<50x128xf32, #tpu.memory_space<vmem>>
      %dma_start3A_1318 = tpu.memref_slice %arg5[%mul3A_1311] : memref<7168xi32, #tpu.memory_space<vmem>> -> memref<50xi32, #tpu.memory_space<vmem>>
      %dma_start3A_1319 = arith.constant 0 : i32
      %dma_start3A_1320 = arith.constant 0 : i32
      %dma_start3A_1321 = tpu.memref_slice %arg3[%dma_start3A_1319, %dma_start3A_1320] : memref<100000x128xf32, #tpu.memory_space<hbm>> -> memref<100000x128xf32, #tpu.memory_space<hbm>>
      %dma_start3A_1322 = tpu.memref_slice %arg7[%dma_start3A_1313] : memref<8x!tpu.dma_semaphore, #tpu.memory_space<semaphore_mem>> -> memref<1x!tpu.dma_semaphore, #tpu.memory_space<semaphore_mem>>
      %dma_start3A_1323 = tpu.memref_squeeze %dma_start3A_1322 : memref<1x!tpu.dma_semaphore, #tpu.memory_space<semaphore_mem>> -> memref<!tpu.dma_semaphore, #tpu.memory_space<semaphore_mem>>
      tpu.enqueue_indirect_dma source(%dma_start3A_1321 : memref<100000x128xf32, #tpu.memory_space<hbm>>) target(%dma_start3A_1317 : memref<50x128xf32, #tpu.memory_space<vmem>>) offsets(%dma_start3A_1318 : memref<50xi32, #tpu.memory_space<vmem>>) semaphore(%dma_start3A_1323 : memref<!tpu.dma_semaphore, #tpu.memory_space<semaphore_mem>>)
      %mul3A_1324 = arith.constant 8 : i32
      %mul3A_1325 = arith.muli %scan3A_1096, %mul3A_1324 : i32
      %add3A_1326 = arith.constant 3 : i32
      %add3A_1327 = arith.addi %mul3A_1325, %add3A_1326 : i32
      %dma_wait3A_1328 = arith.constant 3 : i32
      %dma_wait3A_1329 = arith.constant 3 : i32
      %dma_wait3A_1330 = arith.constant 0 : i32
      %dma_wait3A_1331 = arith.constant 0 : i32
      %dma_wait3A_1332 = tpu.memref_slice %arg6[%dma_wait3A_1328, %dma_wait3A_1330, %dma_wait3A_1331] : memref<8x50x128xf32, #tpu.memory_space<vmem>> -> memref<1x50x128xf32, #tpu.memory_space<vmem>>
      %dma_wait3A_1333 = tpu.memref_squeeze %dma_wait3A_1332 : memref<1x50x128xf32, #tpu.memory_space<vmem>> -> memref<50x128xf32, #tpu.memory_space<vmem>>
      %dma_wait3A_1334 = arith.constant 0 : i32
      %dma_wait3A_1335 = tpu.memref_slice %arg5[%dma_wait3A_1334] : memref<7168xi32, #tpu.memory_space<vmem>> -> memref<50xi32, #tpu.memory_space<vmem>>
      %dma_wait3A_1336 = arith.constant 0 : i32
      %dma_wait3A_1337 = arith.constant 0 : i32
      %dma_wait3A_1338 = tpu.memref_slice %arg3[%dma_wait3A_1336, %dma_wait3A_1337] : memref<100000x128xf32, #tpu.memory_space<hbm>> -> memref<100000x128xf32, #tpu.memory_space<hbm>>
      %dma_wait3A_1339 = tpu.memref_slice %arg7[%dma_wait3A_1329] : memref<8x!tpu.dma_semaphore, #tpu.memory_space<semaphore_mem>> -> memref<1x!tpu.dma_semaphore, #tpu.memory_space<semaphore_mem>>
      %dma_wait3A_1340 = tpu.memref_squeeze %dma_wait3A_1339 : memref<1x!tpu.dma_semaphore, #tpu.memory_space<semaphore_mem>> -> memref<!tpu.dma_semaphore, #tpu.memory_space<semaphore_mem>>
      tpu.wait_indirect_dma semaphore(%dma_wait3A_1340 : memref<!tpu.dma_semaphore, #tpu.memory_space<semaphore_mem>>) src(%dma_wait3A_1338 : memref<100000x128xf32, #tpu.memory_space<hbm>>) dst(%dma_wait3A_1333 : memref<50x128xf32, #tpu.memory_space<vmem>>)
      %add3A_1341 = arith.addi %mul3A_2, %add3A_1327 : i32
      %dma_start3A_1342 = arith.constant 3 : i32
      %dma_start3A_1343 = arith.constant 3 : i32
      %dma_start3A_1344 = arith.constant 0 : i32
      %dma_start3A_1345 = arith.constant 0 : i32
      %dma_start3A_1346 = tpu.memref_slice %arg6[%dma_start3A_1342, %dma_start3A_1344, %dma_start3A_1345] : memref<8x50x128xf32, #tpu.memory_space<vmem>> -> memref<1x50x128xf32, #tpu.memory_space<vmem>>
      %dma_start3A_1347 = tpu.memref_squeeze %dma_start3A_1346 : memref<1x50x128xf32, #tpu.memory_space<vmem>> -> memref<50x128xf32, #tpu.memory_space<vmem>>
      %dma_start3A_1348 = arith.constant 0 : i32
      %dma_start3A_1349 = arith.constant 0 : i32
      %dma_start3A_1350 = tpu.memref_slice %arg4[%add3A_1341, %dma_start3A_1348, %dma_start3A_1349] : memref<4096x50x128xf32, #tpu.memory_space<hbm>> -> memref<1x50x128xf32, #tpu.memory_space<hbm>>
      %dma_start3A_1351 = tpu.memref_squeeze %dma_start3A_1350 : memref<1x50x128xf32, #tpu.memory_space<hbm>> -> memref<50x128xf32, #tpu.memory_space<hbm>>
      %dma_start3A_1352 = tpu.memref_slice %arg8[%dma_start3A_1343] : memref<8x!tpu.dma_semaphore, #tpu.memory_space<semaphore_mem>> -> memref<1x!tpu.dma_semaphore, #tpu.memory_space<semaphore_mem>>
      %dma_start3A_1353 = tpu.memref_squeeze %dma_start3A_1352 : memref<1x!tpu.dma_semaphore, #tpu.memory_space<semaphore_mem>> -> memref<!tpu.dma_semaphore, #tpu.memory_space<semaphore_mem>>
      %dma_start3A_1354 = arith.constant 0 : i32
      %dma_start3A_1355 = arith.constant 0 : i32
      %dma_start3A_1356 = tpu.memref_slice %arg4[%add3A_1341, %dma_start3A_1354, %dma_start3A_1355] : memref<4096x50x128xf32, #tpu.memory_space<hbm>> -> memref<1x50x128xf32, #tpu.memory_space<hbm>>
      %dma_start3A_1357 = tpu.memref_squeeze %dma_start3A_1356 : memref<1x50x128xf32, #tpu.memory_space<hbm>> -> memref<50x128xf32, #tpu.memory_space<hbm>>
      %dma_start3A_1358 = arith.constant 0 : i32
      %dma_start3A_1359 = arith.constant 0 : i32
      %dma_start3A_1360 = tpu.memref_slice %arg6[%dma_start3A_1342, %dma_start3A_1358, %dma_start3A_1359] : memref<8x50x128xf32, #tpu.memory_space<vmem>> -> memref<1x50x128xf32, #tpu.memory_space<vmem>>
      %dma_start3A_1361 = tpu.memref_squeeze %dma_start3A_1360 : memref<1x50x128xf32, #tpu.memory_space<vmem>> -> memref<50x128xf32, #tpu.memory_space<vmem>>
      tpu.enqueue_dma source(%dma_start3A_1361 : memref<50x128xf32, #tpu.memory_space<vmem>>) target(%dma_start3A_1357 : memref<50x128xf32, #tpu.memory_space<hbm>>) target_semaphore(%dma_start3A_1353 : memref<!tpu.dma_semaphore, #tpu.memory_space<semaphore_mem>>)
      %dma_wait3A_1362 = arith.constant 2 : i32
      %dma_wait3A_1363 = arith.constant 2 : i32
      %dma_wait3A_1364 = arith.constant 0 : i32
      %dma_wait3A_1365 = arith.constant 0 : i32
      %dma_wait3A_1366 = tpu.memref_slice %arg6[%dma_wait3A_1362, %dma_wait3A_1364, %dma_wait3A_1365] : memref<8x50x128xf32, #tpu.memory_space<vmem>> -> memref<1x50x128xf32, #tpu.memory_space<vmem>>
      %dma_wait3A_1367 = tpu.memref_squeeze %dma_wait3A_1366 : memref<1x50x128xf32, #tpu.memory_space<vmem>> -> memref<50x128xf32, #tpu.memory_space<vmem>>
      %dma_wait3A_1368 = arith.constant 0 : i32
      %dma_wait3A_1369 = arith.constant 0 : i32
      %dma_wait3A_1370 = tpu.memref_slice %arg4[%mul3A_2, %dma_wait3A_1368, %dma_wait3A_1369] : memref<4096x50x128xf32, #tpu.memory_space<hbm>> -> memref<1x50x128xf32, #tpu.memory_space<hbm>>
      %dma_wait3A_1371 = tpu.memref_squeeze %dma_wait3A_1370 : memref<1x50x128xf32, #tpu.memory_space<hbm>> -> memref<50x128xf32, #tpu.memory_space<hbm>>
      %dma_wait3A_1372 = tpu.memref_slice %arg8[%dma_wait3A_1363] : memref<8x!tpu.dma_semaphore, #tpu.memory_space<semaphore_mem>> -> memref<1x!tpu.dma_semaphore, #tpu.memory_space<semaphore_mem>>
      %dma_wait3A_1373 = tpu.memref_squeeze %dma_wait3A_1372 : memref<1x!tpu.dma_semaphore, #tpu.memory_space<semaphore_mem>> -> memref<!tpu.dma_semaphore, #tpu.memory_space<semaphore_mem>>
      %dma_wait3A_1374 = arith.constant 0 : i32
      %dma_wait3A_1375 = arith.constant 0 : i32
      %dma_wait3A_1376 = tpu.memref_slice %arg4[%mul3A_2, %dma_wait3A_1374, %dma_wait3A_1375] : memref<4096x50x128xf32, #tpu.memory_space<hbm>> -> memref<1x50x128xf32, #tpu.memory_space<hbm>>
      %dma_wait3A_1377 = tpu.memref_squeeze %dma_wait3A_1376 : memref<1x50x128xf32, #tpu.memory_space<hbm>> -> memref<50x128xf32, #tpu.memory_space<hbm>>
      %dma_wait3A_1378 = arith.constant 0 : i32
      %dma_wait3A_1379 = arith.constant 0 : i32
      %dma_wait3A_1380 = tpu.memref_slice %arg6[%dma_wait3A_1362, %dma_wait3A_1378, %dma_wait3A_1379] : memref<8x50x128xf32, #tpu.memory_space<vmem>> -> memref<1x50x128xf32, #tpu.memory_space<vmem>>
      %dma_wait3A_1381 = tpu.memref_squeeze %dma_wait3A_1380 : memref<1x50x128xf32, #tpu.memory_space<vmem>> -> memref<50x128xf32, #tpu.memory_space<vmem>>
      tpu.wait_dma2 semaphore(%dma_wait3A_1373 : memref<!tpu.dma_semaphore, #tpu.memory_space<semaphore_mem>>) src(%dma_wait3A_1381 : memref<50x128xf32, #tpu.memory_space<vmem>>) dst(%dma_wait3A_1377 : memref<50x128xf32, #tpu.memory_space<hbm>>)
      %sub3A_1382 = arith.constant 1 : i32
      %sub3A_1383 = arith.subi %add3A_1327, %sub3A_1382 : i32
      %add3A_1384 = arith.constant 8 : i32
      %add3A_1385 = arith.addi %sub3A_1383, %add3A_1384 : i32
      %mul3A_1386 = arith.constant 56 : i32
      %mul3A_1387 = arith.muli %add3A_1385, %mul3A_1386 : i32
      %dma_start3A_1388 = arith.constant 2 : i32
      %dma_start3A_1389 = arith.constant 2 : i32
      %dma_start3A_1390 = arith.constant 0 : i32
      %dma_start3A_1391 = arith.constant 0 : i32
      %dma_start3A_1392 = tpu.memref_slice %arg6[%dma_start3A_1388, %dma_start3A_1390, %dma_start3A_1391] : memref<8x50x128xf32, #tpu.memory_space<vmem>> -> memref<1x50x128xf32, #tpu.memory_space<vmem>>
      %dma_start3A_1393 = tpu.memref_squeeze %dma_start3A_1392 : memref<1x50x128xf32, #tpu.memory_space<vmem>> -> memref<50x128xf32, #tpu.memory_space<vmem>>
      %dma_start3A_1394 = tpu.memref_slice %arg5[%mul3A_1387] : memref<7168xi32, #tpu.memory_space<vmem>> -> memref<50xi32, #tpu.memory_space<vmem>>
      %dma_start3A_1395 = arith.constant 0 : i32
      %dma_start3A_1396 = arith.constant 0 : i32
      %dma_start3A_1397 = tpu.memref_slice %arg3[%dma_start3A_1395, %dma_start3A_1396] : memref<100000x128xf32, #tpu.memory_space<hbm>> -> memref<100000x128xf32, #tpu.memory_space<hbm>>
      %dma_start3A_1398 = tpu.memref_slice %arg7[%dma_start3A_1389] : memref<8x!tpu.dma_semaphore, #tpu.memory_space<semaphore_mem>> -> memref<1x!tpu.dma_semaphore, #tpu.memory_space<semaphore_mem>>
      %dma_start3A_1399 = tpu.memref_squeeze %dma_start3A_1398 : memref<1x!tpu.dma_semaphore, #tpu.memory_space<semaphore_mem>> -> memref<!tpu.dma_semaphore, #tpu.memory_space<semaphore_mem>>
      tpu.enqueue_indirect_dma source(%dma_start3A_1397 : memref<100000x128xf32, #tpu.memory_space<hbm>>) target(%dma_start3A_1393 : memref<50x128xf32, #tpu.memory_space<vmem>>) offsets(%dma_start3A_1394 : memref<50xi32, #tpu.memory_space<vmem>>) semaphore(%dma_start3A_1399 : memref<!tpu.dma_semaphore, #tpu.memory_space<semaphore_mem>>)
      %mul3A_1400 = arith.constant 8 : i32
      %mul3A_1401 = arith.muli %scan3A_1096, %mul3A_1400 : i32
      %add3A_1402 = arith.constant 4 : i32
      %add3A_1403 = arith.addi %mul3A_1401, %add3A_1402 : i32
      %dma_wait3A_1404 = arith.constant 4 : i32
      %dma_wait3A_1405 = arith.constant 4 : i32
      %dma_wait3A_1406 = arith.constant 0 : i32
      %dma_wait3A_1407 = arith.constant 0 : i32
      %dma_wait3A_1408 = tpu.memref_slice %arg6[%dma_wait3A_1404, %dma_wait3A_1406, %dma_wait3A_1407] : memref<8x50x128xf32, #tpu.memory_space<vmem>> -> memref<1x50x128xf32, #tpu.memory_space<vmem>>
      %dma_wait3A_1409 = tpu.memref_squeeze %dma_wait3A_1408 : memref<1x50x128xf32, #tpu.memory_space<vmem>> -> memref<50x128xf32, #tpu.memory_space<vmem>>
      %dma_wait3A_1410 = arith.constant 0 : i32
      %dma_wait3A_1411 = tpu.memref_slice %arg5[%dma_wait3A_1410] : memref<7168xi32, #tpu.memory_space<vmem>> -> memref<50xi32, #tpu.memory_space<vmem>>
      %dma_wait3A_1412 = arith.constant 0 : i32
      %dma_wait3A_1413 = arith.constant 0 : i32
      %dma_wait3A_1414 = tpu.memref_slice %arg3[%dma_wait3A_1412, %dma_wait3A_1413] : memref<100000x128xf32, #tpu.memory_space<hbm>> -> memref<100000x128xf32, #tpu.memory_space<hbm>>
      %dma_wait3A_1415 = tpu.memref_slice %arg7[%dma_wait3A_1405] : memref<8x!tpu.dma_semaphore, #tpu.memory_space<semaphore_mem>> -> memref<1x!tpu.dma_semaphore, #tpu.memory_space<semaphore_mem>>
      %dma_wait3A_1416 = tpu.memref_squeeze %dma_wait3A_1415 : memref<1x!tpu.dma_semaphore, #tpu.memory_space<semaphore_mem>> -> memref<!tpu.dma_semaphore, #tpu.memory_space<semaphore_mem>>
      tpu.wait_indirect_dma semaphore(%dma_wait3A_1416 : memref<!tpu.dma_semaphore, #tpu.memory_space<semaphore_mem>>) src(%dma_wait3A_1414 : memref<100000x128xf32, #tpu.memory_space<hbm>>) dst(%dma_wait3A_1409 : memref<50x128xf32, #tpu.memory_space<vmem>>)
      %add3A_1417 = arith.addi %mul3A_2, %add3A_1403 : i32
      %dma_start3A_1418 = arith.constant 4 : i32
      %dma_start3A_1419 = arith.constant 4 : i32
      %dma_start3A_1420 = arith.constant 0 : i32
      %dma_start3A_1421 = arith.constant 0 : i32
      %dma_start3A_1422 = tpu.memref_slice %arg6[%dma_start3A_1418, %dma_start3A_1420, %dma_start3A_1421] : memref<8x50x128xf32, #tpu.memory_space<vmem>> -> memref<1x50x128xf32, #tpu.memory_space<vmem>>
      %dma_start3A_1423 = tpu.memref_squeeze %dma_start3A_1422 : memref<1x50x128xf32, #tpu.memory_space<vmem>> -> memref<50x128xf32, #tpu.memory_space<vmem>>
      %dma_start3A_1424 = arith.constant 0 : i32
      %dma_start3A_1425 = arith.constant 0 : i32
      %dma_start3A_1426 = tpu.memref_slice %arg4[%add3A_1417, %dma_start3A_1424, %dma_start3A_1425] : memref<4096x50x128xf32, #tpu.memory_space<hbm>> -> memref<1x50x128xf32, #tpu.memory_space<hbm>>
      %dma_start3A_1427 = tpu.memref_squeeze %dma_start3A_1426 : memref<1x50x128xf32, #tpu.memory_space<hbm>> -> memref<50x128xf32, #tpu.memory_space<hbm>>
      %dma_start3A_1428 = tpu.memref_slice %arg8[%dma_start3A_1419] : memref<8x!tpu.dma_semaphore, #tpu.memory_space<semaphore_mem>> -> memref<1x!tpu.dma_semaphore, #tpu.memory_space<semaphore_mem>>
      %dma_start3A_1429 = tpu.memref_squeeze %dma_start3A_1428 : memref<1x!tpu.dma_semaphore, #tpu.memory_space<semaphore_mem>> -> memref<!tpu.dma_semaphore, #tpu.memory_space<semaphore_mem>>
      %dma_start3A_1430 = arith.constant 0 : i32
      %dma_start3A_1431 = arith.constant 0 : i32
      %dma_start3A_1432 = tpu.memref_slice %arg4[%add3A_1417, %dma_start3A_1430, %dma_start3A_1431] : memref<4096x50x128xf32, #tpu.memory_space<hbm>> -> memref<1x50x128xf32, #tpu.memory_space<hbm>>
      %dma_start3A_1433 = tpu.memref_squeeze %dma_start3A_1432 : memref<1x50x128xf32, #tpu.memory_space<hbm>> -> memref<50x128xf32, #tpu.memory_space<hbm>>
      %dma_start3A_1434 = arith.constant 0 : i32
      %dma_start3A_1435 = arith.constant 0 : i32
      %dma_start3A_1436 = tpu.memref_slice %arg6[%dma_start3A_1418, %dma_start3A_1434, %dma_start3A_1435] : memref<8x50x128xf32, #tpu.memory_space<vmem>> -> memref<1x50x128xf32, #tpu.memory_space<vmem>>
      %dma_start3A_1437 = tpu.memref_squeeze %dma_start3A_1436 : memref<1x50x128xf32, #tpu.memory_space<vmem>> -> memref<50x128xf32, #tpu.memory_space<vmem>>
      tpu.enqueue_dma source(%dma_start3A_1437 : memref<50x128xf32, #tpu.memory_space<vmem>>) target(%dma_start3A_1433 : memref<50x128xf32, #tpu.memory_space<hbm>>) target_semaphore(%dma_start3A_1429 : memref<!tpu.dma_semaphore, #tpu.memory_space<semaphore_mem>>)
      %dma_wait3A_1438 = arith.constant 3 : i32
      %dma_wait3A_1439 = arith.constant 3 : i32
      %dma_wait3A_1440 = arith.constant 0 : i32
      %dma_wait3A_1441 = arith.constant 0 : i32
      %dma_wait3A_1442 = tpu.memref_slice %arg6[%dma_wait3A_1438, %dma_wait3A_1440, %dma_wait3A_1441] : memref<8x50x128xf32, #tpu.memory_space<vmem>> -> memref<1x50x128xf32, #tpu.memory_space<vmem>>
      %dma_wait3A_1443 = tpu.memref_squeeze %dma_wait3A_1442 : memref<1x50x128xf32, #tpu.memory_space<vmem>> -> memref<50x128xf32, #tpu.memory_space<vmem>>
      %dma_wait3A_1444 = arith.constant 0 : i32
      %dma_wait3A_1445 = arith.constant 0 : i32
      %dma_wait3A_1446 = tpu.memref_slice %arg4[%mul3A_2, %dma_wait3A_1444, %dma_wait3A_1445] : memref<4096x50x128xf32, #tpu.memory_space<hbm>> -> memref<1x50x128xf32, #tpu.memory_space<hbm>>
      %dma_wait3A_1447 = tpu.memref_squeeze %dma_wait3A_1446 : memref<1x50x128xf32, #tpu.memory_space<hbm>> -> memref<50x128xf32, #tpu.memory_space<hbm>>
      %dma_wait3A_1448 = tpu.memref_slice %arg8[%dma_wait3A_1439] : memref<8x!tpu.dma_semaphore, #tpu.memory_space<semaphore_mem>> -> memref<1x!tpu.dma_semaphore, #tpu.memory_space<semaphore_mem>>
      %dma_wait3A_1449 = tpu.memref_squeeze %dma_wait3A_1448 : memref<1x!tpu.dma_semaphore, #tpu.memory_space<semaphore_mem>> -> memref<!tpu.dma_semaphore, #tpu.memory_space<semaphore_mem>>
      %dma_wait3A_1450 = arith.constant 0 : i32
      %dma_wait3A_1451 = arith.constant 0 : i32
      %dma_wait3A_1452 = tpu.memref_slice %arg4[%mul3A_2, %dma_wait3A_1450, %dma_wait3A_1451] : memref<4096x50x128xf32, #tpu.memory_space<hbm>> -> memref<1x50x128xf32, #tpu.memory_space<hbm>>
      %dma_wait3A_1453 = tpu.memref_squeeze %dma_wait3A_1452 : memref<1x50x128xf32, #tpu.memory_space<hbm>> -> memref<50x128xf32, #tpu.memory_space<hbm>>
      %dma_wait3A_1454 = arith.constant 0 : i32
      %dma_wait3A_1455 = arith.constant 0 : i32
      %dma_wait3A_1456 = tpu.memref_slice %arg6[%dma_wait3A_1438, %dma_wait3A_1454, %dma_wait3A_1455] : memref<8x50x128xf32, #tpu.memory_space<vmem>> -> memref<1x50x128xf32, #tpu.memory_space<vmem>>
      %dma_wait3A_1457 = tpu.memref_squeeze %dma_wait3A_1456 : memref<1x50x128xf32, #tpu.memory_space<vmem>> -> memref<50x128xf32, #tpu.memory_space<vmem>>
      tpu.wait_dma2 semaphore(%dma_wait3A_1449 : memref<!tpu.dma_semaphore, #tpu.memory_space<semaphore_mem>>) src(%dma_wait3A_1457 : memref<50x128xf32, #tpu.memory_space<vmem>>) dst(%dma_wait3A_1453 : memref<50x128xf32, #tpu.memory_space<hbm>>)
      %sub3A_1458 = arith.constant 1 : i32
      %sub3A_1459 = arith.subi %add3A_1403, %sub3A_1458 : i32
      %add3A_1460 = arith.constant 8 : i32
      %add3A_1461 = arith.addi %sub3A_1459, %add3A_1460 : i32
      %mul3A_1462 = arith.constant 56 : i32
      %mul3A_1463 = arith.muli %add3A_1461, %mul3A_1462 : i32
      %dma_start3A_1464 = arith.constant 3 : i32
      %dma_start3A_1465 = arith.constant 3 : i32
      %dma_start3A_1466 = arith.constant 0 : i32
      %dma_start3A_1467 = arith.constant 0 : i32
      %dma_start3A_1468 = tpu.memref_slice %arg6[%dma_start3A_1464, %dma_start3A_1466, %dma_start3A_1467] : memref<8x50x128xf32, #tpu.memory_space<vmem>> -> memref<1x50x128xf32, #tpu.memory_space<vmem>>
      %dma_start3A_1469 = tpu.memref_squeeze %dma_start3A_1468 : memref<1x50x128xf32, #tpu.memory_space<vmem>> -> memref<50x128xf32, #tpu.memory_space<vmem>>
      %dma_start3A_1470 = tpu.memref_slice %arg5[%mul3A_1463] : memref<7168xi32, #tpu.memory_space<vmem>> -> memref<50xi32, #tpu.memory_space<vmem>>
      %dma_start3A_1471 = arith.constant 0 : i32
      %dma_start3A_1472 = arith.constant 0 : i32
      %dma_start3A_1473 = tpu.memref_slice %arg3[%dma_start3A_1471, %dma_start3A_1472] : memref<100000x128xf32, #tpu.memory_space<hbm>> -> memref<100000x128xf32, #tpu.memory_space<hbm>>
      %dma_start3A_1474 = tpu.memref_slice %arg7[%dma_start3A_1465] : memref<8x!tpu.dma_semaphore, #tpu.memory_space<semaphore_mem>> -> memref<1x!tpu.dma_semaphore, #tpu.memory_space<semaphore_mem>>
      %dma_start3A_1475 = tpu.memref_squeeze %dma_start3A_1474 : memref<1x!tpu.dma_semaphore, #tpu.memory_space<semaphore_mem>> -> memref<!tpu.dma_semaphore, #tpu.memory_space<semaphore_mem>>
      tpu.enqueue_indirect_dma source(%dma_start3A_1473 : memref<100000x128xf32, #tpu.memory_space<hbm>>) target(%dma_start3A_1469 : memref<50x128xf32, #tpu.memory_space<vmem>>) offsets(%dma_start3A_1470 : memref<50xi32, #tpu.memory_space<vmem>>) semaphore(%dma_start3A_1475 : memref<!tpu.dma_semaphore, #tpu.memory_space<semaphore_mem>>)
      %mul3A_1476 = arith.constant 8 : i32
      %mul3A_1477 = arith.muli %scan3A_1096, %mul3A_1476 : i32
      %add3A_1478 = arith.constant 5 : i32
      %add3A_1479 = arith.addi %mul3A_1477, %add3A_1478 : i32
      %dma_wait3A_1480 = arith.constant 5 : i32
      %dma_wait3A_1481 = arith.constant 5 : i32
      %dma_wait3A_1482 = arith.constant 0 : i32
      %dma_wait3A_1483 = arith.constant 0 : i32
      %dma_wait3A_1484 = tpu.memref_slice %arg6[%dma_wait3A_1480, %dma_wait3A_1482, %dma_wait3A_1483] : memref<8x50x128xf32, #tpu.memory_space<vmem>> -> memref<1x50x128xf32, #tpu.memory_space<vmem>>
      %dma_wait3A_1485 = tpu.memref_squeeze %dma_wait3A_1484 : memref<1x50x128xf32, #tpu.memory_space<vmem>> -> memref<50x128xf32, #tpu.memory_space<vmem>>
      %dma_wait3A_1486 = arith.constant 0 : i32
      %dma_wait3A_1487 = tpu.memref_slice %arg5[%dma_wait3A_1486] : memref<7168xi32, #tpu.memory_space<vmem>> -> memref<50xi32, #tpu.memory_space<vmem>>
      %dma_wait3A_1488 = arith.constant 0 : i32
      %dma_wait3A_1489 = arith.constant 0 : i32
      %dma_wait3A_1490 = tpu.memref_slice %arg3[%dma_wait3A_1488, %dma_wait3A_1489] : memref<100000x128xf32, #tpu.memory_space<hbm>> -> memref<100000x128xf32, #tpu.memory_space<hbm>>
      %dma_wait3A_1491 = tpu.memref_slice %arg7[%dma_wait3A_1481] : memref<8x!tpu.dma_semaphore, #tpu.memory_space<semaphore_mem>> -> memref<1x!tpu.dma_semaphore, #tpu.memory_space<semaphore_mem>>
      %dma_wait3A_1492 = tpu.memref_squeeze %dma_wait3A_1491 : memref<1x!tpu.dma_semaphore, #tpu.memory_space<semaphore_mem>> -> memref<!tpu.dma_semaphore, #tpu.memory_space<semaphore_mem>>
      tpu.wait_indirect_dma semaphore(%dma_wait3A_1492 : memref<!tpu.dma_semaphore, #tpu.memory_space<semaphore_mem>>) src(%dma_wait3A_1490 : memref<100000x128xf32, #tpu.memory_space<hbm>>) dst(%dma_wait3A_1485 : memref<50x128xf32, #tpu.memory_space<vmem>>)
      %add3A_1493 = arith.addi %mul3A_2, %add3A_1479 : i32
      %dma_start3A_1494 = arith.constant 5 : i32
      %dma_start3A_1495 = arith.constant 5 : i32
      %dma_start3A_1496 = arith.constant 0 : i32
      %dma_start3A_1497 = arith.constant 0 : i32
      %dma_start3A_1498 = tpu.memref_slice %arg6[%dma_start3A_1494, %dma_start3A_1496, %dma_start3A_1497] : memref<8x50x128xf32, #tpu.memory_space<vmem>> -> memref<1x50x128xf32, #tpu.memory_space<vmem>>
      %dma_start3A_1499 = tpu.memref_squeeze %dma_start3A_1498 : memref<1x50x128xf32, #tpu.memory_space<vmem>> -> memref<50x128xf32, #tpu.memory_space<vmem>>
      %dma_start3A_1500 = arith.constant 0 : i32
      %dma_start3A_1501 = arith.constant 0 : i32
      %dma_start3A_1502 = tpu.memref_slice %arg4[%add3A_1493, %dma_start3A_1500, %dma_start3A_1501] : memref<4096x50x128xf32, #tpu.memory_space<hbm>> -> memref<1x50x128xf32, #tpu.memory_space<hbm>>
      %dma_start3A_1503 = tpu.memref_squeeze %dma_start3A_1502 : memref<1x50x128xf32, #tpu.memory_space<hbm>> -> memref<50x128xf32, #tpu.memory_space<hbm>>
      %dma_start3A_1504 = tpu.memref_slice %arg8[%dma_start3A_1495] : memref<8x!tpu.dma_semaphore, #tpu.memory_space<semaphore_mem>> -> memref<1x!tpu.dma_semaphore, #tpu.memory_space<semaphore_mem>>
      %dma_start3A_1505 = tpu.memref_squeeze %dma_start3A_1504 : memref<1x!tpu.dma_semaphore, #tpu.memory_space<semaphore_mem>> -> memref<!tpu.dma_semaphore, #tpu.memory_space<semaphore_mem>>
      %dma_start3A_1506 = arith.constant 0 : i32
      %dma_start3A_1507 = arith.constant 0 : i32
      %dma_start3A_1508 = tpu.memref_slice %arg4[%add3A_1493, %dma_start3A_1506, %dma_start3A_1507] : memref<4096x50x128xf32, #tpu.memory_space<hbm>> -> memref<1x50x128xf32, #tpu.memory_space<hbm>>
      %dma_start3A_1509 = tpu.memref_squeeze %dma_start3A_1508 : memref<1x50x128xf32, #tpu.memory_space<hbm>> -> memref<50x128xf32, #tpu.memory_space<hbm>>
      %dma_start3A_1510 = arith.constant 0 : i32
      %dma_start3A_1511 = arith.constant 0 : i32
      %dma_start3A_1512 = tpu.memref_slice %arg6[%dma_start3A_1494, %dma_start3A_1510, %dma_start3A_1511] : memref<8x50x128xf32, #tpu.memory_space<vmem>> -> memref<1x50x128xf32, #tpu.memory_space<vmem>>
      %dma_start3A_1513 = tpu.memref_squeeze %dma_start3A_1512 : memref<1x50x128xf32, #tpu.memory_space<vmem>> -> memref<50x128xf32, #tpu.memory_space<vmem>>
      tpu.enqueue_dma source(%dma_start3A_1513 : memref<50x128xf32, #tpu.memory_space<vmem>>) target(%dma_start3A_1509 : memref<50x128xf32, #tpu.memory_space<hbm>>) target_semaphore(%dma_start3A_1505 : memref<!tpu.dma_semaphore, #tpu.memory_space<semaphore_mem>>)
      %dma_wait3A_1514 = arith.constant 4 : i32
      %dma_wait3A_1515 = arith.constant 4 : i32
      %dma_wait3A_1516 = arith.constant 0 : i32
      %dma_wait3A_1517 = arith.constant 0 : i32
      %dma_wait3A_1518 = tpu.memref_slice %arg6[%dma_wait3A_1514, %dma_wait3A_1516, %dma_wait3A_1517] : memref<8x50x128xf32, #tpu.memory_space<vmem>> -> memref<1x50x128xf32, #tpu.memory_space<vmem>>
      %dma_wait3A_1519 = tpu.memref_squeeze %dma_wait3A_1518 : memref<1x50x128xf32, #tpu.memory_space<vmem>> -> memref<50x128xf32, #tpu.memory_space<vmem>>
      %dma_wait3A_1520 = arith.constant 0 : i32
      %dma_wait3A_1521 = arith.constant 0 : i32
      %dma_wait3A_1522 = tpu.memref_slice %arg4[%mul3A_2, %dma_wait3A_1520, %dma_wait3A_1521] : memref<4096x50x128xf32, #tpu.memory_space<hbm>> -> memref<1x50x128xf32, #tpu.memory_space<hbm>>
      %dma_wait3A_1523 = tpu.memref_squeeze %dma_wait3A_1522 : memref<1x50x128xf32, #tpu.memory_space<hbm>> -> memref<50x128xf32, #tpu.memory_space<hbm>>
      %dma_wait3A_1524 = tpu.memref_slice %arg8[%dma_wait3A_1515] : memref<8x!tpu.dma_semaphore, #tpu.memory_space<semaphore_mem>> -> memref<1x!tpu.dma_semaphore, #tpu.memory_space<semaphore_mem>>
      %dma_wait3A_1525 = tpu.memref_squeeze %dma_wait3A_1524 : memref<1x!tpu.dma_semaphore, #tpu.memory_space<semaphore_mem>> -> memref<!tpu.dma_semaphore, #tpu.memory_space<semaphore_mem>>
      %dma_wait3A_1526 = arith.constant 0 : i32
      %dma_wait3A_1527 = arith.constant 0 : i32
      %dma_wait3A_1528 = tpu.memref_slice %arg4[%mul3A_2, %dma_wait3A_1526, %dma_wait3A_1527] : memref<4096x50x128xf32, #tpu.memory_space<hbm>> -> memref<1x50x128xf32, #tpu.memory_space<hbm>>
      %dma_wait3A_1529 = tpu.memref_squeeze %dma_wait3A_1528 : memref<1x50x128xf32, #tpu.memory_space<hbm>> -> memref<50x128xf32, #tpu.memory_space<hbm>>
      %dma_wait3A_1530 = arith.constant 0 : i32
      %dma_wait3A_1531 = arith.constant 0 : i32
      %dma_wait3A_1532 = tpu.memref_slice %arg6[%dma_wait3A_1514, %dma_wait3A_1530, %dma_wait3A_1531] : memref<8x50x128xf32, #tpu.memory_space<vmem>> -> memref<1x50x128xf32, #tpu.memory_space<vmem>>
      %dma_wait3A_1533 = tpu.memref_squeeze %dma_wait3A_1532 : memref<1x50x128xf32, #tpu.memory_space<vmem>> -> memref<50x128xf32, #tpu.memory_space<vmem>>
      tpu.wait_dma2 semaphore(%dma_wait3A_1525 : memref<!tpu.dma_semaphore, #tpu.memory_space<semaphore_mem>>) src(%dma_wait3A_1533 : memref<50x128xf32, #tpu.memory_space<vmem>>) dst(%dma_wait3A_1529 : memref<50x128xf32, #tpu.memory_space<hbm>>)
      %sub3A_1534 = arith.constant 1 : i32
      %sub3A_1535 = arith.subi %add3A_1479, %sub3A_1534 : i32
      %add3A_1536 = arith.constant 8 : i32
      %add3A_1537 = arith.addi %sub3A_1535, %add3A_1536 : i32
      %mul3A_1538 = arith.constant 56 : i32
      %mul3A_1539 = arith.muli %add3A_1537, %mul3A_1538 : i32
      %dma_start3A_1540 = arith.constant 4 : i32
      %dma_start3A_1541 = arith.constant 4 : i32
      %dma_start3A_1542 = arith.constant 0 : i32
      %dma_start3A_1543 = arith.constant 0 : i32
      %dma_start3A_1544 = tpu.memref_slice %arg6[%dma_start3A_1540, %dma_start3A_1542, %dma_start3A_1543] : memref<8x50x128xf32, #tpu.memory_space<vmem>> -> memref<1x50x128xf32, #tpu.memory_space<vmem>>
      %dma_start3A_1545 = tpu.memref_squeeze %dma_start3A_1544 : memref<1x50x128xf32, #tpu.memory_space<vmem>> -> memref<50x128xf32, #tpu.memory_space<vmem>>
      %dma_start3A_1546 = tpu.memref_slice %arg5[%mul3A_1539] : memref<7168xi32, #tpu.memory_space<vmem>> -> memref<50xi32, #tpu.memory_space<vmem>>
      %dma_start3A_1547 = arith.constant 0 : i32
      %dma_start3A_1548 = arith.constant 0 : i32
      %dma_start3A_1549 = tpu.memref_slice %arg3[%dma_start3A_1547, %dma_start3A_1548] : memref<100000x128xf32, #tpu.memory_space<hbm>> -> memref<100000x128xf32, #tpu.memory_space<hbm>>
      %dma_start3A_1550 = tpu.memref_slice %arg7[%dma_start3A_1541] : memref<8x!tpu.dma_semaphore, #tpu.memory_space<semaphore_mem>> -> memref<1x!tpu.dma_semaphore, #tpu.memory_space<semaphore_mem>>
      %dma_start3A_1551 = tpu.memref_squeeze %dma_start3A_1550 : memref<1x!tpu.dma_semaphore, #tpu.memory_space<semaphore_mem>> -> memref<!tpu.dma_semaphore, #tpu.memory_space<semaphore_mem>>
      tpu.enqueue_indirect_dma source(%dma_start3A_1549 : memref<100000x128xf32, #tpu.memory_space<hbm>>) target(%dma_start3A_1545 : memref<50x128xf32, #tpu.memory_space<vmem>>) offsets(%dma_start3A_1546 : memref<50xi32, #tpu.memory_space<vmem>>) semaphore(%dma_start3A_1551 : memref<!tpu.dma_semaphore, #tpu.memory_space<semaphore_mem>>)
      %mul3A_1552 = arith.constant 8 : i32
      %mul3A_1553 = arith.muli %scan3A_1096, %mul3A_1552 : i32
      %add3A_1554 = arith.constant 6 : i32
      %add3A_1555 = arith.addi %mul3A_1553, %add3A_1554 : i32
      %dma_wait3A_1556 = arith.constant 6 : i32
      %dma_wait3A_1557 = arith.constant 6 : i32
      %dma_wait3A_1558 = arith.constant 0 : i32
      %dma_wait3A_1559 = arith.constant 0 : i32
      %dma_wait3A_1560 = tpu.memref_slice %arg6[%dma_wait3A_1556, %dma_wait3A_1558, %dma_wait3A_1559] : memref<8x50x128xf32, #tpu.memory_space<vmem>> -> memref<1x50x128xf32, #tpu.memory_space<vmem>>
      %dma_wait3A_1561 = tpu.memref_squeeze %dma_wait3A_1560 : memref<1x50x128xf32, #tpu.memory_space<vmem>> -> memref<50x128xf32, #tpu.memory_space<vmem>>
      %dma_wait3A_1562 = arith.constant 0 : i32
      %dma_wait3A_1563 = tpu.memref_slice %arg5[%dma_wait3A_1562] : memref<7168xi32, #tpu.memory_space<vmem>> -> memref<50xi32, #tpu.memory_space<vmem>>
      %dma_wait3A_1564 = arith.constant 0 : i32
      %dma_wait3A_1565 = arith.constant 0 : i32
      %dma_wait3A_1566 = tpu.memref_slice %arg3[%dma_wait3A_1564, %dma_wait3A_1565] : memref<100000x128xf32, #tpu.memory_space<hbm>> -> memref<100000x128xf32, #tpu.memory_space<hbm>>
      %dma_wait3A_1567 = tpu.memref_slice %arg7[%dma_wait3A_1557] : memref<8x!tpu.dma_semaphore, #tpu.memory_space<semaphore_mem>> -> memref<1x!tpu.dma_semaphore, #tpu.memory_space<semaphore_mem>>
      %dma_wait3A_1568 = tpu.memref_squeeze %dma_wait3A_1567 : memref<1x!tpu.dma_semaphore, #tpu.memory_space<semaphore_mem>> -> memref<!tpu.dma_semaphore, #tpu.memory_space<semaphore_mem>>
      tpu.wait_indirect_dma semaphore(%dma_wait3A_1568 : memref<!tpu.dma_semaphore, #tpu.memory_space<semaphore_mem>>) src(%dma_wait3A_1566 : memref<100000x128xf32, #tpu.memory_space<hbm>>) dst(%dma_wait3A_1561 : memref<50x128xf32, #tpu.memory_space<vmem>>)
      %add3A_1569 = arith.addi %mul3A_2, %add3A_1555 : i32
      %dma_start3A_1570 = arith.constant 6 : i32
      %dma_start3A_1571 = arith.constant 6 : i32
      %dma_start3A_1572 = arith.constant 0 : i32
      %dma_start3A_1573 = arith.constant 0 : i32
      %dma_start3A_1574 = tpu.memref_slice %arg6[%dma_start3A_1570, %dma_start3A_1572, %dma_start3A_1573] : memref<8x50x128xf32, #tpu.memory_space<vmem>> -> memref<1x50x128xf32, #tpu.memory_space<vmem>>
      %dma_start3A_1575 = tpu.memref_squeeze %dma_start3A_1574 : memref<1x50x128xf32, #tpu.memory_space<vmem>> -> memref<50x128xf32, #tpu.memory_space<vmem>>
      %dma_start3A_1576 = arith.constant 0 : i32
      %dma_start3A_1577 = arith.constant 0 : i32
      %dma_start3A_1578 = tpu.memref_slice %arg4[%add3A_1569, %dma_start3A_1576, %dma_start3A_1577] : memref<4096x50x128xf32, #tpu.memory_space<hbm>> -> memref<1x50x128xf32, #tpu.memory_space<hbm>>
      %dma_start3A_1579 = tpu.memref_squeeze %dma_start3A_1578 : memref<1x50x128xf32, #tpu.memory_space<hbm>> -> memref<50x128xf32, #tpu.memory_space<hbm>>
      %dma_start3A_1580 = tpu.memref_slice %arg8[%dma_start3A_1571] : memref<8x!tpu.dma_semaphore, #tpu.memory_space<semaphore_mem>> -> memref<1x!tpu.dma_semaphore, #tpu.memory_space<semaphore_mem>>
      %dma_start3A_1581 = tpu.memref_squeeze %dma_start3A_1580 : memref<1x!tpu.dma_semaphore, #tpu.memory_space<semaphore_mem>> -> memref<!tpu.dma_semaphore, #tpu.memory_space<semaphore_mem>>
      %dma_start3A_1582 = arith.constant 0 : i32
      %dma_start3A_1583 = arith.constant 0 : i32
      %dma_start3A_1584 = tpu.memref_slice %arg4[%add3A_1569, %dma_start3A_1582, %dma_start3A_1583] : memref<4096x50x128xf32, #tpu.memory_space<hbm>> -> memref<1x50x128xf32, #tpu.memory_space<hbm>>
      %dma_start3A_1585 = tpu.memref_squeeze %dma_start3A_1584 : memref<1x50x128xf32, #tpu.memory_space<hbm>> -> memref<50x128xf32, #tpu.memory_space<hbm>>
      %dma_start3A_1586 = arith.constant 0 : i32
      %dma_start3A_1587 = arith.constant 0 : i32
      %dma_start3A_1588 = tpu.memref_slice %arg6[%dma_start3A_1570, %dma_start3A_1586, %dma_start3A_1587] : memref<8x50x128xf32, #tpu.memory_space<vmem>> -> memref<1x50x128xf32, #tpu.memory_space<vmem>>
      %dma_start3A_1589 = tpu.memref_squeeze %dma_start3A_1588 : memref<1x50x128xf32, #tpu.memory_space<vmem>> -> memref<50x128xf32, #tpu.memory_space<vmem>>
      tpu.enqueue_dma source(%dma_start3A_1589 : memref<50x128xf32, #tpu.memory_space<vmem>>) target(%dma_start3A_1585 : memref<50x128xf32, #tpu.memory_space<hbm>>) target_semaphore(%dma_start3A_1581 : memref<!tpu.dma_semaphore, #tpu.memory_space<semaphore_mem>>)
      %dma_wait3A_1590 = arith.constant 5 : i32
      %dma_wait3A_1591 = arith.constant 5 : i32
      %dma_wait3A_1592 = arith.constant 0 : i32
      %dma_wait3A_1593 = arith.constant 0 : i32
      %dma_wait3A_1594 = tpu.memref_slice %arg6[%dma_wait3A_1590, %dma_wait3A_1592, %dma_wait3A_1593] : memref<8x50x128xf32, #tpu.memory_space<vmem>> -> memref<1x50x128xf32, #tpu.memory_space<vmem>>
      %dma_wait3A_1595 = tpu.memref_squeeze %dma_wait3A_1594 : memref<1x50x128xf32, #tpu.memory_space<vmem>> -> memref<50x128xf32, #tpu.memory_space<vmem>>
      %dma_wait3A_1596 = arith.constant 0 : i32
      %dma_wait3A_1597 = arith.constant 0 : i32
      %dma_wait3A_1598 = tpu.memref_slice %arg4[%mul3A_2, %dma_wait3A_1596, %dma_wait3A_1597] : memref<4096x50x128xf32, #tpu.memory_space<hbm>> -> memref<1x50x128xf32, #tpu.memory_space<hbm>>
      %dma_wait3A_1599 = tpu.memref_squeeze %dma_wait3A_1598 : memref<1x50x128xf32, #tpu.memory_space<hbm>> -> memref<50x128xf32, #tpu.memory_space<hbm>>
      %dma_wait3A_1600 = tpu.memref_slice %arg8[%dma_wait3A_1591] : memref<8x!tpu.dma_semaphore, #tpu.memory_space<semaphore_mem>> -> memref<1x!tpu.dma_semaphore, #tpu.memory_space<semaphore_mem>>
      %dma_wait3A_1601 = tpu.memref_squeeze %dma_wait3A_1600 : memref<1x!tpu.dma_semaphore, #tpu.memory_space<semaphore_mem>> -> memref<!tpu.dma_semaphore, #tpu.memory_space<semaphore_mem>>
      %dma_wait3A_1602 = arith.constant 0 : i32
      %dma_wait3A_1603 = arith.constant 0 : i32
      %dma_wait3A_1604 = tpu.memref_slice %arg4[%mul3A_2, %dma_wait3A_1602, %dma_wait3A_1603] : memref<4096x50x128xf32, #tpu.memory_space<hbm>> -> memref<1x50x128xf32, #tpu.memory_space<hbm>>
      %dma_wait3A_1605 = tpu.memref_squeeze %dma_wait3A_1604 : memref<1x50x128xf32, #tpu.memory_space<hbm>> -> memref<50x128xf32, #tpu.memory_space<hbm>>
      %dma_wait3A_1606 = arith.constant 0 : i32
      %dma_wait3A_1607 = arith.constant 0 : i32
      %dma_wait3A_1608 = tpu.memref_slice %arg6[%dma_wait3A_1590, %dma_wait3A_1606, %dma_wait3A_1607] : memref<8x50x128xf32, #tpu.memory_space<vmem>> -> memref<1x50x128xf32, #tpu.memory_space<vmem>>
      %dma_wait3A_1609 = tpu.memref_squeeze %dma_wait3A_1608 : memref<1x50x128xf32, #tpu.memory_space<vmem>> -> memref<50x128xf32, #tpu.memory_space<vmem>>
      tpu.wait_dma2 semaphore(%dma_wait3A_1601 : memref<!tpu.dma_semaphore, #tpu.memory_space<semaphore_mem>>) src(%dma_wait3A_1609 : memref<50x128xf32, #tpu.memory_space<vmem>>) dst(%dma_wait3A_1605 : memref<50x128xf32, #tpu.memory_space<hbm>>)
      %sub3A_1610 = arith.constant 1 : i32
      %sub3A_1611 = arith.subi %add3A_1555, %sub3A_1610 : i32
      %add3A_1612 = arith.constant 8 : i32
      %add3A_1613 = arith.addi %sub3A_1611, %add3A_1612 : i32
      %mul3A_1614 = arith.constant 56 : i32
      %mul3A_1615 = arith.muli %add3A_1613, %mul3A_1614 : i32
      %dma_start3A_1616 = arith.constant 5 : i32
      %dma_start3A_1617 = arith.constant 5 : i32
      %dma_start3A_1618 = arith.constant 0 : i32
      %dma_start3A_1619 = arith.constant 0 : i32
      %dma_start3A_1620 = tpu.memref_slice %arg6[%dma_start3A_1616, %dma_start3A_1618, %dma_start3A_1619] : memref<8x50x128xf32, #tpu.memory_space<vmem>> -> memref<1x50x128xf32, #tpu.memory_space<vmem>>
      %dma_start3A_1621 = tpu.memref_squeeze %dma_start3A_1620 : memref<1x50x128xf32, #tpu.memory_space<vmem>> -> memref<50x128xf32, #tpu.memory_space<vmem>>
      %dma_start3A_1622 = tpu.memref_slice %arg5[%mul3A_1615] : memref<7168xi32, #tpu.memory_space<vmem>> -> memref<50xi32, #tpu.memory_space<vmem>>
      %dma_start3A_1623 = arith.constant 0 : i32
      %dma_start3A_1624 = arith.constant 0 : i32
      %dma_start3A_1625 = tpu.memref_slice %arg3[%dma_start3A_1623, %dma_start3A_1624] : memref<100000x128xf32, #tpu.memory_space<hbm>> -> memref<100000x128xf32, #tpu.memory_space<hbm>>
      %dma_start3A_1626 = tpu.memref_slice %arg7[%dma_start3A_1617] : memref<8x!tpu.dma_semaphore, #tpu.memory_space<semaphore_mem>> -> memref<1x!tpu.dma_semaphore, #tpu.memory_space<semaphore_mem>>
      %dma_start3A_1627 = tpu.memref_squeeze %dma_start3A_1626 : memref<1x!tpu.dma_semaphore, #tpu.memory_space<semaphore_mem>> -> memref<!tpu.dma_semaphore, #tpu.memory_space<semaphore_mem>>
      tpu.enqueue_indirect_dma source(%dma_start3A_1625 : memref<100000x128xf32, #tpu.memory_space<hbm>>) target(%dma_start3A_1621 : memref<50x128xf32, #tpu.memory_space<vmem>>) offsets(%dma_start3A_1622 : memref<50xi32, #tpu.memory_space<vmem>>) semaphore(%dma_start3A_1627 : memref<!tpu.dma_semaphore, #tpu.memory_space<semaphore_mem>>)
      %mul3A_1628 = arith.constant 8 : i32
      %mul3A_1629 = arith.muli %scan3A_1096, %mul3A_1628 : i32
      %add3A_1630 = arith.constant 7 : i32
      %add3A_1631 = arith.addi %mul3A_1629, %add3A_1630 : i32
      %dma_wait3A_1632 = arith.constant 7 : i32
      %dma_wait3A_1633 = arith.constant 7 : i32
      %dma_wait3A_1634 = arith.constant 0 : i32
      %dma_wait3A_1635 = arith.constant 0 : i32
      %dma_wait3A_1636 = tpu.memref_slice %arg6[%dma_wait3A_1632, %dma_wait3A_1634, %dma_wait3A_1635] : memref<8x50x128xf32, #tpu.memory_space<vmem>> -> memref<1x50x128xf32, #tpu.memory_space<vmem>>
      %dma_wait3A_1637 = tpu.memref_squeeze %dma_wait3A_1636 : memref<1x50x128xf32, #tpu.memory_space<vmem>> -> memref<50x128xf32, #tpu.memory_space<vmem>>
      %dma_wait3A_1638 = arith.constant 0 : i32
      %dma_wait3A_1639 = tpu.memref_slice %arg5[%dma_wait3A_1638] : memref<7168xi32, #tpu.memory_space<vmem>> -> memref<50xi32, #tpu.memory_space<vmem>>
      %dma_wait3A_1640 = arith.constant 0 : i32
      %dma_wait3A_1641 = arith.constant 0 : i32
      %dma_wait3A_1642 = tpu.memref_slice %arg3[%dma_wait3A_1640, %dma_wait3A_1641] : memref<100000x128xf32, #tpu.memory_space<hbm>> -> memref<100000x128xf32, #tpu.memory_space<hbm>>
      %dma_wait3A_1643 = tpu.memref_slice %arg7[%dma_wait3A_1633] : memref<8x!tpu.dma_semaphore, #tpu.memory_space<semaphore_mem>> -> memref<1x!tpu.dma_semaphore, #tpu.memory_space<semaphore_mem>>
      %dma_wait3A_1644 = tpu.memref_squeeze %dma_wait3A_1643 : memref<1x!tpu.dma_semaphore, #tpu.memory_space<semaphore_mem>> -> memref<!tpu.dma_semaphore, #tpu.memory_space<semaphore_mem>>
      tpu.wait_indirect_dma semaphore(%dma_wait3A_1644 : memref<!tpu.dma_semaphore, #tpu.memory_space<semaphore_mem>>) src(%dma_wait3A_1642 : memref<100000x128xf32, #tpu.memory_space<hbm>>) dst(%dma_wait3A_1637 : memref<50x128xf32, #tpu.memory_space<vmem>>)
      %add3A_1645 = arith.addi %mul3A_2, %add3A_1631 : i32
      %dma_start3A_1646 = arith.constant 7 : i32
      %dma_start3A_1647 = arith.constant 7 : i32
      %dma_start3A_1648 = arith.constant 0 : i32
      %dma_start3A_1649 = arith.constant 0 : i32
      %dma_start3A_1650 = tpu.memref_slice %arg6[%dma_start3A_1646, %dma_start3A_1648, %dma_start3A_1649] : memref<8x50x128xf32, #tpu.memory_space<vmem>> -> memref<1x50x128xf32, #tpu.memory_space<vmem>>
      %dma_start3A_1651 = tpu.memref_squeeze %dma_start3A_1650 : memref<1x50x128xf32, #tpu.memory_space<vmem>> -> memref<50x128xf32, #tpu.memory_space<vmem>>
      %dma_start3A_1652 = arith.constant 0 : i32
      %dma_start3A_1653 = arith.constant 0 : i32
      %dma_start3A_1654 = tpu.memref_slice %arg4[%add3A_1645, %dma_start3A_1652, %dma_start3A_1653] : memref<4096x50x128xf32, #tpu.memory_space<hbm>> -> memref<1x50x128xf32, #tpu.memory_space<hbm>>
      %dma_start3A_1655 = tpu.memref_squeeze %dma_start3A_1654 : memref<1x50x128xf32, #tpu.memory_space<hbm>> -> memref<50x128xf32, #tpu.memory_space<hbm>>
      %dma_start3A_1656 = tpu.memref_slice %arg8[%dma_start3A_1647] : memref<8x!tpu.dma_semaphore, #tpu.memory_space<semaphore_mem>> -> memref<1x!tpu.dma_semaphore, #tpu.memory_space<semaphore_mem>>
      %dma_start3A_1657 = tpu.memref_squeeze %dma_start3A_1656 : memref<1x!tpu.dma_semaphore, #tpu.memory_space<semaphore_mem>> -> memref<!tpu.dma_semaphore, #tpu.memory_space<semaphore_mem>>
      %dma_start3A_1658 = arith.constant 0 : i32
      %dma_start3A_1659 = arith.constant 0 : i32
      %dma_start3A_1660 = tpu.memref_slice %arg4[%add3A_1645, %dma_start3A_1658, %dma_start3A_1659] : memref<4096x50x128xf32, #tpu.memory_space<hbm>> -> memref<1x50x128xf32, #tpu.memory_space<hbm>>
      %dma_start3A_1661 = tpu.memref_squeeze %dma_start3A_1660 : memref<1x50x128xf32, #tpu.memory_space<hbm>> -> memref<50x128xf32, #tpu.memory_space<hbm>>
      %dma_start3A_1662 = arith.constant 0 : i32
      %dma_start3A_1663 = arith.constant 0 : i32
      %dma_start3A_1664 = tpu.memref_slice %arg6[%dma_start3A_1646, %dma_start3A_1662, %dma_start3A_1663] : memref<8x50x128xf32, #tpu.memory_space<vmem>> -> memref<1x50x128xf32, #tpu.memory_space<vmem>>
      %dma_start3A_1665 = tpu.memref_squeeze %dma_start3A_1664 : memref<1x50x128xf32, #tpu.memory_space<vmem>> -> memref<50x128xf32, #tpu.memory_space<vmem>>
      tpu.enqueue_dma source(%dma_start3A_1665 : memref<50x128xf32, #tpu.memory_space<vmem>>) target(%dma_start3A_1661 : memref<50x128xf32, #tpu.memory_space<hbm>>) target_semaphore(%dma_start3A_1657 : memref<!tpu.dma_semaphore, #tpu.memory_space<semaphore_mem>>)
      %dma_wait3A_1666 = arith.constant 6 : i32
      %dma_wait3A_1667 = arith.constant 6 : i32
      %dma_wait3A_1668 = arith.constant 0 : i32
      %dma_wait3A_1669 = arith.constant 0 : i32
      %dma_wait3A_1670 = tpu.memref_slice %arg6[%dma_wait3A_1666, %dma_wait3A_1668, %dma_wait3A_1669] : memref<8x50x128xf32, #tpu.memory_space<vmem>> -> memref<1x50x128xf32, #tpu.memory_space<vmem>>
      %dma_wait3A_1671 = tpu.memref_squeeze %dma_wait3A_1670 : memref<1x50x128xf32, #tpu.memory_space<vmem>> -> memref<50x128xf32, #tpu.memory_space<vmem>>
      %dma_wait3A_1672 = arith.constant 0 : i32
      %dma_wait3A_1673 = arith.constant 0 : i32
      %dma_wait3A_1674 = tpu.memref_slice %arg4[%mul3A_2, %dma_wait3A_1672, %dma_wait3A_1673] : memref<4096x50x128xf32, #tpu.memory_space<hbm>> -> memref<1x50x128xf32, #tpu.memory_space<hbm>>
      %dma_wait3A_1675 = tpu.memref_squeeze %dma_wait3A_1674 : memref<1x50x128xf32, #tpu.memory_space<hbm>> -> memref<50x128xf32, #tpu.memory_space<hbm>>
      %dma_wait3A_1676 = tpu.memref_slice %arg8[%dma_wait3A_1667] : memref<8x!tpu.dma_semaphore, #tpu.memory_space<semaphore_mem>> -> memref<1x!tpu.dma_semaphore, #tpu.memory_space<semaphore_mem>>
      %dma_wait3A_1677 = tpu.memref_squeeze %dma_wait3A_1676 : memref<1x!tpu.dma_semaphore, #tpu.memory_space<semaphore_mem>> -> memref<!tpu.dma_semaphore, #tpu.memory_space<semaphore_mem>>
      %dma_wait3A_1678 = arith.constant 0 : i32
      %dma_wait3A_1679 = arith.constant 0 : i32
      %dma_wait3A_1680 = tpu.memref_slice %arg4[%mul3A_2, %dma_wait3A_1678, %dma_wait3A_1679] : memref<4096x50x128xf32, #tpu.memory_space<hbm>> -> memref<1x50x128xf32, #tpu.memory_space<hbm>>
      %dma_wait3A_1681 = tpu.memref_squeeze %dma_wait3A_1680 : memref<1x50x128xf32, #tpu.memory_space<hbm>> -> memref<50x128xf32, #tpu.memory_space<hbm>>
      %dma_wait3A_1682 = arith.constant 0 : i32
      %dma_wait3A_1683 = arith.constant 0 : i32
      %dma_wait3A_1684 = tpu.memref_slice %arg6[%dma_wait3A_1666, %dma_wait3A_1682, %dma_wait3A_1683] : memref<8x50x128xf32, #tpu.memory_space<vmem>> -> memref<1x50x128xf32, #tpu.memory_space<vmem>>
      %dma_wait3A_1685 = tpu.memref_squeeze %dma_wait3A_1684 : memref<1x50x128xf32, #tpu.memory_space<vmem>> -> memref<50x128xf32, #tpu.memory_space<vmem>>
      tpu.wait_dma2 semaphore(%dma_wait3A_1677 : memref<!tpu.dma_semaphore, #tpu.memory_space<semaphore_mem>>) src(%dma_wait3A_1685 : memref<50x128xf32, #tpu.memory_space<vmem>>) dst(%dma_wait3A_1681 : memref<50x128xf32, #tpu.memory_space<hbm>>)
      %sub3A_1686 = arith.constant 1 : i32
      %sub3A_1687 = arith.subi %add3A_1631, %sub3A_1686 : i32
      %add3A_1688 = arith.constant 8 : i32
      %add3A_1689 = arith.addi %sub3A_1687, %add3A_1688 : i32
      %mul3A_1690 = arith.constant 56 : i32
      %mul3A_1691 = arith.muli %add3A_1689, %mul3A_1690 : i32
      %dma_start3A_1692 = arith.constant 6 : i32
      %dma_start3A_1693 = arith.constant 6 : i32
      %dma_start3A_1694 = arith.constant 0 : i32
      %dma_start3A_1695 = arith.constant 0 : i32
      %dma_start3A_1696 = tpu.memref_slice %arg6[%dma_start3A_1692, %dma_start3A_1694, %dma_start3A_1695] : memref<8x50x128xf32, #tpu.memory_space<vmem>> -> memref<1x50x128xf32, #tpu.memory_space<vmem>>
      %dma_start3A_1697 = tpu.memref_squeeze %dma_start3A_1696 : memref<1x50x128xf32, #tpu.memory_space<vmem>> -> memref<50x128xf32, #tpu.memory_space<vmem>>
      %dma_start3A_1698 = tpu.memref_slice %arg5[%mul3A_1691] : memref<7168xi32, #tpu.memory_space<vmem>> -> memref<50xi32, #tpu.memory_space<vmem>>
      %dma_start3A_1699 = arith.constant 0 : i32
      %dma_start3A_1700 = arith.constant 0 : i32
      %dma_start3A_1701 = tpu.memref_slice %arg3[%dma_start3A_1699, %dma_start3A_1700] : memref<100000x128xf32, #tpu.memory_space<hbm>> -> memref<100000x128xf32, #tpu.memory_space<hbm>>
      %dma_start3A_1702 = tpu.memref_slice %arg7[%dma_start3A_1693] : memref<8x!tpu.dma_semaphore, #tpu.memory_space<semaphore_mem>> -> memref<1x!tpu.dma_semaphore, #tpu.memory_space<semaphore_mem>>
      %dma_start3A_1703 = tpu.memref_squeeze %dma_start3A_1702 : memref<1x!tpu.dma_semaphore, #tpu.memory_space<semaphore_mem>> -> memref<!tpu.dma_semaphore, #tpu.memory_space<semaphore_mem>>
      tpu.enqueue_indirect_dma source(%dma_start3A_1701 : memref<100000x128xf32, #tpu.memory_space<hbm>>) target(%dma_start3A_1697 : memref<50x128xf32, #tpu.memory_space<vmem>>) offsets(%dma_start3A_1698 : memref<50xi32, #tpu.memory_space<vmem>>) semaphore(%dma_start3A_1703 : memref<!tpu.dma_semaphore, #tpu.memory_space<semaphore_mem>>)
    }
    %scan3A_622 = arith.constant 14 : i32
    %dma_wait3A_623 = arith.constant 0 : i32
    %dma_wait3A_624 = arith.constant 0 : i32
    %dma_wait3A_625 = arith.constant 0 : i32
    %dma_wait3A_626 = arith.constant 0 : i32
    %dma_wait3A_627 = tpu.memref_slice %arg6[%dma_wait3A_623, %dma_wait3A_625, %dma_wait3A_626] : memref<8x50x128xf32, #tpu.memory_space<vmem>> -> memref<1x50x128xf32, #tpu.memory_space<vmem>>
    %dma_wait3A_628 = tpu.memref_squeeze %dma_wait3A_627 : memref<1x50x128xf32, #tpu.memory_space<vmem>> -> memref<50x128xf32, #tpu.memory_space<vmem>>
    %dma_wait3A_629 = arith.constant 0 : i32
    %dma_wait3A_630 = tpu.memref_slice %arg5[%dma_wait3A_629] : memref<7168xi32, #tpu.memory_space<vmem>> -> memref<50xi32, #tpu.memory_space<vmem>>
    %dma_wait3A_631 = arith.constant 0 : i32
    %dma_wait3A_632 = arith.constant 0 : i32
    %dma_wait3A_633 = tpu.memref_slice %arg3[%dma_wait3A_631, %dma_wait3A_632] : memref<100000x128xf32, #tpu.memory_space<hbm>> -> memref<100000x128xf32, #tpu.memory_space<hbm>>
    %dma_wait3A_634 = tpu.memref_slice %arg7[%dma_wait3A_624] : memref<8x!tpu.dma_semaphore, #tpu.memory_space<semaphore_mem>> -> memref<1x!tpu.dma_semaphore, #tpu.memory_space<semaphore_mem>>
    %dma_wait3A_635 = tpu.memref_squeeze %dma_wait3A_634 : memref<1x!tpu.dma_semaphore, #tpu.memory_space<semaphore_mem>> -> memref<!tpu.dma_semaphore, #tpu.memory_space<semaphore_mem>>
    tpu.wait_indirect_dma semaphore(%dma_wait3A_635 : memref<!tpu.dma_semaphore, #tpu.memory_space<semaphore_mem>>) src(%dma_wait3A_633 : memref<100000x128xf32, #tpu.memory_space<hbm>>) dst(%dma_wait3A_628 : memref<50x128xf32, #tpu.memory_space<vmem>>)
    %add3A_636 = arith.constant 120 : i32
    %add3A_637 = arith.addi %mul3A_2, %add3A_636 : i32
    %dma_start3A_638 = arith.constant 0 : i32
    %dma_start3A_639 = arith.constant 0 : i32
    %dma_start3A_640 = arith.constant 0 : i32
    %dma_start3A_641 = arith.constant 0 : i32
    %dma_start3A_642 = tpu.memref_slice %arg6[%dma_start3A_638, %dma_start3A_640, %dma_start3A_641] : memref<8x50x128xf32, #tpu.memory_space<vmem>> -> memref<1x50x128xf32, #tpu.memory_space<vmem>>
    %dma_start3A_643 = tpu.memref_squeeze %dma_start3A_642 : memref<1x50x128xf32, #tpu.memory_space<vmem>> -> memref<50x128xf32, #tpu.memory_space<vmem>>
    %dma_start3A_644 = arith.constant 0 : i32
    %dma_start3A_645 = arith.constant 0 : i32
    %dma_start3A_646 = tpu.memref_slice %arg4[%add3A_637, %dma_start3A_644, %dma_start3A_645] : memref<4096x50x128xf32, #tpu.memory_space<hbm>> -> memref<1x50x128xf32, #tpu.memory_space<hbm>>
    %dma_start3A_647 = tpu.memref_squeeze %dma_start3A_646 : memref<1x50x128xf32, #tpu.memory_space<hbm>> -> memref<50x128xf32, #tpu.memory_space<hbm>>
    %dma_start3A_648 = tpu.memref_slice %arg8[%dma_start3A_639] : memref<8x!tpu.dma_semaphore, #tpu.memory_space<semaphore_mem>> -> memref<1x!tpu.dma_semaphore, #tpu.memory_space<semaphore_mem>>
    %dma_start3A_649 = tpu.memref_squeeze %dma_start3A_648 : memref<1x!tpu.dma_semaphore, #tpu.memory_space<semaphore_mem>> -> memref<!tpu.dma_semaphore, #tpu.memory_space<semaphore_mem>>
    %dma_start3A_650 = arith.constant 0 : i32
    %dma_start3A_651 = arith.constant 0 : i32
    %dma_start3A_652 = tpu.memref_slice %arg4[%add3A_637, %dma_start3A_650, %dma_start3A_651] : memref<4096x50x128xf32, #tpu.memory_space<hbm>> -> memref<1x50x128xf32, #tpu.memory_space<hbm>>
    %dma_start3A_653 = tpu.memref_squeeze %dma_start3A_652 : memref<1x50x128xf32, #tpu.memory_space<hbm>> -> memref<50x128xf32, #tpu.memory_space<hbm>>
    %dma_start3A_654 = arith.constant 0 : i32
    %dma_start3A_655 = arith.constant 0 : i32
    %dma_start3A_656 = tpu.memref_slice %arg6[%dma_start3A_638, %dma_start3A_654, %dma_start3A_655] : memref<8x50x128xf32, #tpu.memory_space<vmem>> -> memref<1x50x128xf32, #tpu.memory_space<vmem>>
    %dma_start3A_657 = tpu.memref_squeeze %dma_start3A_656 : memref<1x50x128xf32, #tpu.memory_space<vmem>> -> memref<50x128xf32, #tpu.memory_space<vmem>>
    tpu.enqueue_dma source(%dma_start3A_657 : memref<50x128xf32, #tpu.memory_space<vmem>>) target(%dma_start3A_653 : memref<50x128xf32, #tpu.memory_space<hbm>>) target_semaphore(%dma_start3A_649 : memref<!tpu.dma_semaphore, #tpu.memory_space<semaphore_mem>>)
    %dma_wait3A_658 = arith.constant 7 : i32
    %dma_wait3A_659 = arith.constant 7 : i32
    %dma_wait3A_660 = arith.constant 0 : i32
    %dma_wait3A_661 = arith.constant 0 : i32
    %dma_wait3A_662 = tpu.memref_slice %arg6[%dma_wait3A_658, %dma_wait3A_660, %dma_wait3A_661] : memref<8x50x128xf32, #tpu.memory_space<vmem>> -> memref<1x50x128xf32, #tpu.memory_space<vmem>>
    %dma_wait3A_663 = tpu.memref_squeeze %dma_wait3A_662 : memref<1x50x128xf32, #tpu.memory_space<vmem>> -> memref<50x128xf32, #tpu.memory_space<vmem>>
    %dma_wait3A_664 = arith.constant 0 : i32
    %dma_wait3A_665 = arith.constant 0 : i32
    %dma_wait3A_666 = tpu.memref_slice %arg4[%mul3A_2, %dma_wait3A_664, %dma_wait3A_665] : memref<4096x50x128xf32, #tpu.memory_space<hbm>> -> memref<1x50x128xf32, #tpu.memory_space<hbm>>
    %dma_wait3A_667 = tpu.memref_squeeze %dma_wait3A_666 : memref<1x50x128xf32, #tpu.memory_space<hbm>> -> memref<50x128xf32, #tpu.memory_space<hbm>>
    %dma_wait3A_668 = tpu.memref_slice %arg8[%dma_wait3A_659] : memref<8x!tpu.dma_semaphore, #tpu.memory_space<semaphore_mem>> -> memref<1x!tpu.dma_semaphore, #tpu.memory_space<semaphore_mem>>
    %dma_wait3A_669 = tpu.memref_squeeze %dma_wait3A_668 : memref<1x!tpu.dma_semaphore, #tpu.memory_space<semaphore_mem>> -> memref<!tpu.dma_semaphore, #tpu.memory_space<semaphore_mem>>
    %dma_wait3A_670 = arith.constant 0 : i32
    %dma_wait3A_671 = arith.constant 0 : i32
    %dma_wait3A_672 = tpu.memref_slice %arg4[%mul3A_2, %dma_wait3A_670, %dma_wait3A_671] : memref<4096x50x128xf32, #tpu.memory_space<hbm>> -> memref<1x50x128xf32, #tpu.memory_space<hbm>>
    %dma_wait3A_673 = tpu.memref_squeeze %dma_wait3A_672 : memref<1x50x128xf32, #tpu.memory_space<hbm>> -> memref<50x128xf32, #tpu.memory_space<hbm>>
    %dma_wait3A_674 = arith.constant 0 : i32
    %dma_wait3A_675 = arith.constant 0 : i32
    %dma_wait3A_676 = tpu.memref_slice %arg6[%dma_wait3A_658, %dma_wait3A_674, %dma_wait3A_675] : memref<8x50x128xf32, #tpu.memory_space<vmem>> -> memref<1x50x128xf32, #tpu.memory_space<vmem>>
    %dma_wait3A_677 = tpu.memref_squeeze %dma_wait3A_676 : memref<1x50x128xf32, #tpu.memory_space<vmem>> -> memref<50x128xf32, #tpu.memory_space<vmem>>
    tpu.wait_dma2 semaphore(%dma_wait3A_669 : memref<!tpu.dma_semaphore, #tpu.memory_space<semaphore_mem>>) src(%dma_wait3A_677 : memref<50x128xf32, #tpu.memory_space<vmem>>) dst(%dma_wait3A_673 : memref<50x128xf32, #tpu.memory_space<hbm>>)
    %dma_start3A_678 = arith.constant 7 : i32
    %dma_start3A_679 = arith.constant 7 : i32
    %dma_start3A_680 = arith.constant 0 : i32
    %dma_start3A_681 = arith.constant 0 : i32
    %dma_start3A_682 = tpu.memref_slice %arg6[%dma_start3A_678, %dma_start3A_680, %dma_start3A_681] : memref<8x50x128xf32, #tpu.memory_space<vmem>> -> memref<1x50x128xf32, #tpu.memory_space<vmem>>
    %dma_start3A_683 = tpu.memref_squeeze %dma_start3A_682 : memref<1x50x128xf32, #tpu.memory_space<vmem>> -> memref<50x128xf32, #tpu.memory_space<vmem>>
    %dma_start3A_684 = arith.constant 7112 : i32
    %dma_start3A_685 = tpu.memref_slice %arg5[%dma_start3A_684] : memref<7168xi32, #tpu.memory_space<vmem>> -> memref<50xi32, #tpu.memory_space<vmem>>
    %dma_start3A_686 = arith.constant 0 : i32
    %dma_start3A_687 = arith.constant 0 : i32
    %dma_start3A_688 = tpu.memref_slice %arg3[%dma_start3A_686, %dma_start3A_687] : memref<100000x128xf32, #tpu.memory_space<hbm>> -> memref<100000x128xf32, #tpu.memory_space<hbm>>
    %dma_start3A_689 = tpu.memref_slice %arg7[%dma_start3A_679] : memref<8x!tpu.dma_semaphore, #tpu.memory_space<semaphore_mem>> -> memref<1x!tpu.dma_semaphore, #tpu.memory_space<semaphore_mem>>
    %dma_start3A_690 = tpu.memref_squeeze %dma_start3A_689 : memref<1x!tpu.dma_semaphore, #tpu.memory_space<semaphore_mem>> -> memref<!tpu.dma_semaphore, #tpu.memory_space<semaphore_mem>>
    tpu.enqueue_indirect_dma source(%dma_start3A_688 : memref<100000x128xf32, #tpu.memory_space<hbm>>) target(%dma_start3A_683 : memref<50x128xf32, #tpu.memory_space<vmem>>) offsets(%dma_start3A_685 : memref<50xi32, #tpu.memory_space<vmem>>) semaphore(%dma_start3A_690 : memref<!tpu.dma_semaphore, #tpu.memory_space<semaphore_mem>>)
    %dma_wait3A_691 = arith.constant 1 : i32
    %dma_wait3A_692 = arith.constant 1 : i32
    %dma_wait3A_693 = arith.constant 0 : i32
    %dma_wait3A_694 = arith.constant 0 : i32
    %dma_wait3A_695 = tpu.memref_slice %arg6[%dma_wait3A_691, %dma_wait3A_693, %dma_wait3A_694] : memref<8x50x128xf32, #tpu.memory_space<vmem>> -> memref<1x50x128xf32, #tpu.memory_space<vmem>>
    %dma_wait3A_696 = tpu.memref_squeeze %dma_wait3A_695 : memref<1x50x128xf32, #tpu.memory_space<vmem>> -> memref<50x128xf32, #tpu.memory_space<vmem>>
    %dma_wait3A_697 = arith.constant 0 : i32
    %dma_wait3A_698 = tpu.memref_slice %arg5[%dma_wait3A_697] : memref<7168xi32, #tpu.memory_space<vmem>> -> memref<50xi32, #tpu.memory_space<vmem>>
    %dma_wait3A_699 = arith.constant 0 : i32
    %dma_wait3A_700 = arith.constant 0 : i32
    %dma_wait3A_701 = tpu.memref_slice %arg3[%dma_wait3A_699, %dma_wait3A_700] : memref<100000x128xf32, #tpu.memory_space<hbm>> -> memref<100000x128xf32, #tpu.memory_space<hbm>>
    %dma_wait3A_702 = tpu.memref_slice %arg7[%dma_wait3A_692] : memref<8x!tpu.dma_semaphore, #tpu.memory_space<semaphore_mem>> -> memref<1x!tpu.dma_semaphore, #tpu.memory_space<semaphore_mem>>
    %dma_wait3A_703 = tpu.memref_squeeze %dma_wait3A_702 : memref<1x!tpu.dma_semaphore, #tpu.memory_space<semaphore_mem>> -> memref<!tpu.dma_semaphore, #tpu.memory_space<semaphore_mem>>
    tpu.wait_indirect_dma semaphore(%dma_wait3A_703 : memref<!tpu.dma_semaphore, #tpu.memory_space<semaphore_mem>>) src(%dma_wait3A_701 : memref<100000x128xf32, #tpu.memory_space<hbm>>) dst(%dma_wait3A_696 : memref<50x128xf32, #tpu.memory_space<vmem>>)
    %add3A_704 = arith.constant 121 : i32
    %add3A_705 = arith.addi %mul3A_2, %add3A_704 : i32
    %dma_start3A_706 = arith.constant 1 : i32
    %dma_start3A_707 = arith.constant 1 : i32
    %dma_start3A_708 = arith.constant 0 : i32
    %dma_start3A_709 = arith.constant 0 : i32
    %dma_start3A_710 = tpu.memref_slice %arg6[%dma_start3A_706, %dma_start3A_708, %dma_start3A_709] : memref<8x50x128xf32, #tpu.memory_space<vmem>> -> memref<1x50x128xf32, #tpu.memory_space<vmem>>
    %dma_start3A_711 = tpu.memref_squeeze %dma_start3A_710 : memref<1x50x128xf32, #tpu.memory_space<vmem>> -> memref<50x128xf32, #tpu.memory_space<vmem>>
    %dma_start3A_712 = arith.constant 0 : i32
    %dma_start3A_713 = arith.constant 0 : i32
    %dma_start3A_714 = tpu.memref_slice %arg4[%add3A_705, %dma_start3A_712, %dma_start3A_713] : memref<4096x50x128xf32, #tpu.memory_space<hbm>> -> memref<1x50x128xf32, #tpu.memory_space<hbm>>
    %dma_start3A_715 = tpu.memref_squeeze %dma_start3A_714 : memref<1x50x128xf32, #tpu.memory_space<hbm>> -> memref<50x128xf32, #tpu.memory_space<hbm>>
    %dma_start3A_716 = tpu.memref_slice %arg8[%dma_start3A_707] : memref<8x!tpu.dma_semaphore, #tpu.memory_space<semaphore_mem>> -> memref<1x!tpu.dma_semaphore, #tpu.memory_space<semaphore_mem>>
    %dma_start3A_717 = tpu.memref_squeeze %dma_start3A_716 : memref<1x!tpu.dma_semaphore, #tpu.memory_space<semaphore_mem>> -> memref<!tpu.dma_semaphore, #tpu.memory_space<semaphore_mem>>
    %dma_start3A_718 = arith.constant 0 : i32
    %dma_start3A_719 = arith.constant 0 : i32
    %dma_start3A_720 = tpu.memref_slice %arg4[%add3A_705, %dma_start3A_718, %dma_start3A_719] : memref<4096x50x128xf32, #tpu.memory_space<hbm>> -> memref<1x50x128xf32, #tpu.memory_space<hbm>>
    %dma_start3A_721 = tpu.memref_squeeze %dma_start3A_720 : memref<1x50x128xf32, #tpu.memory_space<hbm>> -> memref<50x128xf32, #tpu.memory_space<hbm>>
    %dma_start3A_722 = arith.constant 0 : i32
    %dma_start3A_723 = arith.constant 0 : i32
    %dma_start3A_724 = tpu.memref_slice %arg6[%dma_start3A_706, %dma_start3A_722, %dma_start3A_723] : memref<8x50x128xf32, #tpu.memory_space<vmem>> -> memref<1x50x128xf32, #tpu.memory_space<vmem>>
    %dma_start3A_725 = tpu.memref_squeeze %dma_start3A_724 : memref<1x50x128xf32, #tpu.memory_space<vmem>> -> memref<50x128xf32, #tpu.memory_space<vmem>>
    tpu.enqueue_dma source(%dma_start3A_725 : memref<50x128xf32, #tpu.memory_space<vmem>>) target(%dma_start3A_721 : memref<50x128xf32, #tpu.memory_space<hbm>>) target_semaphore(%dma_start3A_717 : memref<!tpu.dma_semaphore, #tpu.memory_space<semaphore_mem>>)
    %dma_wait3A_726 = arith.constant 0 : i32
    %dma_wait3A_727 = arith.constant 0 : i32
    %dma_wait3A_728 = arith.constant 0 : i32
    %dma_wait3A_729 = arith.constant 0 : i32
    %dma_wait3A_730 = tpu.memref_slice %arg6[%dma_wait3A_726, %dma_wait3A_728, %dma_wait3A_729] : memref<8x50x128xf32, #tpu.memory_space<vmem>> -> memref<1x50x128xf32, #tpu.memory_space<vmem>>
    %dma_wait3A_731 = tpu.memref_squeeze %dma_wait3A_730 : memref<1x50x128xf32, #tpu.memory_space<vmem>> -> memref<50x128xf32, #tpu.memory_space<vmem>>
    %dma_wait3A_732 = arith.constant 0 : i32
    %dma_wait3A_733 = arith.constant 0 : i32
    %dma_wait3A_734 = tpu.memref_slice %arg4[%mul3A_2, %dma_wait3A_732, %dma_wait3A_733] : memref<4096x50x128xf32, #tpu.memory_space<hbm>> -> memref<1x50x128xf32, #tpu.memory_space<hbm>>
    %dma_wait3A_735 = tpu.memref_squeeze %dma_wait3A_734 : memref<1x50x128xf32, #tpu.memory_space<hbm>> -> memref<50x128xf32, #tpu.memory_space<hbm>>
    %dma_wait3A_736 = tpu.memref_slice %arg8[%dma_wait3A_727] : memref<8x!tpu.dma_semaphore, #tpu.memory_space<semaphore_mem>> -> memref<1x!tpu.dma_semaphore, #tpu.memory_space<semaphore_mem>>
    %dma_wait3A_737 = tpu.memref_squeeze %dma_wait3A_736 : memref<1x!tpu.dma_semaphore, #tpu.memory_space<semaphore_mem>> -> memref<!tpu.dma_semaphore, #tpu.memory_space<semaphore_mem>>
    %dma_wait3A_738 = arith.constant 0 : i32
    %dma_wait3A_739 = arith.constant 0 : i32
    %dma_wait3A_740 = tpu.memref_slice %arg4[%mul3A_2, %dma_wait3A_738, %dma_wait3A_739] : memref<4096x50x128xf32, #tpu.memory_space<hbm>> -> memref<1x50x128xf32, #tpu.memory_space<hbm>>
    %dma_wait3A_741 = tpu.memref_squeeze %dma_wait3A_740 : memref<1x50x128xf32, #tpu.memory_space<hbm>> -> memref<50x128xf32, #tpu.memory_space<hbm>>
    %dma_wait3A_742 = arith.constant 0 : i32
    %dma_wait3A_743 = arith.constant 0 : i32
    %dma_wait3A_744 = tpu.memref_slice %arg6[%dma_wait3A_726, %dma_wait3A_742, %dma_wait3A_743] : memref<8x50x128xf32, #tpu.memory_space<vmem>> -> memref<1x50x128xf32, #tpu.memory_space<vmem>>
    %dma_wait3A_745 = tpu.memref_squeeze %dma_wait3A_744 : memref<1x50x128xf32, #tpu.memory_space<vmem>> -> memref<50x128xf32, #tpu.memory_space<vmem>>
    tpu.wait_dma2 semaphore(%dma_wait3A_737 : memref<!tpu.dma_semaphore, #tpu.memory_space<semaphore_mem>>) src(%dma_wait3A_745 : memref<50x128xf32, #tpu.memory_space<vmem>>) dst(%dma_wait3A_741 : memref<50x128xf32, #tpu.memory_space<hbm>>)
    %dma_wait3A_746 = arith.constant 2 : i32
    %dma_wait3A_747 = arith.constant 2 : i32
    %dma_wait3A_748 = arith.constant 0 : i32
    %dma_wait3A_749 = arith.constant 0 : i32
    %dma_wait3A_750 = tpu.memref_slice %arg6[%dma_wait3A_746, %dma_wait3A_748, %dma_wait3A_749] : memref<8x50x128xf32, #tpu.memory_space<vmem>> -> memref<1x50x128xf32, #tpu.memory_space<vmem>>
    %dma_wait3A_751 = tpu.memref_squeeze %dma_wait3A_750 : memref<1x50x128xf32, #tpu.memory_space<vmem>> -> memref<50x128xf32, #tpu.memory_space<vmem>>
    %dma_wait3A_752 = arith.constant 0 : i32
    %dma_wait3A_753 = tpu.memref_slice %arg5[%dma_wait3A_752] : memref<7168xi32, #tpu.memory_space<vmem>> -> memref<50xi32, #tpu.memory_space<vmem>>
    %dma_wait3A_754 = arith.constant 0 : i32
    %dma_wait3A_755 = arith.constant 0 : i32
    %dma_wait3A_756 = tpu.memref_slice %arg3[%dma_wait3A_754, %dma_wait3A_755] : memref<100000x128xf32, #tpu.memory_space<hbm>> -> memref<100000x128xf32, #tpu.memory_space<hbm>>
    %dma_wait3A_757 = tpu.memref_slice %arg7[%dma_wait3A_747] : memref<8x!tpu.dma_semaphore, #tpu.memory_space<semaphore_mem>> -> memref<1x!tpu.dma_semaphore, #tpu.memory_space<semaphore_mem>>
    %dma_wait3A_758 = tpu.memref_squeeze %dma_wait3A_757 : memref<1x!tpu.dma_semaphore, #tpu.memory_space<semaphore_mem>> -> memref<!tpu.dma_semaphore, #tpu.memory_space<semaphore_mem>>
    tpu.wait_indirect_dma semaphore(%dma_wait3A_758 : memref<!tpu.dma_semaphore, #tpu.memory_space<semaphore_mem>>) src(%dma_wait3A_756 : memref<100000x128xf32, #tpu.memory_space<hbm>>) dst(%dma_wait3A_751 : memref<50x128xf32, #tpu.memory_space<vmem>>)
    %add3A_759 = arith.constant 122 : i32
    %add3A_760 = arith.addi %mul3A_2, %add3A_759 : i32
    %dma_start3A_761 = arith.constant 2 : i32
    %dma_start3A_762 = arith.constant 2 : i32
    %dma_start3A_763 = arith.constant 0 : i32
    %dma_start3A_764 = arith.constant 0 : i32
    %dma_start3A_765 = tpu.memref_slice %arg6[%dma_start3A_761, %dma_start3A_763, %dma_start3A_764] : memref<8x50x128xf32, #tpu.memory_space<vmem>> -> memref<1x50x128xf32, #tpu.memory_space<vmem>>
    %dma_start3A_766 = tpu.memref_squeeze %dma_start3A_765 : memref<1x50x128xf32, #tpu.memory_space<vmem>> -> memref<50x128xf32, #tpu.memory_space<vmem>>
    %dma_start3A_767 = arith.constant 0 : i32
    %dma_start3A_768 = arith.constant 0 : i32
    %dma_start3A_769 = tpu.memref_slice %arg4[%add3A_760, %dma_start3A_767, %dma_start3A_768] : memref<4096x50x128xf32, #tpu.memory_space<hbm>> -> memref<1x50x128xf32, #tpu.memory_space<hbm>>
    %dma_start3A_770 = tpu.memref_squeeze %dma_start3A_769 : memref<1x50x128xf32, #tpu.memory_space<hbm>> -> memref<50x128xf32, #tpu.memory_space<hbm>>
    %dma_start3A_771 = tpu.memref_slice %arg8[%dma_start3A_762] : memref<8x!tpu.dma_semaphore, #tpu.memory_space<semaphore_mem>> -> memref<1x!tpu.dma_semaphore, #tpu.memory_space<semaphore_mem>>
    %dma_start3A_772 = tpu.memref_squeeze %dma_start3A_771 : memref<1x!tpu.dma_semaphore, #tpu.memory_space<semaphore_mem>> -> memref<!tpu.dma_semaphore, #tpu.memory_space<semaphore_mem>>
    %dma_start3A_773 = arith.constant 0 : i32
    %dma_start3A_774 = arith.constant 0 : i32
    %dma_start3A_775 = tpu.memref_slice %arg4[%add3A_760, %dma_start3A_773, %dma_start3A_774] : memref<4096x50x128xf32, #tpu.memory_space<hbm>> -> memref<1x50x128xf32, #tpu.memory_space<hbm>>
    %dma_start3A_776 = tpu.memref_squeeze %dma_start3A_775 : memref<1x50x128xf32, #tpu.memory_space<hbm>> -> memref<50x128xf32, #tpu.memory_space<hbm>>
    %dma_start3A_777 = arith.constant 0 : i32
    %dma_start3A_778 = arith.constant 0 : i32
    %dma_start3A_779 = tpu.memref_slice %arg6[%dma_start3A_761, %dma_start3A_777, %dma_start3A_778] : memref<8x50x128xf32, #tpu.memory_space<vmem>> -> memref<1x50x128xf32, #tpu.memory_space<vmem>>
    %dma_start3A_780 = tpu.memref_squeeze %dma_start3A_779 : memref<1x50x128xf32, #tpu.memory_space<vmem>> -> memref<50x128xf32, #tpu.memory_space<vmem>>
    tpu.enqueue_dma source(%dma_start3A_780 : memref<50x128xf32, #tpu.memory_space<vmem>>) target(%dma_start3A_776 : memref<50x128xf32, #tpu.memory_space<hbm>>) target_semaphore(%dma_start3A_772 : memref<!tpu.dma_semaphore, #tpu.memory_space<semaphore_mem>>)
    %dma_wait3A_781 = arith.constant 1 : i32
    %dma_wait3A_782 = arith.constant 1 : i32
    %dma_wait3A_783 = arith.constant 0 : i32
    %dma_wait3A_784 = arith.constant 0 : i32
    %dma_wait3A_785 = tpu.memref_slice %arg6[%dma_wait3A_781, %dma_wait3A_783, %dma_wait3A_784] : memref<8x50x128xf32, #tpu.memory_space<vmem>> -> memref<1x50x128xf32, #tpu.memory_space<vmem>>
    %dma_wait3A_786 = tpu.memref_squeeze %dma_wait3A_785 : memref<1x50x128xf32, #tpu.memory_space<vmem>> -> memref<50x128xf32, #tpu.memory_space<vmem>>
    %dma_wait3A_787 = arith.constant 0 : i32
    %dma_wait3A_788 = arith.constant 0 : i32
    %dma_wait3A_789 = tpu.memref_slice %arg4[%mul3A_2, %dma_wait3A_787, %dma_wait3A_788] : memref<4096x50x128xf32, #tpu.memory_space<hbm>> -> memref<1x50x128xf32, #tpu.memory_space<hbm>>
    %dma_wait3A_790 = tpu.memref_squeeze %dma_wait3A_789 : memref<1x50x128xf32, #tpu.memory_space<hbm>> -> memref<50x128xf32, #tpu.memory_space<hbm>>
    %dma_wait3A_791 = tpu.memref_slice %arg8[%dma_wait3A_782] : memref<8x!tpu.dma_semaphore, #tpu.memory_space<semaphore_mem>> -> memref<1x!tpu.dma_semaphore, #tpu.memory_space<semaphore_mem>>
    %dma_wait3A_792 = tpu.memref_squeeze %dma_wait3A_791 : memref<1x!tpu.dma_semaphore, #tpu.memory_space<semaphore_mem>> -> memref<!tpu.dma_semaphore, #tpu.memory_space<semaphore_mem>>
    %dma_wait3A_793 = arith.constant 0 : i32
    %dma_wait3A_794 = arith.constant 0 : i32
    %dma_wait3A_795 = tpu.memref_slice %arg4[%mul3A_2, %dma_wait3A_793, %dma_wait3A_794] : memref<4096x50x128xf32, #tpu.memory_space<hbm>> -> memref<1x50x128xf32, #tpu.memory_space<hbm>>
    %dma_wait3A_796 = tpu.memref_squeeze %dma_wait3A_795 : memref<1x50x128xf32, #tpu.memory_space<hbm>> -> memref<50x128xf32, #tpu.memory_space<hbm>>
    %dma_wait3A_797 = arith.constant 0 : i32
    %dma_wait3A_798 = arith.constant 0 : i32
    %dma_wait3A_799 = tpu.memref_slice %arg6[%dma_wait3A_781, %dma_wait3A_797, %dma_wait3A_798] : memref<8x50x128xf32, #tpu.memory_space<vmem>> -> memref<1x50x128xf32, #tpu.memory_space<vmem>>
    %dma_wait3A_800 = tpu.memref_squeeze %dma_wait3A_799 : memref<1x50x128xf32, #tpu.memory_space<vmem>> -> memref<50x128xf32, #tpu.memory_space<vmem>>
    tpu.wait_dma2 semaphore(%dma_wait3A_792 : memref<!tpu.dma_semaphore, #tpu.memory_space<semaphore_mem>>) src(%dma_wait3A_800 : memref<50x128xf32, #tpu.memory_space<vmem>>) dst(%dma_wait3A_796 : memref<50x128xf32, #tpu.memory_space<hbm>>)
    %dma_wait3A_801 = arith.constant 3 : i32
    %dma_wait3A_802 = arith.constant 3 : i32
    %dma_wait3A_803 = arith.constant 0 : i32
    %dma_wait3A_804 = arith.constant 0 : i32
    %dma_wait3A_805 = tpu.memref_slice %arg6[%dma_wait3A_801, %dma_wait3A_803, %dma_wait3A_804] : memref<8x50x128xf32, #tpu.memory_space<vmem>> -> memref<1x50x128xf32, #tpu.memory_space<vmem>>
    %dma_wait3A_806 = tpu.memref_squeeze %dma_wait3A_805 : memref<1x50x128xf32, #tpu.memory_space<vmem>> -> memref<50x128xf32, #tpu.memory_space<vmem>>
    %dma_wait3A_807 = arith.constant 0 : i32
    %dma_wait3A_808 = tpu.memref_slice %arg5[%dma_wait3A_807] : memref<7168xi32, #tpu.memory_space<vmem>> -> memref<50xi32, #tpu.memory_space<vmem>>
    %dma_wait3A_809 = arith.constant 0 : i32
    %dma_wait3A_810 = arith.constant 0 : i32
    %dma_wait3A_811 = tpu.memref_slice %arg3[%dma_wait3A_809, %dma_wait3A_810] : memref<100000x128xf32, #tpu.memory_space<hbm>> -> memref<100000x128xf32, #tpu.memory_space<hbm>>
    %dma_wait3A_812 = tpu.memref_slice %arg7[%dma_wait3A_802] : memref<8x!tpu.dma_semaphore, #tpu.memory_space<semaphore_mem>> -> memref<1x!tpu.dma_semaphore, #tpu.memory_space<semaphore_mem>>
    %dma_wait3A_813 = tpu.memref_squeeze %dma_wait3A_812 : memref<1x!tpu.dma_semaphore, #tpu.memory_space<semaphore_mem>> -> memref<!tpu.dma_semaphore, #tpu.memory_space<semaphore_mem>>
    tpu.wait_indirect_dma semaphore(%dma_wait3A_813 : memref<!tpu.dma_semaphore, #tpu.memory_space<semaphore_mem>>) src(%dma_wait3A_811 : memref<100000x128xf32, #tpu.memory_space<hbm>>) dst(%dma_wait3A_806 : memref<50x128xf32, #tpu.memory_space<vmem>>)
    %add3A_814 = arith.constant 123 : i32
    %add3A_815 = arith.addi %mul3A_2, %add3A_814 : i32
    %dma_start3A_816 = arith.constant 3 : i32
    %dma_start3A_817 = arith.constant 3 : i32
    %dma_start3A_818 = arith.constant 0 : i32
    %dma_start3A_819 = arith.constant 0 : i32
    %dma_start3A_820 = tpu.memref_slice %arg6[%dma_start3A_816, %dma_start3A_818, %dma_start3A_819] : memref<8x50x128xf32, #tpu.memory_space<vmem>> -> memref<1x50x128xf32, #tpu.memory_space<vmem>>
    %dma_start3A_821 = tpu.memref_squeeze %dma_start3A_820 : memref<1x50x128xf32, #tpu.memory_space<vmem>> -> memref<50x128xf32, #tpu.memory_space<vmem>>
    %dma_start3A_822 = arith.constant 0 : i32
    %dma_start3A_823 = arith.constant 0 : i32
    %dma_start3A_824 = tpu.memref_slice %arg4[%add3A_815, %dma_start3A_822, %dma_start3A_823] : memref<4096x50x128xf32, #tpu.memory_space<hbm>> -> memref<1x50x128xf32, #tpu.memory_space<hbm>>
    %dma_start3A_825 = tpu.memref_squeeze %dma_start3A_824 : memref<1x50x128xf32, #tpu.memory_space<hbm>> -> memref<50x128xf32, #tpu.memory_space<hbm>>
    %dma_start3A_826 = tpu.memref_slice %arg8[%dma_start3A_817] : memref<8x!tpu.dma_semaphore, #tpu.memory_space<semaphore_mem>> -> memref<1x!tpu.dma_semaphore, #tpu.memory_space<semaphore_mem>>
    %dma_start3A_827 = tpu.memref_squeeze %dma_start3A_826 : memref<1x!tpu.dma_semaphore, #tpu.memory_space<semaphore_mem>> -> memref<!tpu.dma_semaphore, #tpu.memory_space<semaphore_mem>>
    %dma_start3A_828 = arith.constant 0 : i32
    %dma_start3A_829 = arith.constant 0 : i32
    %dma_start3A_830 = tpu.memref_slice %arg4[%add3A_815, %dma_start3A_828, %dma_start3A_829] : memref<4096x50x128xf32, #tpu.memory_space<hbm>> -> memref<1x50x128xf32, #tpu.memory_space<hbm>>
    %dma_start3A_831 = tpu.memref_squeeze %dma_start3A_830 : memref<1x50x128xf32, #tpu.memory_space<hbm>> -> memref<50x128xf32, #tpu.memory_space<hbm>>
    %dma_start3A_832 = arith.constant 0 : i32
    %dma_start3A_833 = arith.constant 0 : i32
    %dma_start3A_834 = tpu.memref_slice %arg6[%dma_start3A_816, %dma_start3A_832, %dma_start3A_833] : memref<8x50x128xf32, #tpu.memory_space<vmem>> -> memref<1x50x128xf32, #tpu.memory_space<vmem>>
    %dma_start3A_835 = tpu.memref_squeeze %dma_start3A_834 : memref<1x50x128xf32, #tpu.memory_space<vmem>> -> memref<50x128xf32, #tpu.memory_space<vmem>>
    tpu.enqueue_dma source(%dma_start3A_835 : memref<50x128xf32, #tpu.memory_space<vmem>>) target(%dma_start3A_831 : memref<50x128xf32, #tpu.memory_space<hbm>>) target_semaphore(%dma_start3A_827 : memref<!tpu.dma_semaphore, #tpu.memory_space<semaphore_mem>>)
    %dma_wait3A_836 = arith.constant 2 : i32
    %dma_wait3A_837 = arith.constant 2 : i32
    %dma_wait3A_838 = arith.constant 0 : i32
    %dma_wait3A_839 = arith.constant 0 : i32
    %dma_wait3A_840 = tpu.memref_slice %arg6[%dma_wait3A_836, %dma_wait3A_838, %dma_wait3A_839] : memref<8x50x128xf32, #tpu.memory_space<vmem>> -> memref<1x50x128xf32, #tpu.memory_space<vmem>>
    %dma_wait3A_841 = tpu.memref_squeeze %dma_wait3A_840 : memref<1x50x128xf32, #tpu.memory_space<vmem>> -> memref<50x128xf32, #tpu.memory_space<vmem>>
    %dma_wait3A_842 = arith.constant 0 : i32
    %dma_wait3A_843 = arith.constant 0 : i32
    %dma_wait3A_844 = tpu.memref_slice %arg4[%mul3A_2, %dma_wait3A_842, %dma_wait3A_843] : memref<4096x50x128xf32, #tpu.memory_space<hbm>> -> memref<1x50x128xf32, #tpu.memory_space<hbm>>
    %dma_wait3A_845 = tpu.memref_squeeze %dma_wait3A_844 : memref<1x50x128xf32, #tpu.memory_space<hbm>> -> memref<50x128xf32, #tpu.memory_space<hbm>>
    %dma_wait3A_846 = tpu.memref_slice %arg8[%dma_wait3A_837] : memref<8x!tpu.dma_semaphore, #tpu.memory_space<semaphore_mem>> -> memref<1x!tpu.dma_semaphore, #tpu.memory_space<semaphore_mem>>
    %dma_wait3A_847 = tpu.memref_squeeze %dma_wait3A_846 : memref<1x!tpu.dma_semaphore, #tpu.memory_space<semaphore_mem>> -> memref<!tpu.dma_semaphore, #tpu.memory_space<semaphore_mem>>
    %dma_wait3A_848 = arith.constant 0 : i32
    %dma_wait3A_849 = arith.constant 0 : i32
    %dma_wait3A_850 = tpu.memref_slice %arg4[%mul3A_2, %dma_wait3A_848, %dma_wait3A_849] : memref<4096x50x128xf32, #tpu.memory_space<hbm>> -> memref<1x50x128xf32, #tpu.memory_space<hbm>>
    %dma_wait3A_851 = tpu.memref_squeeze %dma_wait3A_850 : memref<1x50x128xf32, #tpu.memory_space<hbm>> -> memref<50x128xf32, #tpu.memory_space<hbm>>
    %dma_wait3A_852 = arith.constant 0 : i32
    %dma_wait3A_853 = arith.constant 0 : i32
    %dma_wait3A_854 = tpu.memref_slice %arg6[%dma_wait3A_836, %dma_wait3A_852, %dma_wait3A_853] : memref<8x50x128xf32, #tpu.memory_space<vmem>> -> memref<1x50x128xf32, #tpu.memory_space<vmem>>
    %dma_wait3A_855 = tpu.memref_squeeze %dma_wait3A_854 : memref<1x50x128xf32, #tpu.memory_space<vmem>> -> memref<50x128xf32, #tpu.memory_space<vmem>>
    tpu.wait_dma2 semaphore(%dma_wait3A_847 : memref<!tpu.dma_semaphore, #tpu.memory_space<semaphore_mem>>) src(%dma_wait3A_855 : memref<50x128xf32, #tpu.memory_space<vmem>>) dst(%dma_wait3A_851 : memref<50x128xf32, #tpu.memory_space<hbm>>)
    %dma_wait3A_856 = arith.constant 4 : i32
    %dma_wait3A_857 = arith.constant 4 : i32
    %dma_wait3A_858 = arith.constant 0 : i32
    %dma_wait3A_859 = arith.constant 0 : i32
    %dma_wait3A_860 = tpu.memref_slice %arg6[%dma_wait3A_856, %dma_wait3A_858, %dma_wait3A_859] : memref<8x50x128xf32, #tpu.memory_space<vmem>> -> memref<1x50x128xf32, #tpu.memory_space<vmem>>
    %dma_wait3A_861 = tpu.memref_squeeze %dma_wait3A_860 : memref<1x50x128xf32, #tpu.memory_space<vmem>> -> memref<50x128xf32, #tpu.memory_space<vmem>>
    %dma_wait3A_862 = arith.constant 0 : i32
    %dma_wait3A_863 = tpu.memref_slice %arg5[%dma_wait3A_862] : memref<7168xi32, #tpu.memory_space<vmem>> -> memref<50xi32, #tpu.memory_space<vmem>>
    %dma_wait3A_864 = arith.constant 0 : i32
    %dma_wait3A_865 = arith.constant 0 : i32
    %dma_wait3A_866 = tpu.memref_slice %arg3[%dma_wait3A_864, %dma_wait3A_865] : memref<100000x128xf32, #tpu.memory_space<hbm>> -> memref<100000x128xf32, #tpu.memory_space<hbm>>
    %dma_wait3A_867 = tpu.memref_slice %arg7[%dma_wait3A_857] : memref<8x!tpu.dma_semaphore, #tpu.memory_space<semaphore_mem>> -> memref<1x!tpu.dma_semaphore, #tpu.memory_space<semaphore_mem>>
    %dma_wait3A_868 = tpu.memref_squeeze %dma_wait3A_867 : memref<1x!tpu.dma_semaphore, #tpu.memory_space<semaphore_mem>> -> memref<!tpu.dma_semaphore, #tpu.memory_space<semaphore_mem>>
    tpu.wait_indirect_dma semaphore(%dma_wait3A_868 : memref<!tpu.dma_semaphore, #tpu.memory_space<semaphore_mem>>) src(%dma_wait3A_866 : memref<100000x128xf32, #tpu.memory_space<hbm>>) dst(%dma_wait3A_861 : memref<50x128xf32, #tpu.memory_space<vmem>>)
    %add3A_869 = arith.constant 124 : i32
    %add3A_870 = arith.addi %mul3A_2, %add3A_869 : i32
    %dma_start3A_871 = arith.constant 4 : i32
    %dma_start3A_872 = arith.constant 4 : i32
    %dma_start3A_873 = arith.constant 0 : i32
    %dma_start3A_874 = arith.constant 0 : i32
    %dma_start3A_875 = tpu.memref_slice %arg6[%dma_start3A_871, %dma_start3A_873, %dma_start3A_874] : memref<8x50x128xf32, #tpu.memory_space<vmem>> -> memref<1x50x128xf32, #tpu.memory_space<vmem>>
    %dma_start3A_876 = tpu.memref_squeeze %dma_start3A_875 : memref<1x50x128xf32, #tpu.memory_space<vmem>> -> memref<50x128xf32, #tpu.memory_space<vmem>>
    %dma_start3A_877 = arith.constant 0 : i32
    %dma_start3A_878 = arith.constant 0 : i32
    %dma_start3A_879 = tpu.memref_slice %arg4[%add3A_870, %dma_start3A_877, %dma_start3A_878] : memref<4096x50x128xf32, #tpu.memory_space<hbm>> -> memref<1x50x128xf32, #tpu.memory_space<hbm>>
    %dma_start3A_880 = tpu.memref_squeeze %dma_start3A_879 : memref<1x50x128xf32, #tpu.memory_space<hbm>> -> memref<50x128xf32, #tpu.memory_space<hbm>>
    %dma_start3A_881 = tpu.memref_slice %arg8[%dma_start3A_872] : memref<8x!tpu.dma_semaphore, #tpu.memory_space<semaphore_mem>> -> memref<1x!tpu.dma_semaphore, #tpu.memory_space<semaphore_mem>>
    %dma_start3A_882 = tpu.memref_squeeze %dma_start3A_881 : memref<1x!tpu.dma_semaphore, #tpu.memory_space<semaphore_mem>> -> memref<!tpu.dma_semaphore, #tpu.memory_space<semaphore_mem>>
    %dma_start3A_883 = arith.constant 0 : i32
    %dma_start3A_884 = arith.constant 0 : i32
    %dma_start3A_885 = tpu.memref_slice %arg4[%add3A_870, %dma_start3A_883, %dma_start3A_884] : memref<4096x50x128xf32, #tpu.memory_space<hbm>> -> memref<1x50x128xf32, #tpu.memory_space<hbm>>
    %dma_start3A_886 = tpu.memref_squeeze %dma_start3A_885 : memref<1x50x128xf32, #tpu.memory_space<hbm>> -> memref<50x128xf32, #tpu.memory_space<hbm>>
    %dma_start3A_887 = arith.constant 0 : i32
    %dma_start3A_888 = arith.constant 0 : i32
    %dma_start3A_889 = tpu.memref_slice %arg6[%dma_start3A_871, %dma_start3A_887, %dma_start3A_888] : memref<8x50x128xf32, #tpu.memory_space<vmem>> -> memref<1x50x128xf32, #tpu.memory_space<vmem>>
    %dma_start3A_890 = tpu.memref_squeeze %dma_start3A_889 : memref<1x50x128xf32, #tpu.memory_space<vmem>> -> memref<50x128xf32, #tpu.memory_space<vmem>>
    tpu.enqueue_dma source(%dma_start3A_890 : memref<50x128xf32, #tpu.memory_space<vmem>>) target(%dma_start3A_886 : memref<50x128xf32, #tpu.memory_space<hbm>>) target_semaphore(%dma_start3A_882 : memref<!tpu.dma_semaphore, #tpu.memory_space<semaphore_mem>>)
    %dma_wait3A_891 = arith.constant 3 : i32
    %dma_wait3A_892 = arith.constant 3 : i32
    %dma_wait3A_893 = arith.constant 0 : i32
    %dma_wait3A_894 = arith.constant 0 : i32
    %dma_wait3A_895 = tpu.memref_slice %arg6[%dma_wait3A_891, %dma_wait3A_893, %dma_wait3A_894] : memref<8x50x128xf32, #tpu.memory_space<vmem>> -> memref<1x50x128xf32, #tpu.memory_space<vmem>>
    %dma_wait3A_896 = tpu.memref_squeeze %dma_wait3A_895 : memref<1x50x128xf32, #tpu.memory_space<vmem>> -> memref<50x128xf32, #tpu.memory_space<vmem>>
    %dma_wait3A_897 = arith.constant 0 : i32
    %dma_wait3A_898 = arith.constant 0 : i32
    %dma_wait3A_899 = tpu.memref_slice %arg4[%mul3A_2, %dma_wait3A_897, %dma_wait3A_898] : memref<4096x50x128xf32, #tpu.memory_space<hbm>> -> memref<1x50x128xf32, #tpu.memory_space<hbm>>
    %dma_wait3A_900 = tpu.memref_squeeze %dma_wait3A_899 : memref<1x50x128xf32, #tpu.memory_space<hbm>> -> memref<50x128xf32, #tpu.memory_space<hbm>>
    %dma_wait3A_901 = tpu.memref_slice %arg8[%dma_wait3A_892] : memref<8x!tpu.dma_semaphore, #tpu.memory_space<semaphore_mem>> -> memref<1x!tpu.dma_semaphore, #tpu.memory_space<semaphore_mem>>
    %dma_wait3A_902 = tpu.memref_squeeze %dma_wait3A_901 : memref<1x!tpu.dma_semaphore, #tpu.memory_space<semaphore_mem>> -> memref<!tpu.dma_semaphore, #tpu.memory_space<semaphore_mem>>
    %dma_wait3A_903 = arith.constant 0 : i32
    %dma_wait3A_904 = arith.constant 0 : i32
    %dma_wait3A_905 = tpu.memref_slice %arg4[%mul3A_2, %dma_wait3A_903, %dma_wait3A_904] : memref<4096x50x128xf32, #tpu.memory_space<hbm>> -> memref<1x50x128xf32, #tpu.memory_space<hbm>>
    %dma_wait3A_906 = tpu.memref_squeeze %dma_wait3A_905 : memref<1x50x128xf32, #tpu.memory_space<hbm>> -> memref<50x128xf32, #tpu.memory_space<hbm>>
    %dma_wait3A_907 = arith.constant 0 : i32
    %dma_wait3A_908 = arith.constant 0 : i32
    %dma_wait3A_909 = tpu.memref_slice %arg6[%dma_wait3A_891, %dma_wait3A_907, %dma_wait3A_908] : memref<8x50x128xf32, #tpu.memory_space<vmem>> -> memref<1x50x128xf32, #tpu.memory_space<vmem>>
    %dma_wait3A_910 = tpu.memref_squeeze %dma_wait3A_909 : memref<1x50x128xf32, #tpu.memory_space<vmem>> -> memref<50x128xf32, #tpu.memory_space<vmem>>
    tpu.wait_dma2 semaphore(%dma_wait3A_902 : memref<!tpu.dma_semaphore, #tpu.memory_space<semaphore_mem>>) src(%dma_wait3A_910 : memref<50x128xf32, #tpu.memory_space<vmem>>) dst(%dma_wait3A_906 : memref<50x128xf32, #tpu.memory_space<hbm>>)
    %dma_wait3A_911 = arith.constant 5 : i32
    %dma_wait3A_912 = arith.constant 5 : i32
    %dma_wait3A_913 = arith.constant 0 : i32
    %dma_wait3A_914 = arith.constant 0 : i32
    %dma_wait3A_915 = tpu.memref_slice %arg6[%dma_wait3A_911, %dma_wait3A_913, %dma_wait3A_914] : memref<8x50x128xf32, #tpu.memory_space<vmem>> -> memref<1x50x128xf32, #tpu.memory_space<vmem>>
    %dma_wait3A_916 = tpu.memref_squeeze %dma_wait3A_915 : memref<1x50x128xf32, #tpu.memory_space<vmem>> -> memref<50x128xf32, #tpu.memory_space<vmem>>
    %dma_wait3A_917 = arith.constant 0 : i32
    %dma_wait3A_918 = tpu.memref_slice %arg5[%dma_wait3A_917] : memref<7168xi32, #tpu.memory_space<vmem>> -> memref<50xi32, #tpu.memory_space<vmem>>
    %dma_wait3A_919 = arith.constant 0 : i32
    %dma_wait3A_920 = arith.constant 0 : i32
    %dma_wait3A_921 = tpu.memref_slice %arg3[%dma_wait3A_919, %dma_wait3A_920] : memref<100000x128xf32, #tpu.memory_space<hbm>> -> memref<100000x128xf32, #tpu.memory_space<hbm>>
    %dma_wait3A_922 = tpu.memref_slice %arg7[%dma_wait3A_912] : memref<8x!tpu.dma_semaphore, #tpu.memory_space<semaphore_mem>> -> memref<1x!tpu.dma_semaphore, #tpu.memory_space<semaphore_mem>>
    %dma_wait3A_923 = tpu.memref_squeeze %dma_wait3A_922 : memref<1x!tpu.dma_semaphore, #tpu.memory_space<semaphore_mem>> -> memref<!tpu.dma_semaphore, #tpu.memory_space<semaphore_mem>>
    tpu.wait_indirect_dma semaphore(%dma_wait3A_923 : memref<!tpu.dma_semaphore, #tpu.memory_space<semaphore_mem>>) src(%dma_wait3A_921 : memref<100000x128xf32, #tpu.memory_space<hbm>>) dst(%dma_wait3A_916 : memref<50x128xf32, #tpu.memory_space<vmem>>)
    %add3A_924 = arith.constant 125 : i32
    %add3A_925 = arith.addi %mul3A_2, %add3A_924 : i32
    %dma_start3A_926 = arith.constant 5 : i32
    %dma_start3A_927 = arith.constant 5 : i32
    %dma_start3A_928 = arith.constant 0 : i32
    %dma_start3A_929 = arith.constant 0 : i32
    %dma_start3A_930 = tpu.memref_slice %arg6[%dma_start3A_926, %dma_start3A_928, %dma_start3A_929] : memref<8x50x128xf32, #tpu.memory_space<vmem>> -> memref<1x50x128xf32, #tpu.memory_space<vmem>>
    %dma_start3A_931 = tpu.memref_squeeze %dma_start3A_930 : memref<1x50x128xf32, #tpu.memory_space<vmem>> -> memref<50x128xf32, #tpu.memory_space<vmem>>
    %dma_start3A_932 = arith.constant 0 : i32
    %dma_start3A_933 = arith.constant 0 : i32
    %dma_start3A_934 = tpu.memref_slice %arg4[%add3A_925, %dma_start3A_932, %dma_start3A_933] : memref<4096x50x128xf32, #tpu.memory_space<hbm>> -> memref<1x50x128xf32, #tpu.memory_space<hbm>>
    %dma_start3A_935 = tpu.memref_squeeze %dma_start3A_934 : memref<1x50x128xf32, #tpu.memory_space<hbm>> -> memref<50x128xf32, #tpu.memory_space<hbm>>
    %dma_start3A_936 = tpu.memref_slice %arg8[%dma_start3A_927] : memref<8x!tpu.dma_semaphore, #tpu.memory_space<semaphore_mem>> -> memref<1x!tpu.dma_semaphore, #tpu.memory_space<semaphore_mem>>
    %dma_start3A_937 = tpu.memref_squeeze %dma_start3A_936 : memref<1x!tpu.dma_semaphore, #tpu.memory_space<semaphore_mem>> -> memref<!tpu.dma_semaphore, #tpu.memory_space<semaphore_mem>>
    %dma_start3A_938 = arith.constant 0 : i32
    %dma_start3A_939 = arith.constant 0 : i32
    %dma_start3A_940 = tpu.memref_slice %arg4[%add3A_925, %dma_start3A_938, %dma_start3A_939] : memref<4096x50x128xf32, #tpu.memory_space<hbm>> -> memref<1x50x128xf32, #tpu.memory_space<hbm>>
    %dma_start3A_941 = tpu.memref_squeeze %dma_start3A_940 : memref<1x50x128xf32, #tpu.memory_space<hbm>> -> memref<50x128xf32, #tpu.memory_space<hbm>>
    %dma_start3A_942 = arith.constant 0 : i32
    %dma_start3A_943 = arith.constant 0 : i32
    %dma_start3A_944 = tpu.memref_slice %arg6[%dma_start3A_926, %dma_start3A_942, %dma_start3A_943] : memref<8x50x128xf32, #tpu.memory_space<vmem>> -> memref<1x50x128xf32, #tpu.memory_space<vmem>>
    %dma_start3A_945 = tpu.memref_squeeze %dma_start3A_944 : memref<1x50x128xf32, #tpu.memory_space<vmem>> -> memref<50x128xf32, #tpu.memory_space<vmem>>
    tpu.enqueue_dma source(%dma_start3A_945 : memref<50x128xf32, #tpu.memory_space<vmem>>) target(%dma_start3A_941 : memref<50x128xf32, #tpu.memory_space<hbm>>) target_semaphore(%dma_start3A_937 : memref<!tpu.dma_semaphore, #tpu.memory_space<semaphore_mem>>)
    %dma_wait3A_946 = arith.constant 4 : i32
    %dma_wait3A_947 = arith.constant 4 : i32
    %dma_wait3A_948 = arith.constant 0 : i32
    %dma_wait3A_949 = arith.constant 0 : i32
    %dma_wait3A_950 = tpu.memref_slice %arg6[%dma_wait3A_946, %dma_wait3A_948, %dma_wait3A_949] : memref<8x50x128xf32, #tpu.memory_space<vmem>> -> memref<1x50x128xf32, #tpu.memory_space<vmem>>
    %dma_wait3A_951 = tpu.memref_squeeze %dma_wait3A_950 : memref<1x50x128xf32, #tpu.memory_space<vmem>> -> memref<50x128xf32, #tpu.memory_space<vmem>>
    %dma_wait3A_952 = arith.constant 0 : i32
    %dma_wait3A_953 = arith.constant 0 : i32
    %dma_wait3A_954 = tpu.memref_slice %arg4[%mul3A_2, %dma_wait3A_952, %dma_wait3A_953] : memref<4096x50x128xf32, #tpu.memory_space<hbm>> -> memref<1x50x128xf32, #tpu.memory_space<hbm>>
    %dma_wait3A_955 = tpu.memref_squeeze %dma_wait3A_954 : memref<1x50x128xf32, #tpu.memory_space<hbm>> -> memref<50x128xf32, #tpu.memory_space<hbm>>
    %dma_wait3A_956 = tpu.memref_slice %arg8[%dma_wait3A_947] : memref<8x!tpu.dma_semaphore, #tpu.memory_space<semaphore_mem>> -> memref<1x!tpu.dma_semaphore, #tpu.memory_space<semaphore_mem>>
    %dma_wait3A_957 = tpu.memref_squeeze %dma_wait3A_956 : memref<1x!tpu.dma_semaphore, #tpu.memory_space<semaphore_mem>> -> memref<!tpu.dma_semaphore, #tpu.memory_space<semaphore_mem>>
    %dma_wait3A_958 = arith.constant 0 : i32
    %dma_wait3A_959 = arith.constant 0 : i32
    %dma_wait3A_960 = tpu.memref_slice %arg4[%mul3A_2, %dma_wait3A_958, %dma_wait3A_959] : memref<4096x50x128xf32, #tpu.memory_space<hbm>> -> memref<1x50x128xf32, #tpu.memory_space<hbm>>
    %dma_wait3A_961 = tpu.memref_squeeze %dma_wait3A_960 : memref<1x50x128xf32, #tpu.memory_space<hbm>> -> memref<50x128xf32, #tpu.memory_space<hbm>>
    %dma_wait3A_962 = arith.constant 0 : i32
    %dma_wait3A_963 = arith.constant 0 : i32
    %dma_wait3A_964 = tpu.memref_slice %arg6[%dma_wait3A_946, %dma_wait3A_962, %dma_wait3A_963] : memref<8x50x128xf32, #tpu.memory_space<vmem>> -> memref<1x50x128xf32, #tpu.memory_space<vmem>>
    %dma_wait3A_965 = tpu.memref_squeeze %dma_wait3A_964 : memref<1x50x128xf32, #tpu.memory_space<vmem>> -> memref<50x128xf32, #tpu.memory_space<vmem>>
    tpu.wait_dma2 semaphore(%dma_wait3A_957 : memref<!tpu.dma_semaphore, #tpu.memory_space<semaphore_mem>>) src(%dma_wait3A_965 : memref<50x128xf32, #tpu.memory_space<vmem>>) dst(%dma_wait3A_961 : memref<50x128xf32, #tpu.memory_space<hbm>>)
    %dma_wait3A_966 = arith.constant 6 : i32
    %dma_wait3A_967 = arith.constant 6 : i32
    %dma_wait3A_968 = arith.constant 0 : i32
    %dma_wait3A_969 = arith.constant 0 : i32
    %dma_wait3A_970 = tpu.memref_slice %arg6[%dma_wait3A_966, %dma_wait3A_968, %dma_wait3A_969] : memref<8x50x128xf32, #tpu.memory_space<vmem>> -> memref<1x50x128xf32, #tpu.memory_space<vmem>>
    %dma_wait3A_971 = tpu.memref_squeeze %dma_wait3A_970 : memref<1x50x128xf32, #tpu.memory_space<vmem>> -> memref<50x128xf32, #tpu.memory_space<vmem>>
    %dma_wait3A_972 = arith.constant 0 : i32
    %dma_wait3A_973 = tpu.memref_slice %arg5[%dma_wait3A_972] : memref<7168xi32, #tpu.memory_space<vmem>> -> memref<50xi32, #tpu.memory_space<vmem>>
    %dma_wait3A_974 = arith.constant 0 : i32
    %dma_wait3A_975 = arith.constant 0 : i32
    %dma_wait3A_976 = tpu.memref_slice %arg3[%dma_wait3A_974, %dma_wait3A_975] : memref<100000x128xf32, #tpu.memory_space<hbm>> -> memref<100000x128xf32, #tpu.memory_space<hbm>>
    %dma_wait3A_977 = tpu.memref_slice %arg7[%dma_wait3A_967] : memref<8x!tpu.dma_semaphore, #tpu.memory_space<semaphore_mem>> -> memref<1x!tpu.dma_semaphore, #tpu.memory_space<semaphore_mem>>
    %dma_wait3A_978 = tpu.memref_squeeze %dma_wait3A_977 : memref<1x!tpu.dma_semaphore, #tpu.memory_space<semaphore_mem>> -> memref<!tpu.dma_semaphore, #tpu.memory_space<semaphore_mem>>
    tpu.wait_indirect_dma semaphore(%dma_wait3A_978 : memref<!tpu.dma_semaphore, #tpu.memory_space<semaphore_mem>>) src(%dma_wait3A_976 : memref<100000x128xf32, #tpu.memory_space<hbm>>) dst(%dma_wait3A_971 : memref<50x128xf32, #tpu.memory_space<vmem>>)
    %add3A_979 = arith.constant 126 : i32
    %add3A_980 = arith.addi %mul3A_2, %add3A_979 : i32
    %dma_start3A_981 = arith.constant 6 : i32
    %dma_start3A_982 = arith.constant 6 : i32
    %dma_start3A_983 = arith.constant 0 : i32
    %dma_start3A_984 = arith.constant 0 : i32
    %dma_start3A_985 = tpu.memref_slice %arg6[%dma_start3A_981, %dma_start3A_983, %dma_start3A_984] : memref<8x50x128xf32, #tpu.memory_space<vmem>> -> memref<1x50x128xf32, #tpu.memory_space<vmem>>
    %dma_start3A_986 = tpu.memref_squeeze %dma_start3A_985 : memref<1x50x128xf32, #tpu.memory_space<vmem>> -> memref<50x128xf32, #tpu.memory_space<vmem>>
    %dma_start3A_987 = arith.constant 0 : i32
    %dma_start3A_988 = arith.constant 0 : i32
    %dma_start3A_989 = tpu.memref_slice %arg4[%add3A_980, %dma_start3A_987, %dma_start3A_988] : memref<4096x50x128xf32, #tpu.memory_space<hbm>> -> memref<1x50x128xf32, #tpu.memory_space<hbm>>
    %dma_start3A_990 = tpu.memref_squeeze %dma_start3A_989 : memref<1x50x128xf32, #tpu.memory_space<hbm>> -> memref<50x128xf32, #tpu.memory_space<hbm>>
    %dma_start3A_991 = tpu.memref_slice %arg8[%dma_start3A_982] : memref<8x!tpu.dma_semaphore, #tpu.memory_space<semaphore_mem>> -> memref<1x!tpu.dma_semaphore, #tpu.memory_space<semaphore_mem>>
    %dma_start3A_992 = tpu.memref_squeeze %dma_start3A_991 : memref<1x!tpu.dma_semaphore, #tpu.memory_space<semaphore_mem>> -> memref<!tpu.dma_semaphore, #tpu.memory_space<semaphore_mem>>
    %dma_start3A_993 = arith.constant 0 : i32
    %dma_start3A_994 = arith.constant 0 : i32
    %dma_start3A_995 = tpu.memref_slice %arg4[%add3A_980, %dma_start3A_993, %dma_start3A_994] : memref<4096x50x128xf32, #tpu.memory_space<hbm>> -> memref<1x50x128xf32, #tpu.memory_space<hbm>>
    %dma_start3A_996 = tpu.memref_squeeze %dma_start3A_995 : memref<1x50x128xf32, #tpu.memory_space<hbm>> -> memref<50x128xf32, #tpu.memory_space<hbm>>
    %dma_start3A_997 = arith.constant 0 : i32
    %dma_start3A_998 = arith.constant 0 : i32
    %dma_start3A_999 = tpu.memref_slice %arg6[%dma_start3A_981, %dma_start3A_997, %dma_start3A_998] : memref<8x50x128xf32, #tpu.memory_space<vmem>> -> memref<1x50x128xf32, #tpu.memory_space<vmem>>
    %dma_start3A_1000 = tpu.memref_squeeze %dma_start3A_999 : memref<1x50x128xf32, #tpu.memory_space<vmem>> -> memref<50x128xf32, #tpu.memory_space<vmem>>
    tpu.enqueue_dma source(%dma_start3A_1000 : memref<50x128xf32, #tpu.memory_space<vmem>>) target(%dma_start3A_996 : memref<50x128xf32, #tpu.memory_space<hbm>>) target_semaphore(%dma_start3A_992 : memref<!tpu.dma_semaphore, #tpu.memory_space<semaphore_mem>>)
    %dma_wait3A_1001 = arith.constant 5 : i32
    %dma_wait3A_1002 = arith.constant 5 : i32
    %dma_wait3A_1003 = arith.constant 0 : i32
    %dma_wait3A_1004 = arith.constant 0 : i32
    %dma_wait3A_1005 = tpu.memref_slice %arg6[%dma_wait3A_1001, %dma_wait3A_1003, %dma_wait3A_1004] : memref<8x50x128xf32, #tpu.memory_space<vmem>> -> memref<1x50x128xf32, #tpu.memory_space<vmem>>
    %dma_wait3A_1006 = tpu.memref_squeeze %dma_wait3A_1005 : memref<1x50x128xf32, #tpu.memory_space<vmem>> -> memref<50x128xf32, #tpu.memory_space<vmem>>
    %dma_wait3A_1007 = arith.constant 0 : i32
    %dma_wait3A_1008 = arith.constant 0 : i32
    %dma_wait3A_1009 = tpu.memref_slice %arg4[%mul3A_2, %dma_wait3A_1007, %dma_wait3A_1008] : memref<4096x50x128xf32, #tpu.memory_space<hbm>> -> memref<1x50x128xf32, #tpu.memory_space<hbm>>
    %dma_wait3A_1010 = tpu.memref_squeeze %dma_wait3A_1009 : memref<1x50x128xf32, #tpu.memory_space<hbm>> -> memref<50x128xf32, #tpu.memory_space<hbm>>
    %dma_wait3A_1011 = tpu.memref_slice %arg8[%dma_wait3A_1002] : memref<8x!tpu.dma_semaphore, #tpu.memory_space<semaphore_mem>> -> memref<1x!tpu.dma_semaphore, #tpu.memory_space<semaphore_mem>>
    %dma_wait3A_1012 = tpu.memref_squeeze %dma_wait3A_1011 : memref<1x!tpu.dma_semaphore, #tpu.memory_space<semaphore_mem>> -> memref<!tpu.dma_semaphore, #tpu.memory_space<semaphore_mem>>
    %dma_wait3A_1013 = arith.constant 0 : i32
    %dma_wait3A_1014 = arith.constant 0 : i32
    %dma_wait3A_1015 = tpu.memref_slice %arg4[%mul3A_2, %dma_wait3A_1013, %dma_wait3A_1014] : memref<4096x50x128xf32, #tpu.memory_space<hbm>> -> memref<1x50x128xf32, #tpu.memory_space<hbm>>
    %dma_wait3A_1016 = tpu.memref_squeeze %dma_wait3A_1015 : memref<1x50x128xf32, #tpu.memory_space<hbm>> -> memref<50x128xf32, #tpu.memory_space<hbm>>
    %dma_wait3A_1017 = arith.constant 0 : i32
    %dma_wait3A_1018 = arith.constant 0 : i32
    %dma_wait3A_1019 = tpu.memref_slice %arg6[%dma_wait3A_1001, %dma_wait3A_1017, %dma_wait3A_1018] : memref<8x50x128xf32, #tpu.memory_space<vmem>> -> memref<1x50x128xf32, #tpu.memory_space<vmem>>
    %dma_wait3A_1020 = tpu.memref_squeeze %dma_wait3A_1019 : memref<1x50x128xf32, #tpu.memory_space<vmem>> -> memref<50x128xf32, #tpu.memory_space<vmem>>
    tpu.wait_dma2 semaphore(%dma_wait3A_1012 : memref<!tpu.dma_semaphore, #tpu.memory_space<semaphore_mem>>) src(%dma_wait3A_1020 : memref<50x128xf32, #tpu.memory_space<vmem>>) dst(%dma_wait3A_1016 : memref<50x128xf32, #tpu.memory_space<hbm>>)
    %dma_wait3A_1021 = arith.constant 7 : i32
    %dma_wait3A_1022 = arith.constant 7 : i32
    %dma_wait3A_1023 = arith.constant 0 : i32
    %dma_wait3A_1024 = arith.constant 0 : i32
    %dma_wait3A_1025 = tpu.memref_slice %arg6[%dma_wait3A_1021, %dma_wait3A_1023, %dma_wait3A_1024] : memref<8x50x128xf32, #tpu.memory_space<vmem>> -> memref<1x50x128xf32, #tpu.memory_space<vmem>>
    %dma_wait3A_1026 = tpu.memref_squeeze %dma_wait3A_1025 : memref<1x50x128xf32, #tpu.memory_space<vmem>> -> memref<50x128xf32, #tpu.memory_space<vmem>>
    %dma_wait3A_1027 = arith.constant 0 : i32
    %dma_wait3A_1028 = tpu.memref_slice %arg5[%dma_wait3A_1027] : memref<7168xi32, #tpu.memory_space<vmem>> -> memref<50xi32, #tpu.memory_space<vmem>>
    %dma_wait3A_1029 = arith.constant 0 : i32
    %dma_wait3A_1030 = arith.constant 0 : i32
    %dma_wait3A_1031 = tpu.memref_slice %arg3[%dma_wait3A_1029, %dma_wait3A_1030] : memref<100000x128xf32, #tpu.memory_space<hbm>> -> memref<100000x128xf32, #tpu.memory_space<hbm>>
    %dma_wait3A_1032 = tpu.memref_slice %arg7[%dma_wait3A_1022] : memref<8x!tpu.dma_semaphore, #tpu.memory_space<semaphore_mem>> -> memref<1x!tpu.dma_semaphore, #tpu.memory_space<semaphore_mem>>
    %dma_wait3A_1033 = tpu.memref_squeeze %dma_wait3A_1032 : memref<1x!tpu.dma_semaphore, #tpu.memory_space<semaphore_mem>> -> memref<!tpu.dma_semaphore, #tpu.memory_space<semaphore_mem>>
    tpu.wait_indirect_dma semaphore(%dma_wait3A_1033 : memref<!tpu.dma_semaphore, #tpu.memory_space<semaphore_mem>>) src(%dma_wait3A_1031 : memref<100000x128xf32, #tpu.memory_space<hbm>>) dst(%dma_wait3A_1026 : memref<50x128xf32, #tpu.memory_space<vmem>>)
    %add3A_1034 = arith.constant 127 : i32
    %add3A_1035 = arith.addi %mul3A_2, %add3A_1034 : i32
    %dma_start3A_1036 = arith.constant 7 : i32
    %dma_start3A_1037 = arith.constant 7 : i32
    %dma_start3A_1038 = arith.constant 0 : i32
    %dma_start3A_1039 = arith.constant 0 : i32
    %dma_start3A_1040 = tpu.memref_slice %arg6[%dma_start3A_1036, %dma_start3A_1038, %dma_start3A_1039] : memref<8x50x128xf32, #tpu.memory_space<vmem>> -> memref<1x50x128xf32, #tpu.memory_space<vmem>>
    %dma_start3A_1041 = tpu.memref_squeeze %dma_start3A_1040 : memref<1x50x128xf32, #tpu.memory_space<vmem>> -> memref<50x128xf32, #tpu.memory_space<vmem>>
    %dma_start3A_1042 = arith.constant 0 : i32
    %dma_start3A_1043 = arith.constant 0 : i32
    %dma_start3A_1044 = tpu.memref_slice %arg4[%add3A_1035, %dma_start3A_1042, %dma_start3A_1043] : memref<4096x50x128xf32, #tpu.memory_space<hbm>> -> memref<1x50x128xf32, #tpu.memory_space<hbm>>
    %dma_start3A_1045 = tpu.memref_squeeze %dma_start3A_1044 : memref<1x50x128xf32, #tpu.memory_space<hbm>> -> memref<50x128xf32, #tpu.memory_space<hbm>>
    %dma_start3A_1046 = tpu.memref_slice %arg8[%dma_start3A_1037] : memref<8x!tpu.dma_semaphore, #tpu.memory_space<semaphore_mem>> -> memref<1x!tpu.dma_semaphore, #tpu.memory_space<semaphore_mem>>
    %dma_start3A_1047 = tpu.memref_squeeze %dma_start3A_1046 : memref<1x!tpu.dma_semaphore, #tpu.memory_space<semaphore_mem>> -> memref<!tpu.dma_semaphore, #tpu.memory_space<semaphore_mem>>
    %dma_start3A_1048 = arith.constant 0 : i32
    %dma_start3A_1049 = arith.constant 0 : i32
    %dma_start3A_1050 = tpu.memref_slice %arg4[%add3A_1035, %dma_start3A_1048, %dma_start3A_1049] : memref<4096x50x128xf32, #tpu.memory_space<hbm>> -> memref<1x50x128xf32, #tpu.memory_space<hbm>>
    %dma_start3A_1051 = tpu.memref_squeeze %dma_start3A_1050 : memref<1x50x128xf32, #tpu.memory_space<hbm>> -> memref<50x128xf32, #tpu.memory_space<hbm>>
    %dma_start3A_1052 = arith.constant 0 : i32
    %dma_start3A_1053 = arith.constant 0 : i32
    %dma_start3A_1054 = tpu.memref_slice %arg6[%dma_start3A_1036, %dma_start3A_1052, %dma_start3A_1053] : memref<8x50x128xf32, #tpu.memory_space<vmem>> -> memref<1x50x128xf32, #tpu.memory_space<vmem>>
    %dma_start3A_1055 = tpu.memref_squeeze %dma_start3A_1054 : memref<1x50x128xf32, #tpu.memory_space<vmem>> -> memref<50x128xf32, #tpu.memory_space<vmem>>
    tpu.enqueue_dma source(%dma_start3A_1055 : memref<50x128xf32, #tpu.memory_space<vmem>>) target(%dma_start3A_1051 : memref<50x128xf32, #tpu.memory_space<hbm>>) target_semaphore(%dma_start3A_1047 : memref<!tpu.dma_semaphore, #tpu.memory_space<semaphore_mem>>)
    %dma_wait3A_1056 = arith.constant 6 : i32
    %dma_wait3A_1057 = arith.constant 6 : i32
    %dma_wait3A_1058 = arith.constant 0 : i32
    %dma_wait3A_1059 = arith.constant 0 : i32
    %dma_wait3A_1060 = tpu.memref_slice %arg6[%dma_wait3A_1056, %dma_wait3A_1058, %dma_wait3A_1059] : memref<8x50x128xf32, #tpu.memory_space<vmem>> -> memref<1x50x128xf32, #tpu.memory_space<vmem>>
    %dma_wait3A_1061 = tpu.memref_squeeze %dma_wait3A_1060 : memref<1x50x128xf32, #tpu.memory_space<vmem>> -> memref<50x128xf32, #tpu.memory_space<vmem>>
    %dma_wait3A_1062 = arith.constant 0 : i32
    %dma_wait3A_1063 = arith.constant 0 : i32
    %dma_wait3A_1064 = tpu.memref_slice %arg4[%mul3A_2, %dma_wait3A_1062, %dma_wait3A_1063] : memref<4096x50x128xf32, #tpu.memory_space<hbm>> -> memref<1x50x128xf32, #tpu.memory_space<hbm>>
    %dma_wait3A_1065 = tpu.memref_squeeze %dma_wait3A_1064 : memref<1x50x128xf32, #tpu.memory_space<hbm>> -> memref<50x128xf32, #tpu.memory_space<hbm>>
    %dma_wait3A_1066 = tpu.memref_slice %arg8[%dma_wait3A_1057] : memref<8x!tpu.dma_semaphore, #tpu.memory_space<semaphore_mem>> -> memref<1x!tpu.dma_semaphore, #tpu.memory_space<semaphore_mem>>
    %dma_wait3A_1067 = tpu.memref_squeeze %dma_wait3A_1066 : memref<1x!tpu.dma_semaphore, #tpu.memory_space<semaphore_mem>> -> memref<!tpu.dma_semaphore, #tpu.memory_space<semaphore_mem>>
    %dma_wait3A_1068 = arith.constant 0 : i32
    %dma_wait3A_1069 = arith.constant 0 : i32
    %dma_wait3A_1070 = tpu.memref_slice %arg4[%mul3A_2, %dma_wait3A_1068, %dma_wait3A_1069] : memref<4096x50x128xf32, #tpu.memory_space<hbm>> -> memref<1x50x128xf32, #tpu.memory_space<hbm>>
    %dma_wait3A_1071 = tpu.memref_squeeze %dma_wait3A_1070 : memref<1x50x128xf32, #tpu.memory_space<hbm>> -> memref<50x128xf32, #tpu.memory_space<hbm>>
    %dma_wait3A_1072 = arith.constant 0 : i32
    %dma_wait3A_1073 = arith.constant 0 : i32
    %dma_wait3A_1074 = tpu.memref_slice %arg6[%dma_wait3A_1056, %dma_wait3A_1072, %dma_wait3A_1073] : memref<8x50x128xf32, #tpu.memory_space<vmem>> -> memref<1x50x128xf32, #tpu.memory_space<vmem>>
    %dma_wait3A_1075 = tpu.memref_squeeze %dma_wait3A_1074 : memref<1x50x128xf32, #tpu.memory_space<vmem>> -> memref<50x128xf32, #tpu.memory_space<vmem>>
    tpu.wait_dma2 semaphore(%dma_wait3A_1067 : memref<!tpu.dma_semaphore, #tpu.memory_space<semaphore_mem>>) src(%dma_wait3A_1075 : memref<50x128xf32, #tpu.memory_space<vmem>>) dst(%dma_wait3A_1071 : memref<50x128xf32, #tpu.memory_space<hbm>>)
    %dma_wait3A_1076 = arith.constant 7 : i32
    %dma_wait3A_1077 = arith.constant 7 : i32
    %dma_wait3A_1078 = arith.constant 0 : i32
    %dma_wait3A_1079 = arith.constant 0 : i32
    %dma_wait3A_1080 = tpu.memref_slice %arg6[%dma_wait3A_1076, %dma_wait3A_1078, %dma_wait3A_1079] : memref<8x50x128xf32, #tpu.memory_space<vmem>> -> memref<1x50x128xf32, #tpu.memory_space<vmem>>
    %dma_wait3A_1081 = tpu.memref_squeeze %dma_wait3A_1080 : memref<1x50x128xf32, #tpu.memory_space<vmem>> -> memref<50x128xf32, #tpu.memory_space<vmem>>
    %dma_wait3A_1082 = arith.constant 0 : i32
    %dma_wait3A_1083 = arith.constant 0 : i32
    %dma_wait3A_1084 = tpu.memref_slice %arg4[%mul3A_2, %dma_wait3A_1082, %dma_wait3A_1083] : memref<4096x50x128xf32, #tpu.memory_space<hbm>> -> memref<1x50x128xf32, #tpu.memory_space<hbm>>
    %dma_wait3A_1085 = tpu.memref_squeeze %dma_wait3A_1084 : memref<1x50x128xf32, #tpu.memory_space<hbm>> -> memref<50x128xf32, #tpu.memory_space<hbm>>
    %dma_wait3A_1086 = tpu.memref_slice %arg8[%dma_wait3A_1077] : memref<8x!tpu.dma_semaphore, #tpu.memory_space<semaphore_mem>> -> memref<1x!tpu.dma_semaphore, #tpu.memory_space<semaphore_mem>>
    %dma_wait3A_1087 = tpu.memref_squeeze %dma_wait3A_1086 : memref<1x!tpu.dma_semaphore, #tpu.memory_space<semaphore_mem>> -> memref<!tpu.dma_semaphore, #tpu.memory_space<semaphore_mem>>
    %dma_wait3A_1088 = arith.constant 0 : i32
    %dma_wait3A_1089 = arith.constant 0 : i32
    %dma_wait3A_1090 = tpu.memref_slice %arg4[%mul3A_2, %dma_wait3A_1088, %dma_wait3A_1089] : memref<4096x50x128xf32, #tpu.memory_space<hbm>> -> memref<1x50x128xf32, #tpu.memory_space<hbm>>
    %dma_wait3A_1091 = tpu.memref_squeeze %dma_wait3A_1090 : memref<1x50x128xf32, #tpu.memory_space<hbm>> -> memref<50x128xf32, #tpu.memory_space<hbm>>
    %dma_wait3A_1092 = arith.constant 0 : i32
    %dma_wait3A_1093 = arith.constant 0 : i32
    %dma_wait3A_1094 = tpu.memref_slice %arg6[%dma_wait3A_1076, %dma_wait3A_1092, %dma_wait3A_1093] : memref<8x50x128xf32, #tpu.memory_space<vmem>> -> memref<1x50x128xf32, #tpu.memory_space<vmem>>
    %dma_wait3A_1095 = tpu.memref_squeeze %dma_wait3A_1094 : memref<1x50x128xf32, #tpu.memory_space<vmem>> -> memref<50x128xf32, #tpu.memory_space<vmem>>
    tpu.wait_dma2 semaphore(%dma_wait3A_1087 : memref<!tpu.dma_semaphore, #tpu.memory_space<semaphore_mem>>) src(%dma_wait3A_1095 : memref<50x128xf32, #tpu.memory_space<vmem>>) dst(%dma_wait3A_1091 : memref<50x128xf32, #tpu.memory_space<hbm>>)
    return
  }
}

</mosaic_0001>

<sc_bundles>
// kernel: _embed.3.cloned.1.call-start
scs
__scs_entry_jumppad:
0x0: {  	(pc) =	sbr.rel $0x88, $3  }
0x1: {  	(tag) =	ssettag $0x0;
	lr =	simm.s32 $0x1  }
0x2: {  	[smem:$0x3F9F] =	sst lr;
	_ =	strace $0xD0000000  }
0x3: {  	_ = 	snop  }
0x4: {  	_ = 	snop  }
0x5: {  	_ = 	snop  }
0x6: {  	_ = 	snop  }
0x7: {  	_ = 	snop  }
__scs_overlays_trampoline_lowered:
0x8: {  	[smem:$0x3FAE] =	sst s0  }
0x9: {  	[smem:$0x3FAF] =	sst s1  }
0xa: {  	[smem:$0x3FB0] =	sst s2  }
0xb: {  	[smem:$0x3FB1] =	sst s3  }
0xc: {  	[smem:$0x3FB2] =	sst s4  }
0xd: {  	[smem:$0x3FB3] =	sst s5  }
0xe: {  	[smem:$0x3FB4] =	sst s6  }
0xf: {  	[smem:$0x3FB5] =	sst s7  }
0x10: {  	[smem:$0x3FB6] =	sst s8  }
0x11: {  	[smem:$0x3FB7] =	sst s9;
	s0 =	simm.s32 @!p0 $0x0  }
0x12: {  	s1 =	sld [smem:$0x3F9D];
	s0 =	simm.s32 @p0 $0x1  }
0x13: {  	[smem:$0x3FB8] =	sst s0;
	s0 =	simm.s32 @!p1 $0x0  }
0x14: {  	s2 =	sld [smem:$0x3F9C];
	s0 =	simm.s32 @p1 $0x1  }
0x15: {  	[smem:$0x3FB9] =	sst s0;
	s0 =	simm.s32 @!p2 $0x0  }
0x16: {  	s3 =	sld [smem:$0x3FDB];
	s0 =	simm.s32 @p2 $0x1  }
0x17: {  	s4 =	simm.s32 $0x1BF5;
	[smem:$0x3FBB] =	sst s0  }
0x18: {  	s0 =	sld [smem:$0x3F9E];
	_ =	swait.ge [sflag:s4], $0x0  }
0x19: {  	s7 =	sld [smem:$0x3F9F]  }
0x1a: {  	s8 =	sadd.s32 $0xFFFFE003, lr  }
0x1b: {  	s9 =	sadd.s32 $0xFFFFFEF7, lr;
	s5 =	simm.s32 $0xFFFFFFFF;
	p2 =	slt.u32 s8, $0xFFFFF086  }
0x1c: {  	p1 =	slt.u32 s9, $0xF7A;
	s5 =	simm.s32 @!p2 $0x0  }
0x1d: {  	s5 =	simm.s32 @p1 $0x1;
	p0 =	seq.s32 s7, s2  }
0x1e: {  	s7 =	smul.u32 @!p0 $0xF7A, s2;
	p2 =	seq.s32 @!p0 s5, $0x0  }
0x1f: {  	s9 =	smul.u32 $0xF7A, s1;
	s8 =	simm.s32 @!p0 $0x1BF5;
	p2 =	por !p2, p0  }
0x20: {  	[sflag:s8] =	ssyncset.s32 @!p0 $0xFFFFF086;
	s6 =	sadd.s32 @!p0 s3, s7;
	s7 =	simm.s32 @!p0 $0x108  }
0x21: {  	s3 =	sadd.s32 s3, s9;
	s6 =	sadd.s32 @!p0 $0x88, s6;
	s7 =	simm.s32 @p2 $0x1082  }
0x22: {  	[simem:s7], [sflag:s8] =	dma.local @!p0 [hbm:s6], $0xF7A  }
0x23: {  	s9 =	sor.u32 $0xD0000000, s2;
	s6 =	simm.s32 $0x108;
	_ =	swait.ge @!p0 [sflag:s8], $0x0  }
0x24: {  	s3 =	sadd.s32 $0x88, s3;
	s6 =	simm.s32 @!p1 $0x1082;
	[sflag:s4] =	ssyncset.s32 $0xFFFFF086  }
0x25: {  	[simem:s6], [sflag:s4] =	dma.local [hbm:s3], $0xF7A  }
0x26: {  	[smem:$0x3F9F] =	sst s1;
	(tag) =	ssettag s2;
	_ =	strace s9  }
0x27: {  	s1 =	sld [smem:$0x3FAF]  }
0x28: {  	s2 =	sld [smem:$0x3FB0]  }
0x29: {  	s4 =	sld [smem:$0x3FB2]  }
0x2a: {  	p0 =	seq.s32 s5, $0x0;
	s5 =	sld [smem:$0x3FB3]  }
0x2b: {  	s6 =	sld [smem:$0x3FB4]  }
0x2c: {  	s7 =	sld [smem:$0x3FB5]  }
0x2d: {  	s3 =	simm.s32 $0x108;
	s8 =	sld [smem:$0x3FB6]  }
0x2e: {  	s3 =	simm.s32 @!p0 $0x1082;
	s9 =	sld [smem:$0x3FB7]  }
0x2f: {  	lr =	sadd.s32 s0, s3;
	s0 =	sld [smem:$0x3FAE]  }
0x30: {  	s3 =	sld [smem:$0x3FB1]  }
0x31: {  	[smem:$0x3FBA] =	sst s10  }
0x32: {  	s10 =	sld [smem:$0x3FB8];
	_ =	sdelay $0x3  }
0x33: {  	p0 =	seq.s32 s10, $0x1;
	s10 =	sld [smem:$0x3FBA];
	_ =	sdelay $0x3  }
0x34: {  	[smem:$0x3FBA] =	sst s10  }
0x35: {  	s10 =	sld [smem:$0x3FB9];
	_ =	sdelay $0x3  }
0x36: {  	p1 =	seq.s32 s10, $0x1;
	s10 =	sld [smem:$0x3FBA];
	_ =	sdelay $0x3  }
0x37: {  	[smem:$0x3FBA] =	sst s10  }
0x38: {  	s10 =	sld [smem:$0x3FBB]  }
0x39: {  	_ = 	snop;
	(pc) =	sbr.ind lr, $3  }
0x3a: {  	_ = 	snop  }
0x3b: {  	_ = 	snop  }
0x3c: {  	p2 =	seq.s32 s10, $0x1;
	s10 =	sld [smem:$0x3FBA]  }
0x3d: {  	_ =	shalt  }
0x3e: {  	_ =	shalt  }
0x3f: {  	_ =	shalt  }
0x40: {  	_ =	shalt  }
0x41: {  	_ =	shalt  }
0x42: {  	_ =	shalt  }
0x43: {  	_ =	shalt  }
0x44: {  	_ =	shalt  }
0x45: {  	_ =	shalt  }
0x46: {  	_ =	shalt  }
0x47: {  	_ =	shalt  }
0x48: {  	_ =	shalt  }
0x49: {  	_ =	shalt  }
0x4a: {  	_ =	shalt  }
0x4b: {  	_ =	shalt  }
0x4c: {  	_ =	shalt  }
0x4d: {  	_ =	shalt  }
0x4e: {  	_ =	shalt  }
0x4f: {  	_ =	shalt  }
0x50: {  	_ =	shalt  }
0x51: {  	_ =	shalt  }
0x52: {  	_ =	shalt  }
0x53: {  	_ =	shalt  }
0x54: {  	_ =	shalt  }
0x55: {  	_ =	shalt  }
0x56: {  	_ =	shalt  }
0x57: {  	_ =	shalt  }
0x58: {  	_ =	shalt  }
0x59: {  	_ =	shalt  }
0x5a: {  	_ =	shalt  }
0x5b: {  	_ =	shalt  }
0x5c: {  	_ =	shalt  }
0x5d: {  	_ =	shalt  }
0x5e: {  	_ =	shalt  }
0x5f: {  	_ =	shalt  }
0x60: {  	_ =	shalt  }
0x61: {  	_ =	shalt  }
0x62: {  	_ =	shalt  }
0x63: {  	_ =	shalt  }
0x64: {  	_ =	shalt  }
0x65: {  	_ =	shalt  }
0x66: {  	_ =	shalt  }
0x67: {  	_ =	shalt  }
0x68: {  	_ =	shalt  }
0x69: {  	_ =	shalt  }
0x6a: {  	_ =	shalt  }
0x6b: {  	_ =	shalt  }
0x6c: {  	_ =	shalt  }
0x6d: {  	_ =	shalt  }
0x6e: {  	_ =	shalt  }
0x6f: {  	_ =	shalt  }
0x70: {  	_ =	shalt  }
0x71: {  	_ =	shalt  }
0x72: {  	_ =	shalt  }
0x73: {  	_ =	shalt  }
0x74: {  	_ =	shalt  }
0x75: {  	_ =	shalt  }
0x76: {  	_ =	shalt  }
0x77: {  	_ =	shalt  }
0x78: {  	_ =	shalt  }
0x79: {  	_ =	shalt  }
0x7a: {  	_ =	shalt  }
0x7b: {  	_ =	shalt  }
0x7c: {  	_ =	shalt  }
0x7d: {  	_ =	shalt  }
0x7e: {  	_ =	shalt  }
0x7f: {  	_ =	shalt  }
0x80: {  	_ =	shalt  }
0x81: {  	_ =	shalt  }
0x82: {  	_ =	shalt  }
0x83: {  	_ =	shalt  }
0x84: {  	_ =	shalt  }
0x85: {  	_ =	shalt  }
0x86: {  	_ =	shalt  }
0x87: {  	_ =	shalt  }
.Lfunc_end0:
.L_simem_size_0:
called_computation_lowered:
.L_overlay_start_0:
0x88: {  	s2 =	sld [smem:$0x3FD9]  }
0x89: {  	s3 =	sld [smem:$0x3FFE];
	_ =	sdelay $0x1  }
0x8a: {  	s1 =	srdreg.scid  }
0x8b: {  	s0 =	sand.u32 $0x1, s1  }
0x8c: {  	s17 =	sshll.u32 s0, $0xA;
	s2 =	sadd.s32 s3, s2  }
0x8d: {  	s2 =	sadd.s32 s2, s17  }
0x8e: {  	[smem:$0x3FC6] =	sst s2  }
0x8f: {  	_ = 	snop  }
0x90: {  	s2 =	sld [smem:$0x3FC9]  }
0x91: {  	s18 =	sld [smem:$0x3FC8];
	(tm) =	ssettm $0x1  }
0x92: {  	s4 =	sld [smem:$0x3FFB];
	_ =	sdelay $0x3  }
0x93: {  	_ =	strace s4  }
0x94: {  	s4 =	sld [smem:$0x3FFC];
	_ =	sdelay $0x3  }
0x95: {  	_ =	strace s4  }
0x96: {  	s4 =	sld [smem:$0x3FFD];
	_ =	sdelay $0x3  }
0x97: {  	_ =	strace s4  }
0x98: {  	_ =	strace $0x8FFFFFFF  }
0x99: {  	s19 =	sld [smem:$0x3FDB];
	_ =	sdelay $0x1  }
0x9a: {  	s5 =	simm.s32 $_scs_section_size  }
0x9b: {  	s6 =	simm.s32 $_size__tile_overlayer_lowered;
	s7 =	simm.s32 $_tile_overlayer_lowered  }
0x9c: {  	s22 =	simm.s32 $0x1BFF;
	s21 =	sshll.u32 s7, $0x1;
	s4 =	sadd.s32 s5, s19  }
0x9d: {  	s8 =	simm.s32 $0x0;
	s20 =	sshll.u32 s6, $0x1;
	s6 =	sadd.s32 s21, s4  }
0x9e: {  	[timem:s8], [sflag:s22] =	dma.local [hbm:s6], s20  }
0x9f: {  	_ =	swait.ge [sflag:s22], s20  }
0xa0: {  	s5 =	ssub.s32 $0x0, s20;
	[sflag:s22] =	ssyncset.done $0x0  }
0xa1: {  	[sflag:s22] =	ssyncadd.s32 s5;
	_ =	sdelay $0x1  }
0xa2: {  	s23 =	simm.s32 $0x1B8B  }
0xa3: {  	_ =	swait.ge [sflag:s23], $0x1  }
0xa4: {  	[sflag:s23] =	ssyncset.done $0x0  }
0xa5: {  	s25 =	simm.s32 $0x1B8E;
	s24 =	sld [smem:$0x3FFE];
	[sflag:s23] =	ssyncadd.s32 $0xFFFFFFFF  }
0xa6: {  	s26 =	simm.s32 $execute0_lowered;
	[smem:$0x3FD2] =	sst s25  }
0xa7: {  	s6 =	sshll.u32 s26, $0x1;
	_ =	strace $0x80000046;
	[dreg:$0x1] =	wrdreg $0xFFFFFFFF  }
0xa8: {  	s28 =	simm.s32 $_size_execute0_lowered;
	s4 =	sadd.s32 s4, s6;
	[dreg:$0x0] =	wrdreg $0x0  }
0xa9: {  	s6 =	sshll.u32 s28, $0x1;
	[dreg:$0x2] =	wrdreg s4  }
0xaa: {  	[dreg:$0x3] =	wrdreg s6  }
0xab: {  	[dreg:$0x4] =	wrdreg $0xC0  }
0xac: {  	_ =	task [dreg:s8], $0x5FFFF  }
0xad: {  	[dreg:$0x1] =	wrdreg $0xFFFFFFFF  }
0xae: {  	[dreg:$0x0] =	wrdreg $0x60  }
0xaf: {  	[dreg:$0x2] =	wrdreg s2  }
0xb0: {  	[dreg:$0x3] =	wrdreg s18  }
0xb1: {  	[dreg:$0x4] =	wrdreg s24  }
0xb2: {  	[dreg:$0x5] =	wrdreg $0x9  }
0xb3: {  	_ =	task.clear_ibuf [dreg:s8], $0x6FFFF;
	_ =	strace $0x90000046  }
0xb4: {  	s29 =	simm.s32 $0x9;
	_ =	strace $0x80000048  }
0xb5: {  	_ =	swait.ge [sflag:s29], $0x1  }
0xb6: {  	[sflag:s29] =	ssyncadd.s32 $0xFFFFFFFF  }
0xb7: {  	_ =	strace $0x90000048  }
0xb8: {  	_ =	sfence  }
0xb9: {  	s30 =	sld [smem:$0x0];
	_ =	sdelay $0x2  }
0xba: {  	s31 =	sshll.u32 s1, $0xD;
	s1 =	sshrl.u32 s1, $0x2  }
0xbb: {  	s3 =	sand.u32 $0x4000, s31;
	s1 =	sadd.s32 s1, s30  }
0xbc: {  	s0 =	sor.u32 s3, s0;
	s1 =	sshll.u32 s1, $0x11  }
0xbd: {  	s0 =	sor.u32 s1, s0  }
0xbe: {  	s0 =	sadd.s32 $0x8F2B, s0  }
0xbf: {  	[sflag:s0] =	ssyncadd.remote.s32 $0x1  }
0xc0: {  	_ =	sfence.sel $0xFFFF  }
0xc1: {  	[dreg:$0x0] =	wrdreg $0xFFFFFFFF;
	(pc) =	sbr.abs _section_cstart, $3  }
0xc2: {  	[dreg:$0x1] =	wrdreg $0xFFFFFFFF  }
0xc3: {  	_ =	task.clear_ibuf [dreg:s8], $0x2FFFF;
	_ =	strace $0x9FFFFFFF  }
0xc4: {  	(tm) =	ssettm $0x7FFFFFFF  }
0xc5: {  	_ =	shalt  }
tec
execute0_lowered:
.L_overlay_start_1:
0x0: {  	(tag) =	ssettag $0x1  }
0x1: {  	s0 =	rddreg [dreg:$0x0]  }
0x2: {  	s2 =	rddreg [dreg:$0x1]  }
0x3: {  	s1 =	rddreg [dreg:$0x2];
	s4 =	srdreg.scid  }
0x4: {  	s10 =	stileid.u32;
	s3 =	simm.s32 $0x0;
	s28 =	simm.s32 $0x3800  }
0x5: {  	s30 =	simm.s32 $0x5400;
	s31 =	simm.s32 $0xA800;
	s29 =	simm.s32 $0xC400  }
0x6: {  	s4 =	sand.u32 $0x1, s4;
	s5 =	sshll.u32 s10, $0x1;
	s18 =	smul.u32 $0x38000, s10  }
0x7: {  	s5 =	sor.u32 s4, s5;
	s6 =	ssub.s32 $0x2, s4;
	s4 =	smul.u32 $0x1C000, s4  }
0x8: {  	[smem:$0x7FF] =	sst s3;
	s1 =	sadd.s32 $0x400, s1;
	s9 =	smul.u32 $0x380, s5  }
0x9: {  	s10 =	simm.s32 $0x4;
	_ =	strace $0x80000047;
	s7 =	smul.u32 $0x1C000, s5  }
0xa: {  	s8 =	sshrl.u32 s6, $0x1;
	s5 =	smul.u32 $0xE0000, s5;
	s0 =	sadd.s32 s0, s9  }
0xb: {  	s6 =	ssub.s32 s6, s8;
	s7 =	sadd.s32 s1, s7;
	[dreg:$0x5] =	wrdreg s0  }
0xc: {  	s13 =	sshrl.u32 s5, $0x3;
	s25 =	smax.u32 s6, $0x1;
	[dreg:$0x4] =	wrdreg s7  }
0xd: {  	s5 =	simm.s32 $0x1;
	s8 =	sadd.s32 $0x380, s7;
	[dreg:$0x15] =	wrdreg s25  }
0xe: {  	s6 =	simm.s32 $0x2;
	s9 =	sadd.s32 $0x700, s7;
	[dreg:$0x6] =	wrdreg s8  }
0xf: {  	s11 =	sadd.s32 $0xA80, s7;
	s12 =	sadd.s32 $0xE00, s7;
	[dreg:$0x7] =	wrdreg s9  }
0x10: {  	s14 =	sadd.s32 $0x1180, s7;
	s15 =	sadd.s32 $0x1500, s7;
	[dreg:$0x8] =	wrdreg s11  }
0x11: {  	s0 =	sadd.s32 s1, s13;
	s16 =	sadd.s32 $0x1880, s7;
	[dreg:$0x9] =	wrdreg s12  }
0x12: {  	s1 =	sadd.s32 s18, s1;
	s25 =	simm.s32 $0x1C00;
	[dreg:$0xa] =	wrdreg s14  }
0x13: {  	s7 =	simm.s32 $0x9;
	s13 =	simm.s32 $0xC;
	[dreg:$0xb] =	wrdreg s15  }
0x14: {  	s18 =	simm.s32 $0x8;
	[dreg:$0xc] =	wrdreg s16;
	s17 =	sadd.s32 $0x1A400, s0  }
0x15: {  	s19 =	sadd.s32 $0x1A780, s0;
	s20 =	sadd.s32 $0x1AB00, s0;
	[dreg:$0xd] =	wrdreg s17  }
0x16: {  	s21 =	sadd.s32 $0x1AE80, s0;
	s22 =	sadd.s32 $0x1B200, s0;
	[dreg:$0xe] =	wrdreg s19  }
0x17: {  	s23 =	sadd.s32 $0x1B580, s0;
	s24 =	sadd.s32 $0x1B900, s0;
	[dreg:$0xf] =	wrdreg s20  }
0x18: {  	s1 =	sadd.s32 s4, s1;
	s0 =	sadd.s32 $0x1BC80, s0;
	[dreg:$0x10] =	wrdreg s21  }
0x19: {  	s8 =	simm.s32 $0x3;
	s9 =	simm.s32 $0xA;
	[dreg:$0x11] =	wrdreg s22  }
0x1a: {  	s11 =	simm.s32 $0xB;
	s12 =	simm.s32 $0x5;
	[dreg:$0x12] =	wrdreg s23  }
0x1b: {  	s14 =	simm.s32 $0x6;
	s15 =	simm.s32 $0xD;
	[dreg:$0x13] =	wrdreg s24  }
0x1c: {  	s16 =	simm.s32 $0x7;
	[dreg:$0x14] =	wrdreg s0;
	s26 =	sadd.s32 $0x1C00, s1  }
0x1d: {  	s24 =	simm.s32 $0x32;
	s0 =	simm.s32 $0x7000;
	s1 =	simm.s32 $0xE000  }
0x1e: {  	s17 =	simm.s32 $0xE;
	s19 =	simm.s32 $0xF;
	s20 =	simm.s32 $0x10  }
0x1f: {  	s21 =	simm.s32 $0x0;
	[dreg:$0x16] =	wrdreg s26;
	s26 =	simm.s32 $0x8C00  }
.LBB2_1:
0x20: {  	[dreg:$0x17] =	wrdreg s21  }
0x21: {  	s4 =	rddreg [dreg:$0x5];
	s22 =	simm.s32 $0x11  }
0x22: {  	[tilespmem:s3], [sflag:$0x11] =	stream.linear.gather [hbm4b:s4+s3], $0x1C00, $0x38;
	[tilespmem:$0xFC00] =	vst v63  }
0x23: {  	_ =	swait.ge [sflag:s22], $0x1C00  }
0x24: {  	[sflag:s22] =	ssyncset.done $0x0  }
0x25: {  	[sflag:s22] =	ssyncadd.s32 $0xFFFFE400  }
0x26: {  	[tilespmem:s25], [sflag:$0x1] =	stream.indirect.gather [hbm4b:s2+s24], $0x80, s3, s24, $0xb8;
	[tilespmem:$0xFC00] =	vst v63  }
0x27: {  	s23 =	simm.s32 $0x38  }
0x28: {  	[tilespmem:s28], [sflag:$0x2] =	stream.indirect.gather [hbm4b:s2+s24], $0x80, s23, s24, $0xb8;
	[tilespmem:$0xFC00] =	vst v63  }
0x29: {  	s21 =	simm.s32 $0x70  }
0x2a: {  	[tilespmem:s30], [sflag:$0x3] =	stream.indirect.gather [hbm4b:s2+s24], $0x80, s21, s24, $0xb8;
	[tilespmem:$0xFC00] =	vst v63  }
0x2b: {  	s22 =	simm.s32 $0xA8  }
0x2c: {  	[tilespmem:s0], [sflag:$0x4] =	stream.indirect.gather [hbm4b:s2+s24], $0x80, s22, s24, $0xb8;
	[tilespmem:$0xFC00] =	vst v63  }
0x2d: {  	s23 =	simm.s32 $0xE0  }
0x2e: {  	[tilespmem:s26], [sflag:$0x5] =	stream.indirect.gather [hbm4b:s2+s24], $0x80, s23, s24, $0xb8;
	[tilespmem:$0xFC00] =	vst v63  }
0x2f: {  	s21 =	simm.s32 $0x118  }
0x30: {  	[tilespmem:s31], [sflag:$0x6] =	stream.indirect.gather [hbm4b:s2+s24], $0x80, s21, s24, $0xb8;
	[tilespmem:$0xFC00] =	vst v63  }
0x31: {  	s22 =	simm.s32 $0x150  }
0x32: {  	[tilespmem:s29], [sflag:$0x7] =	stream.indirect.gather [hbm4b:s2+s24], $0x80, s22, s24, $0xb8;
	[tilespmem:$0xFC00] =	vst v63  }
0x33: {  	s23 =	simm.s32 $0x188  }
0x34: {  	[tilespmem:s1], [sflag:$0x8] =	stream.indirect.gather [hbm4b:s2+s24], $0x80, s23, s24, $0xb8;
	[tilespmem:$0xFC00] =	vst v63  }
0x35: {  	_ =	swait.ge [sflag:s5], $0x1900  }
0x36: {  	[sflag:s5] =	ssyncset.done $0x0  }
0x37: {  	s21 =	rddreg [dreg:$0x4];
	[sflag:s5] =	ssyncadd.s32 $0xFFFFE700  }
0x38: {  	[hbm4b:s21+s3] =	stream.linear.scatter [tilespmem:s25], [sflag:$0x9], $0x1900, $0x38;
	[tilespmem:$0xFC00] =	vst v63  }
0x39: {  	_ =	swait.ge [sflag:s6], $0x1900  }
0x3a: {  	[sflag:s6] =	ssyncset.done $0x0  }
0x3b: {  	s22 =	rddreg [dreg:$0x6];
	[sflag:s6] =	ssyncadd.s32 $0xFFFFE700  }
0x3c: {  	[hbm4b:s22+s3] =	stream.linear.scatter [tilespmem:s28], [sflag:$0xA], $0x1900, $0x38;
	[tilespmem:$0xFC00] =	vst v63  }
0x3d: {  	_ =	swait.ge [sflag:s7], $0x1900  }
0x3e: {  	[sflag:s7] =	ssyncset.done $0x0  }
0x3f: {  	s23 =	simm.s32 $0x1C0;
	[sflag:s7] =	ssyncadd.s32 $0xFFFFE700  }
0x40: {  	[tilespmem:s25], [sflag:$0x1] =	stream.indirect.gather [hbm4b:s2+s24], $0x80, s23, s24, $0xb8;
	[tilespmem:$0xFC00] =	vst v63  }
0x41: {  	_ =	swait.ge [sflag:s8], $0x1900  }
0x42: {  	[sflag:s8] =	ssyncset.done $0x0  }
0x43: {  	s21 =	rddreg [dreg:$0x7];
	[sflag:s8] =	ssyncadd.s32 $0xFFFFE700  }
0x44: {  	[hbm4b:s21+s3] =	stream.linear.scatter [tilespmem:s30], [sflag:$0xB], $0x1900, $0x38;
	[tilespmem:$0xFC00] =	vst v63  }
0x45: {  	_ =	swait.ge [sflag:s9], $0x1900  }
0x46: {  	[sflag:s9] =	ssyncset.done $0x0  }
0x47: {  	s22 =	simm.s32 $0x1F8;
	[sflag:s9] =	ssyncadd.s32 $0xFFFFE700  }
0x48: {  	[tilespmem:s28], [sflag:$0x2] =	stream.indirect.gather [hbm4b:s2+s24], $0x80, s22, s24, $0xb8;
	[tilespmem:$0xFC00] =	vst v63  }
0x49: {  	_ =	swait.ge [sflag:s10], $0x1900  }
0x4a: {  	[sflag:s10] =	ssyncset.done $0x0  }
0x4b: {  	s23 =	rddreg [dreg:$0x8];
	[sflag:s10] =	ssyncadd.s32 $0xFFFFE700  }
0x4c: {  	[hbm4b:s23+s3] =	stream.linear.scatter [tilespmem:s0], [sflag:$0xC], $0x1900, $0x38;
	[tilespmem:$0xFC00] =	vst v63  }
0x4d: {  	_ =	swait.ge [sflag:s11], $0x1900  }
0x4e: {  	[sflag:s11] =	ssyncset.done $0x0  }
0x4f: {  	s21 =	simm.s32 $0x230;
	[sflag:s11] =	ssyncadd.s32 $0xFFFFE700  }
0x50: {  	[tilespmem:s30], [sflag:$0x3] =	stream.indirect.gather [hbm4b:s2+s24], $0x80, s21, s24, $0xb8;
	[tilespmem:$0xFC00] =	vst v63  }
0x51: {  	_ =	swait.ge [sflag:s12], $0x1900  }
0x52: {  	[sflag:s12] =	ssyncset.done $0x0  }
0x53: {  	s22 =	rddreg [dreg:$0x9];
	[sflag:s12] =	ssyncadd.s32 $0xFFFFE700  }
0x54: {  	[hbm4b:s22+s3] =	stream.linear.scatter [tilespmem:s26], [sflag:$0xD], $0x1900, $0x38;
	[tilespmem:$0xFC00] =	vst v63  }
0x55: {  	_ =	swait.ge [sflag:s13], $0x1900  }
0x56: {  	[sflag:s13] =	ssyncset.done $0x0  }
0x57: {  	s23 =	simm.s32 $0x268;
	[sflag:s13] =	ssyncadd.s32 $0xFFFFE700  }
0x58: {  	[tilespmem:s0], [sflag:$0x4] =	stream.indirect.gather [hbm4b:s2+s24], $0x80, s23, s24, $0xb8;
	[tilespmem:$0xFC00] =	vst v63  }
0x59: {  	_ =	swait.ge [sflag:s14], $0x1900  }
0x5a: {  	[sflag:s14] =	ssyncset.done $0x0  }
0x5b: {  	s21 =	rddreg [dreg:$0xa];
	[sflag:s14] =	ssyncadd.s32 $0xFFFFE700  }
0x5c: {  	[hbm4b:s21+s3] =	stream.linear.scatter [tilespmem:s31], [sflag:$0xE], $0x1900, $0x38;
	[tilespmem:$0xFC00] =	vst v63  }
0x5d: {  	_ =	swait.ge [sflag:s15], $0x1900  }
0x5e: {  	[sflag:s15] =	ssyncset.done $0x0  }
0x5f: {  	s22 =	simm.s32 $0x2A0;
	[sflag:s15] =	ssyncadd.s32 $0xFFFFE700  }
0x60: {  	[tilespmem:s26], [sflag:$0x5] =	stream.indirect.gather [hbm4b:s2+s24], $0x80, s22, s24, $0xb8;
	[tilespmem:$0xFC00] =	vst v63  }
0x61: {  	_ =	swait.ge [sflag:s16], $0x1900  }
0x62: {  	[sflag:s16] =	ssyncset.done $0x0  }
0x63: {  	s23 =	rddreg [dreg:$0xb];
	[sflag:s16] =	ssyncadd.s32 $0xFFFFE700  }
0x64: {  	[hbm4b:s23+s3] =	stream.linear.scatter [tilespmem:s29], [sflag:$0xF], $0x1900, $0x38;
	[tilespmem:$0xFC00] =	vst v63  }
0x65: {  	_ =	swait.ge [sflag:s17], $0x1900  }
0x66: {  	[sflag:s17] =	ssyncset.done $0x0  }
0x67: {  	s21 =	simm.s32 $0x2D8;
	[sflag:s17] =	ssyncadd.s32 $0xFFFFE700  }
0x68: {  	[tilespmem:s31], [sflag:$0x6] =	stream.indirect.gather [hbm4b:s2+s24], $0x80, s21, s24, $0xb8;
	[tilespmem:$0xFC00] =	vst v63  }
0x69: {  	_ =	swait.ge [sflag:s18], $0x1900  }
0x6a: {  	[sflag:s18] =	ssyncset.done $0x0  }
0x6b: {  	s22 =	rddreg [dreg:$0xc];
	[sflag:s18] =	ssyncadd.s32 $0xFFFFE700  }
0x6c: {  	[hbm4b:s22+s3] =	stream.linear.scatter [tilespmem:s1], [sflag:$0x10], $0x1900, $0x38;
	[tilespmem:$0xFC00] =	vst v63  }
0x6d: {  	_ =	swait.ge [sflag:s19], $0x1900  }
0x6e: {  	[sflag:s19] =	ssyncset.done $0x0  }
0x6f: {  	s23 =	simm.s32 $0x310;
	[sflag:s19] =	ssyncadd.s32 $0xFFFFE700  }
0x70: {  	[tilespmem:s29], [sflag:$0x7] =	stream.indirect.gather [hbm4b:s2+s24], $0x80, s23, s24, $0xb8;
	[tilespmem:$0xFC00] =	vst v63  }
0x71: {  	_ =	swait.ge [sflag:s5], $0x1900  }
0x72: {  	[sflag:s5] =	ssyncset.done $0x0  }
0x73: {  	s22 =	rddreg [dreg:$0x16];
	[sflag:s5] =	ssyncadd.s32 $0xFFFFE700  }
0x74: {  	[hbm4b:s22+s3] =	stream.linear.scatter [tilespmem:s25], [sflag:$0x9], $0x1900, $0x38;
	[tilespmem:$0xFC00] =	vst v63  }
0x75: {  	_ =	swait.ge [sflag:s20], $0x1900  }
0x76: {  	[sflag:s20] =	ssyncset.done $0x0  }
0x77: {  	s21 =	simm.s32 $0x348;
	[sflag:s20] =	ssyncadd.s32 $0xFFFFE700  }
0x78: {  	[tilespmem:s1], [sflag:$0x8] =	stream.indirect.gather [hbm4b:s2+s24], $0x80, s21, s24, $0xb8;
	[tilespmem:$0xFC00] =	vst v63  }
0x79: {  	_ =	swait.ge [sflag:s6], $0x1900  }
0x7a: {  	[sflag:s6] =	ssyncset.done $0x0  }
0x7b: {  	s23 =	sadd.s32 $0x380, s22;
	[sflag:s6] =	ssyncadd.s32 $0xFFFFE700  }
0x7c: {  	[hbm4b:s23+s3] =	stream.linear.scatter [tilespmem:s28], [sflag:$0xA], $0x1900, $0x38;
	[tilespmem:$0xFC00] =	vst v63  }
0x7d: {  	_ =	swait.ge [sflag:s7], $0x1900  }
0x7e: {  	[sflag:s7] =	ssyncset.done $0x0  }
0x7f: {  	s21 =	simm.s32 $0x380;
	[sflag:s7] =	ssyncadd.s32 $0xFFFFE700  }
0x80: {  	[tilespmem:s25], [sflag:$0x1] =	stream.indirect.gather [hbm4b:s2+s24], $0x80, s21, s24, $0xb8;
	[tilespmem:$0xFC00] =	vst v63  }
0x81: {  	_ =	swait.ge [sflag:s8], $0x1900  }
0x82: {  	[sflag:s8] =	ssyncset.done $0x0  }
0x83: {  	s23 =	sadd.s32 $0x700, s22;
	[sflag:s8] =	ssyncadd.s32 $0xFFFFE700  }
0x84: {  	[hbm4b:s23+s3] =	stream.linear.scatter [tilespmem:s30], [sflag:$0xB], $0x1900, $0x38;
	[tilespmem:$0xFC00] =	vst v63  }
0x85: {  	_ =	swait.ge [sflag:s9], $0x1900  }
0x86: {  	[sflag:s9] =	ssyncset.done $0x0  }
0x87: {  	s21 =	simm.s32 $0x3B8;
	[sflag:s9] =	ssyncadd.s32 $0xFFFFE700  }
0x88: {  	[tilespmem:s28], [sflag:$0x2] =	stream.indirect.gather [hbm4b:s2+s24], $0x80, s21, s24, $0xb8;
	[tilespmem:$0xFC00] =	vst v63  }
0x89: {  	_ =	swait.ge [sflag:s10], $0x1900  }
0x8a: {  	[sflag:s10] =	ssyncset.done $0x0  }
0x8b: {  	s23 =	sadd.s32 $0xA80, s22;
	[sflag:s10] =	ssyncadd.s32 $0xFFFFE700  }
0x8c: {  	[hbm4b:s23+s3] =	stream.linear.scatter [tilespmem:s0], [sflag:$0xC], $0x1900, $0x38;
	[tilespmem:$0xFC00] =	vst v63  }
0x8d: {  	_ =	swait.ge [sflag:s11], $0x1900  }
0x8e: {  	[sflag:s11] =	ssyncset.done $0x0  }
0x8f: {  	s21 =	simm.s32 $0x3F0;
	[sflag:s11] =	ssyncadd.s32 $0xFFFFE700  }
0x90: {  	[tilespmem:s30], [sflag:$0x3] =	stream.indirect.gather [hbm4b:s2+s24], $0x80, s21, s24, $0xb8;
	[tilespmem:$0xFC00] =	vst v63  }
0x91: {  	_ =	swait.ge [sflag:s12], $0x1900  }
0x92: {  	[sflag:s12] =	ssyncset.done $0x0  }
0x93: {  	s23 =	sadd.s32 $0xE00, s22;
	[sflag:s12] =	ssyncadd.s32 $0xFFFFE700  }
0x94: {  	[hbm4b:s23+s3] =	stream.linear.scatter [tilespmem:s26], [sflag:$0xD], $0x1900, $0x38;
	[tilespmem:$0xFC00] =	vst v63  }
0x95: {  	_ =	swait.ge [sflag:s13], $0x1900  }
0x96: {  	[sflag:s13] =	ssyncset.done $0x0  }
0x97: {  	s21 =	simm.s32 $0x428;
	[sflag:s13] =	ssyncadd.s32 $0xFFFFE700  }
0x98: {  	[tilespmem:s0], [sflag:$0x4] =	stream.indirect.gather [hbm4b:s2+s24], $0x80, s21, s24, $0xb8;
	[tilespmem:$0xFC00] =	vst v63  }
0x99: {  	_ =	swait.ge [sflag:s14], $0x1900  }
0x9a: {  	[sflag:s14] =	ssyncset.done $0x0  }
0x9b: {  	s23 =	sadd.s32 $0x1180, s22;
	[sflag:s14] =	ssyncadd.s32 $0xFFFFE700  }
0x9c: {  	[hbm4b:s23+s3] =	stream.linear.scatter [tilespmem:s31], [sflag:$0xE], $0x1900, $0x38;
	[tilespmem:$0xFC00] =	vst v63  }
0x9d: {  	_ =	swait.ge [sflag:s15], $0x1900  }
0x9e: {  	[sflag:s15] =	ssyncset.done $0x0  }
0x9f: {  	s21 =	simm.s32 $0x460;
	[sflag:s15] =	ssyncadd.s32 $0xFFFFE700  }
0xa0: {  	[tilespmem:s26], [sflag:$0x5] =	stream.indirect.gather [hbm4b:s2+s24], $0x80, s21, s24, $0xb8;
	[tilespmem:$0xFC00] =	vst v63  }
0xa1: {  	_ =	swait.ge [sflag:s16], $0x1900  }
0xa2: {  	[sflag:s16] =	ssyncset.done $0x0  }
0xa3: {  	s23 =	sadd.s32 $0x1500, s22;
	[sflag:s16] =	ssyncadd.s32 $0xFFFFE700  }
0xa4: {  	[hbm4b:s23+s3] =	stream.linear.scatter [tilespmem:s29], [sflag:$0xF], $0x1900, $0x38;
	[tilespmem:$0xFC00] =	vst v63  }
0xa5: {  	_ =	swait.ge [sflag:s17], $0x1900  }
0xa6: {  	[sflag:s17] =	ssyncset.done $0x0  }
0xa7: {  	s21 =	simm.s32 $0x498;
	[sflag:s17] =	ssyncadd.s32 $0xFFFFE700  }
0xa8: {  	[tilespmem:s31], [sflag:$0x6] =	stream.indirect.gather [hbm4b:s2+s24], $0x80, s21, s24, $0xb8;
	[tilespmem:$0xFC00] =	vst v63  }
0xa9: {  	_ =	swait.ge [sflag:s18], $0x1900  }
0xaa: {  	[sflag:s18] =	ssyncset.done $0x0  }
0xab: {  	s23 =	sadd.s32 $0x1880, s22;
	[sflag:s18] =	ssyncadd.s32 $0xFFFFE700  }
0xac: {  	[hbm4b:s23+s3] =	stream.linear.scatter [tilespmem:s1], [sflag:$0x10], $0x1900, $0x38;
	[tilespmem:$0xFC00] =	vst v63  }
0xad: {  	_ =	swait.ge [sflag:s19], $0x1900  }
0xae: {  	s4 =	simm.s32 $0x700;
	[sflag:s19] =	ssyncset.done $0x0  }
0xaf: {  	s21 =	simm.s32 $0x4D0;
	s23 =	sadd.s32 $0x1C00, s22;
	[sflag:s19] =	ssyncadd.s32 $0xFFFFE700  }
.LBB2_2:
0xb0: {  	[tilespmem:s29], [sflag:$0x7] =	stream.indirect.gather [hbm4b:s2+s24], $0x80, s21, s24, $0xb8;
	[tilespmem:$0xFC00] =	vst v63  }
0xb1: {  	s21 =	smov.u32 s4  }
0xb2: {  	p0 =	sne.s32 s4, $0x5B00;
	s4 =	sadd.s32 $0x700, s4;
	_ =	swait.ge [sflag:s5], $0x1900  }
0xb3: {  	[sflag:s5] =	ssyncset.done $0x0  }
0xb4: {  	[sflag:s5] =	ssyncadd.s32 $0xFFFFE700  }
0xb5: {  	[hbm4b:s23+s3] =	stream.linear.scatter [tilespmem:s25], [sflag:$0x9], $0x1900, $0x38;
	[tilespmem:$0xFC00] =	vst v63  }
0xb6: {  	_ =	swait.ge [sflag:s20], $0x1900  }
0xb7: {  	s21 =	sshra.s32 s21, $0x2;
	[sflag:s20] =	ssyncset.done $0x0  }
0xb8: {  	s22 =	sadd.s32 $0x348, s21;
	[sflag:s20] =	ssyncadd.s32 $0xFFFFE700  }
0xb9: {  	[tilespmem:s1], [sflag:$0x8] =	stream.indirect.gather [hbm4b:s2+s24], $0x80, s22, s24, $0xb8;
	[tilespmem:$0xFC00] =	vst v63  }
0xba: {  	_ =	swait.ge [sflag:s6], $0x1900  }
0xbb: {  	[sflag:s6] =	ssyncset.done $0x0  }
0xbc: {  	s22 =	sadd.s32 $0x380, s23;
	[sflag:s6] =	ssyncadd.s32 $0xFFFFE700  }
0xbd: {  	[hbm4b:s22+s3] =	stream.linear.scatter [tilespmem:s28], [sflag:$0xA], $0x1900, $0x38;
	[tilespmem:$0xFC00] =	vst v63  }
0xbe: {  	_ =	swait.ge [sflag:s7], $0x1900  }
0xbf: {  	[sflag:s7] =	ssyncset.done $0x0  }
0xc0: {  	s22 =	sadd.s32 $0x380, s21;
	[sflag:s7] =	ssyncadd.s32 $0xFFFFE700  }
0xc1: {  	[tilespmem:s25], [sflag:$0x1] =	stream.indirect.gather [hbm4b:s2+s24], $0x80, s22, s24, $0xb8;
	[tilespmem:$0xFC00] =	vst v63  }
0xc2: {  	_ =	swait.ge [sflag:s8], $0x1900  }
0xc3: {  	[sflag:s8] =	ssyncset.done $0x0  }
0xc4: {  	s22 =	sadd.s32 $0x700, s23;
	[sflag:s8] =	ssyncadd.s32 $0xFFFFE700  }
0xc5: {  	[hbm4b:s22+s3] =	stream.linear.scatter [tilespmem:s30], [sflag:$0xB], $0x1900, $0x38;
	[tilespmem:$0xFC00] =	vst v63  }
0xc6: {  	_ =	swait.ge [sflag:s9], $0x1900  }
0xc7: {  	[sflag:s9] =	ssyncset.done $0x0  }
0xc8: {  	s22 =	sadd.s32 $0x3B8, s21;
	[sflag:s9] =	ssyncadd.s32 $0xFFFFE700  }
0xc9: {  	[tilespmem:s28], [sflag:$0x2] =	stream.indirect.gather [hbm4b:s2+s24], $0x80, s22, s24, $0xb8;
	[tilespmem:$0xFC00] =	vst v63  }
0xca: {  	_ =	swait.ge [sflag:s10], $0x1900  }
0xcb: {  	[sflag:s10] =	ssyncset.done $0x0  }
0xcc: {  	s22 =	sadd.s32 $0xA80, s23;
	[sflag:s10] =	ssyncadd.s32 $0xFFFFE700  }
0xcd: {  	[hbm4b:s22+s3] =	stream.linear.scatter [tilespmem:s0], [sflag:$0xC], $0x1900, $0x38;
	[tilespmem:$0xFC00] =	vst v63  }
0xce: {  	_ =	swait.ge [sflag:s11], $0x1900  }
0xcf: {  	[sflag:s11] =	ssyncset.done $0x0  }
0xd0: {  	s22 =	sadd.s32 $0x3F0, s21;
	[sflag:s11] =	ssyncadd.s32 $0xFFFFE700  }
0xd1: {  	[tilespmem:s30], [sflag:$0x3] =	stream.indirect.gather [hbm4b:s2+s24], $0x80, s22, s24, $0xb8;
	[tilespmem:$0xFC00] =	vst v63  }
0xd2: {  	_ =	swait.ge [sflag:s12], $0x1900  }
0xd3: {  	[sflag:s12] =	ssyncset.done $0x0  }
0xd4: {  	s22 =	sadd.s32 $0xE00, s23;
	[sflag:s12] =	ssyncadd.s32 $0xFFFFE700  }
0xd5: {  	[hbm4b:s22+s3] =	stream.linear.scatter [tilespmem:s26], [sflag:$0xD], $0x1900, $0x38;
	[tilespmem:$0xFC00] =	vst v63  }
0xd6: {  	_ =	swait.ge [sflag:s13], $0x1900  }
0xd7: {  	[sflag:s13] =	ssyncset.done $0x0  }
0xd8: {  	s22 =	sadd.s32 $0x428, s21;
	[sflag:s13] =	ssyncadd.s32 $0xFFFFE700  }
0xd9: {  	[tilespmem:s0], [sflag:$0x4] =	stream.indirect.gather [hbm4b:s2+s24], $0x80, s22, s24, $0xb8;
	[tilespmem:$0xFC00] =	vst v63  }
0xda: {  	_ =	swait.ge [sflag:s14], $0x1900  }
0xdb: {  	[sflag:s14] =	ssyncset.done $0x0  }
0xdc: {  	s22 =	sadd.s32 $0x1180, s23;
	[sflag:s14] =	ssyncadd.s32 $0xFFFFE700  }
0xdd: {  	[hbm4b:s22+s3] =	stream.linear.scatter [tilespmem:s31], [sflag:$0xE], $0x1900, $0x38;
	[tilespmem:$0xFC00] =	vst v63  }
0xde: {  	_ =	swait.ge [sflag:s15], $0x1900  }
0xdf: {  	[sflag:s15] =	ssyncset.done $0x0  }
0xe0: {  	s22 =	sadd.s32 $0x460, s21;
	[sflag:s15] =	ssyncadd.s32 $0xFFFFE700  }
0xe1: {  	[tilespmem:s26], [sflag:$0x5] =	stream.indirect.gather [hbm4b:s2+s24], $0x80, s22, s24, $0xb8;
	[tilespmem:$0xFC00] =	vst v63  }
0xe2: {  	_ =	swait.ge [sflag:s16], $0x1900  }
0xe3: {  	[sflag:s16] =	ssyncset.done $0x0  }
0xe4: {  	s22 =	sadd.s32 $0x1500, s23;
	[sflag:s16] =	ssyncadd.s32 $0xFFFFE700  }
0xe5: {  	[hbm4b:s22+s3] =	stream.linear.scatter [tilespmem:s29], [sflag:$0xF], $0x1900, $0x38;
	[tilespmem:$0xFC00] =	vst v63  }
0xe6: {  	_ =	swait.ge [sflag:s17], $0x1900  }
0xe7: {  	[sflag:s17] =	ssyncset.done $0x0  }
0xe8: {  	s22 =	sadd.s32 $0x498, s21;
	[sflag:s17] =	ssyncadd.s32 $0xFFFFE700  }
0xe9: {  	[tilespmem:s31], [sflag:$0x6] =	stream.indirect.gather [hbm4b:s2+s24], $0x80, s22, s24, $0xb8;
	[tilespmem:$0xFC00] =	vst v63  }
0xea: {  	_ =	swait.ge [sflag:s18], $0x1900  }
0xeb: {  	[sflag:s18] =	ssyncset.done $0x0  }
.Ltmp0:
0xec: {  	s22 =	sadd.s32 $0x1880, s23;
	[sflag:s18] =	ssyncadd.s32 $0xFFFFE700;
	(pc) =	sbr.rel @p0 .LBB2_2-.Ltmp0, $4  }
0xed: {  	[hbm4b:s22+s3] =	stream.linear.scatter [tilespmem:s1], [sflag:$0x10], $0x1900, $0x38;
	[tilespmem:$0xFC00] =	vst v63  }
0xee: {  	_ =	swait.ge [sflag:s19], $0x1900  }
0xef: {  	[sflag:s19] =	ssyncset.done $0x0  }
0xf0: {  	s21 =	sadd.s32 $0x4D0, s21;
	s23 =	sadd.s32 $0x1C00, s23;
	[sflag:s19] =	ssyncadd.s32 $0xFFFFE700  }
0xf1: {  	[tilespmem:s29], [sflag:$0x7] =	stream.indirect.gather [hbm4b:s2+s24], $0x80, s21, s24, $0xb8;
	[tilespmem:$0xFC00] =	vst v63  }
0xf2: {  	_ =	swait.ge [sflag:s5], $0x1900  }
0xf3: {  	[sflag:s5] =	ssyncset.done $0x0  }
0xf4: {  	s4 =	rddreg [dreg:$0xd];
	[sflag:s5] =	ssyncadd.s32 $0xFFFFE700  }
0xf5: {  	[hbm4b:s4+s3] =	stream.linear.scatter [tilespmem:s25], [sflag:$0x9], $0x1900, $0x38;
	[tilespmem:$0xFC00] =	vst v63  }
0xf6: {  	_ =	swait.ge [sflag:s20], $0x1900  }
0xf7: {  	[sflag:s20] =	ssyncset.done $0x0  }
0xf8: {  	s23 =	simm.s32 $0x1BC8;
	[sflag:s20] =	ssyncadd.s32 $0xFFFFE700  }
0xf9: {  	[tilespmem:s1], [sflag:$0x8] =	stream.indirect.gather [hbm4b:s2+s24], $0x80, s23, s24, $0xb8;
	[tilespmem:$0xFC00] =	vst v63  }
0xfa: {  	_ =	swait.ge [sflag:s6], $0x1900  }
0xfb: {  	[sflag:s6] =	ssyncset.done $0x0  }
0xfc: {  	s21 =	rddreg [dreg:$0xe];
	[sflag:s6] =	ssyncadd.s32 $0xFFFFE700  }
0xfd: {  	[hbm4b:s21+s3] =	stream.linear.scatter [tilespmem:s28], [sflag:$0xA], $0x1900, $0x38;
	[tilespmem:$0xFC00] =	vst v63  }
0xfe: {  	_ =	swait.ge [sflag:s7], $0x1900  }
0xff: {  	[sflag:s7] =	ssyncset.done $0x0  }
0x100: {  	[sflag:s7] =	ssyncadd.s32 $0xFFFFE700  }
0x101: {  	_ =	swait.ge [sflag:s8], $0x1900  }
0x102: {  	[sflag:s8] =	ssyncset.done $0x0  }
0x103: {  	s22 =	rddreg [dreg:$0xf];
	[sflag:s8] =	ssyncadd.s32 $0xFFFFE700  }
0x104: {  	[hbm4b:s22+s3] =	stream.linear.scatter [tilespmem:s30], [sflag:$0xB], $0x1900, $0x38;
	[tilespmem:$0xFC00] =	vst v63  }
0x105: {  	_ =	swait.ge [sflag:s9], $0x1900  }
0x106: {  	[sflag:s9] =	ssyncset.done $0x0  }
0x107: {  	[sflag:s9] =	ssyncadd.s32 $0xFFFFE700  }
0x108: {  	_ =	swait.ge [sflag:s10], $0x1900  }
0x109: {  	[sflag:s10] =	ssyncset.done $0x0  }
0x10a: {  	s23 =	rddreg [dreg:$0x10];
	[sflag:s10] =	ssyncadd.s32 $0xFFFFE700  }
0x10b: {  	[hbm4b:s23+s3] =	stream.linear.scatter [tilespmem:s0], [sflag:$0xC], $0x1900, $0x38;
	[tilespmem:$0xFC00] =	vst v63  }
0x10c: {  	_ =	swait.ge [sflag:s11], $0x1900  }
0x10d: {  	[sflag:s11] =	ssyncset.done $0x0  }
0x10e: {  	[sflag:s11] =	ssyncadd.s32 $0xFFFFE700  }
0x10f: {  	_ =	swait.ge [sflag:s12], $0x1900  }
0x110: {  	[sflag:s12] =	ssyncset.done $0x0  }
0x111: {  	s21 =	rddreg [dreg:$0x11];
	[sflag:s12] =	ssyncadd.s32 $0xFFFFE700  }
0x112: {  	[hbm4b:s21+s3] =	stream.linear.scatter [tilespmem:s26], [sflag:$0xD], $0x1900, $0x38;
	[tilespmem:$0xFC00] =	vst v63  }
0x113: {  	_ =	swait.ge [sflag:s13], $0x1900  }
0x114: {  	[sflag:s13] =	ssyncset.done $0x0  }
0x115: {  	[sflag:s13] =	ssyncadd.s32 $0xFFFFE700  }
0x116: {  	_ =	swait.ge [sflag:s14], $0x1900  }
0x117: {  	[sflag:s14] =	ssyncset.done $0x0  }
0x118: {  	s22 =	rddreg [dreg:$0x12];
	[sflag:s14] =	ssyncadd.s32 $0xFFFFE700  }
0x119: {  	[hbm4b:s22+s3] =	stream.linear.scatter [tilespmem:s31], [sflag:$0xE], $0x1900, $0x38;
	[tilespmem:$0xFC00] =	vst v63  }
0x11a: {  	_ =	swait.ge [sflag:s15], $0x1900  }
0x11b: {  	[sflag:s15] =	ssyncset.done $0x0  }
0x11c: {  	[sflag:s15] =	ssyncadd.s32 $0xFFFFE700  }
0x11d: {  	_ =	swait.ge [sflag:s16], $0x1900  }
0x11e: {  	[sflag:s16] =	ssyncset.done $0x0  }
0x11f: {  	s23 =	rddreg [dreg:$0x13];
	[sflag:s16] =	ssyncadd.s32 $0xFFFFE700  }
0x120: {  	[hbm4b:s23+s3] =	stream.linear.scatter [tilespmem:s29], [sflag:$0xF], $0x1900, $0x38;
	[tilespmem:$0xFC00] =	vst v63  }
0x121: {  	_ =	swait.ge [sflag:s17], $0x1900  }
0x122: {  	[sflag:s17] =	ssyncset.done $0x0  }
0x123: {  	[sflag:s17] =	ssyncadd.s32 $0xFFFFE700  }
0x124: {  	_ =	swait.ge [sflag:s18], $0x1900  }
0x125: {  	[sflag:s18] =	ssyncset.done $0x0  }
0x126: {  	s21 =	rddreg [dreg:$0x14];
	[sflag:s18] =	ssyncadd.s32 $0xFFFFE700  }
0x127: {  	[hbm4b:s21+s3] =	stream.linear.scatter [tilespmem:s1], [sflag:$0x10], $0x1900, $0x38;
	[tilespmem:$0xFC00] =	vst v63  }
0x128: {  	_ =	swait.ge [sflag:s19], $0x1900  }
0x129: {  	[sflag:s19] =	ssyncset.done $0x0  }
0x12a: {  	[sflag:s19] =	ssyncadd.s32 $0xFFFFE700  }
0x12b: {  	_ =	swait.ge [sflag:s20], $0x1900  }
0x12c: {  	s22 =	rddreg [dreg:$0x17]  }
0x12d: {  	s23 =	rddreg [dreg:$0x15];
	s21 =	sadd.s32 $0x1, s22  }
0x12e: {  	p0 =	sne.s32 s21, s23  }
.Ltmp1:
0x12f: {  	_ = 	snop;
	(pc) =	sbr.rel @p0 .LBB2_1-.Ltmp1, $3  }
0x130: {  	_ =	sdelay $0x1  }
0x131: {  	[sflag:s20] =	ssyncset.done $0x0  }
0x132: {  	[sflag:s20] =	ssyncadd.s32 $0xFFFFE700  }
0x133: {  	_ =	sfence.sel $0x180000  }
0x134: {  	[bflag:$0x0] =	sbarrier.arrive $0xFFFF  }
0x135: {  	_ =	strace $0x90000047  }
0x136: {  	s0 =	stileid.u32;
	[bflag:$0x2] =	sbarrier.arrive $0xFFFF  }
0x137: {  	p0 =	sne.s32 s0, $0x0;
	s0 =	rddreg [dreg:$0x3]  }
0x138: {  	s0 =	sadd.s32 @!p0 $0x100000, s0  }
0x139: {  	[sflag:s0] =	ssyncadd.tile.s32 @!p0 $0x1;
	_ =	shalt  }
.Lfunc_end2:
_tile_overlayer_lowered:
.L_overlay_start_2:
0x13a: {  	(tag) =	ssettag $0x2  }
0x13b: {  	s0 =	rddreg [dreg:$0x0];
	s2 =	stileid.u32  }
0x13c: {  	s1 =	rddreg [dreg:$0x1];
	p0 =	sne.s32 s2, $0x0  }
0x13d: {  	s3 =	rddreg [dreg:$0x2];
	[bflag:$0x3] =	sbarrier.arrive $0xFFFF;
	s2 =	simm.s32 @!p0 $0x1C11  }
0x13e: {  	[timem:s3], [sflag:s2] =	dma.local @!p0 [hbm:s0], s1  }
0x13f: {  	s0 =	simm.s32 @!p0 $0x11  }
0x140: {  	_ =	swait.ge @!p0 [sflag:s0], s1  }
0x141: {  	s1 =	ssub.s32 @!p0 $0x0, s1;
	[sflag:s0] =	ssyncset.done @!p0 $0x0  }
0x142: {  	[sflag:s0] =	ssyncadd.s32 @!p0 s1  }
0x143: {  	[bflag:$0x3] =	sbarrier.arrive $0xFFFF  }
0x144: {  	_ =	shalt  }

</sc_bundles>
